<compile_context>
chip_gen: v7x
topology: tpu7x:2x2x1
jax: 0.10.2.dev20260603
libtpu: 0.0.44.dev20260713+nightly
codegen_flags: <defaults>
</compile_context>

<pallas_src>
import functools

import jax
import jax.numpy as jnp
from jax import lax
from jax.experimental import pallas as pl
from jax.experimental.pallas import tpu as pltpu
from jax.experimental.pallas import tpu_sc as plsc

B = 8
N = 4096
K = 5
LOCAL = 10
BINS = 80
R = 256
PS, PL = 256, 128
SWEEPS = 4


def _knn_kernel(pts_ref, ptsT_ref, idx_ref, nbh_ref):
    xi = [pts_ref[0, :, d].reshape(R, 1) for d in range(3)]
    xj = [ptsT_ref[0, d, :].reshape(1, N) for d in range(3)]
    d2 = None
    for d in range(3):
        df = xi[d] - xj[d]
        sq = df * df
        d2 = sq if d2 is None else d2 + sq
    iota = jax.lax.broadcasted_iota(jnp.int32, (R, N), 1)
    idx_cols = []
    nbh_cols = []
    for _ in range(K):
        minv = jnp.min(d2, axis=1, keepdims=True)
        cand = jnp.where(d2 == minv, iota, N)
        imin = jnp.min(cand, axis=1, keepdims=True)
        onehot = iota == imin
        for d in range(3):
            nbh_cols.append(
                jnp.sum(jnp.where(onehot, xj[d], 0.0), axis=1, keepdims=True)
            )
        idx_cols.append(imin)
        d2 = jnp.where(onehot, jnp.float32(jnp.inf), d2)
    idx_ref[0] = jnp.concatenate(idx_cols, axis=1)
    nbh_ref[0] = jnp.concatenate(nbh_cols, axis=1)


def _jacobi_rotate(a, v, p, q):
    app, aqq, apq = a[p][p], a[q][q], a[p][q]
    tau = (aqq - app) / (2.0 * apq)
    t = jnp.sign(tau) / (jnp.abs(tau) + jnp.sqrt(1.0 + tau * tau))
    t = jnp.where(apq == 0.0, 0.0, t)
    c = 1.0 / jnp.sqrt(1.0 + t * t)
    s = t * c
    for i in range(3):
        bp = c * a[i][p] - s * a[i][q]
        bq = s * a[i][p] + c * a[i][q]
        a[i][p], a[i][q] = bp, bq
    for j in range(3):
        bp = c * a[p][j] - s * a[q][j]
        bq = s * a[p][j] + c * a[q][j]
        a[p][j], a[q][j] = bp, bq
    for i in range(3):
        bp = c * v[i][p] - s * v[i][q]
        bq = s * v[i][p] + c * v[i][q]
        v[i][p], v[i][q] = bp, bq


def _bf(x):
    return x.astype(jnp.bfloat16).astype(jnp.float32)


def _lrf_kernel(nbhT_ref, sid_ref, nrm_ref):
    nb = [nbhT_ref[c] for c in range(3 * K)]
    inv_k = jnp.float32(0.2)
    mu = []
    for d in range(3):
        s = nb[d]
        for k in range(1, K):
            s = s + nb[k * 3 + d]
        mu.append(s * inv_k)
    diff = [[_bf(nb[k * 3 + d] - mu[d]) for d in range(3)] for k in range(K)]
    cov = {}
    for i in range(3):
        for j in range(i, 3):
            s = diff[0][i] * diff[0][j]
            for k in range(1, K):
                s = s + diff[k][i] * diff[k][j]
            cov[(i, j)] = s * inv_k
    a = [[cov[(min(i, j), max(i, j))] for j in range(3)] for i in range(3)]
    one = jnp.ones_like(a[0][0])
    zero = jnp.zeros_like(a[0][0])
    v = [[one if i == j else zero for j in range(3)] for i in range(3)]
    for _ in range(SWEEPS):
        _jacobi_rotate(a, v, 0, 2)
        _jacobi_rotate(a, v, 2, 1)
        _jacobi_rotate(a, v, 0, 1)
    e = [a[0][0], a[1][1], a[2][2]]
    cols = [[v[i][j] for i in range(3)] for j in range(3)]

    def cswap(j0, j1):
        swap = e[j1] < e[j0]
        e0 = jnp.where(swap, e[j1], e[j0])
        e1 = jnp.where(swap, e[j0], e[j1])
        e[j0], e[j1] = e0, e1
        for i in range(3):
            x0, x1 = cols[j0][i], cols[j1][i]
            cols[j0][i] = jnp.where(swap, x1, x0)
            cols[j1][i] = jnp.where(swap, x0, x1)

    cswap(0, 1)
    cswap(1, 2)
    cswap(0, 1)

    nb_bf = [_bf(x) for x in nb]
    cols_bf = [[_bf(cols[j][i]) for i in range(3)] for j in range(3)]
    for k in range(K):
        bits = []
        for d in range(3):
            p = nb_bf[k * 3 + 0] * cols_bf[d][0]
            p = p + nb_bf[k * 3 + 1] * cols_bf[d][1]
            p = p + nb_bf[k * 3 + 2] * cols_bf[d][2]
            bits.append((p >= 0.0).astype(jnp.int32))
        sid_ref[k] = bits[0] * 4 + bits[1] * 2 + bits[2]
    for i in range(3):
        nrm_ref[i] = cols[0][i]


def _sc_gather_normals(tab, idx_flat):
    info = plsc.get_sparse_core_info()
    nw = info.num_cores * info.num_subcores
    btot = idx_flat.shape[0]
    b_per_w = btot // nw
    per_cloud = N * K
    npts = B * N
    mesh = plsc.VectorSubcoreMesh(core_axis_name="c", subcore_axis_name="s")

    @functools.partial(
        pl.kernel,
        mesh=mesh,
        compiler_params=pltpu.CompilerParams(needs_layout_passes=False),
        out_type=jax.ShapeDtypeStruct((3 * btot,), jnp.float32),
        scratch_types=[
            pltpu.VMEM((b_per_w,), jnp.int32),
            pltpu.VMEM((N,), jnp.float32),
            pltpu.VMEM((N,), jnp.float32),
            pltpu.VMEM((N,), jnp.float32),
            pltpu.VMEM((b_per_w,), jnp.float32),
            pltpu.VMEM((b_per_w,), jnp.float32),
            pltpu.VMEM((b_per_w,), jnp.float32),
        ],
    )
    def k(tab_hbm, idx_hbm, out_hbm, idx_v, t0, t1, t2, o0, o1, o2):
        wid = lax.axis_index("s") * info.num_cores + lax.axis_index("c")
        base = wid * b_per_w
        cloud = base // per_cloud
        pltpu.sync_copy(idx_hbm.at[pl.ds(base, b_per_w)], idx_v)
        tv = (t0, t1, t2)
        ov = (o0, o1, o2)
        for d in range(3):
            pltpu.sync_copy(tab_hbm.at[pl.ds(d * npts + cloud * N, N)], tv[d])

        @pl.loop(0, b_per_w // 16)
        def body(i):
            idx_vec = idx_v[pl.ds(i * 16, 16)]
            for d in range(3):
                ov[d][pl.ds(i * 16, 16)] = plsc.load_gather(tv[d], [idx_vec])
        for d in range(3):
            pltpu.sync_copy(ov[d], out_hbm.at[pl.ds(d * btot + base, b_per_w)])

    return k(tab, idx_flat)


def _hist_kernel(nrm_ref, nbn_ref, sid_ref, out_ref):
    ni = [nrm_ref[0, :, d].reshape(R, 1) for d in range(3)]
    iota80 = jax.lax.broadcasted_iota(jnp.int32, (R, BINS), 1)
    acc = jnp.zeros((R, BINS), jnp.float32)
    for k in range(K):
        bn = [nbn_ref[0, :, k * 3 + d].reshape(R, 1) for d in range(3)]
        cosk = ni[0] * bn[0]
        cosk = cosk + ni[1] * bn[1]
        cosk = cosk + ni[2] * bn[2]
        nid = jnp.clip(jnp.floor(LOCAL * (cosk + 1.0) / 2.0), 0.0, LOCAL - 1.0)
        sidk = sid_ref[0, :, k].reshape(R, 1)
        binid = (sidk.astype(jnp.float32) * LOCAL + nid).astype(jnp.int32)
        acc = acc + (iota80 == binid).astype(jnp.float32)
    out_ref[0] = acc


def kernel(points, batch):
    pts = points.reshape(B, N, 3)
    ptsT = pts.transpose(0, 2, 1)
    idx, nbh = pl.pallas_call(
        _knn_kernel,
        grid=(B, N // R),
        in_specs=[
            pl.BlockSpec((1, R, 3), lambda b, i: (b, i, 0)),
            pl.BlockSpec((1, 3, N), lambda b, i: (b, 0, 0)),
        ],
        out_specs=[
            pl.BlockSpec((1, R, K), lambda b, i: (b, i, 0)),
            pl.BlockSpec((1, R, 3 * K), lambda b, i: (b, i, 0)),
        ],
        out_shape=[
            jax.ShapeDtypeStruct((B, N, K), jnp.int32),
            jax.ShapeDtypeStruct((B, N, 3 * K), jnp.float32),
        ],
    )(pts, ptsT)

    nbhT = nbh.reshape(B * N, 3 * K).T.reshape(3 * K, PS, PL)
    sidT, nrmT_flat = pl.pallas_call(
        _lrf_kernel,
        out_shape=[
            jax.ShapeDtypeStruct((K, PS, PL), jnp.int32),
            jax.ShapeDtypeStruct((3, PS, PL), jnp.float32),
        ],
    )(nbhT)

    sid = sidT.reshape(K, B, N).transpose(1, 2, 0)
    nrm = nrmT_flat.reshape(3, B, N).transpose(1, 2, 0)

    nbnT = _sc_gather_normals(
        nrmT_flat.reshape(3 * B * N), idx.reshape(B * N * K)
    )
    nbn = nbnT.reshape(3, B, N, K).transpose(1, 2, 3, 0).reshape(B, N, 3 * K)

    out = pl.pallas_call(
        _hist_kernel,
        grid=(B, N // R),
        in_specs=[
            pl.BlockSpec((1, R, 3), lambda b, i: (b, i, 0)),
            pl.BlockSpec((1, R, 3 * K), lambda b, i: (b, i, 0)),
            pl.BlockSpec((1, R, K), lambda b, i: (b, i, 0)),
        ],
        out_specs=pl.BlockSpec((1, R, BINS), lambda b, i: (b, i, 0)),
        out_shape=jax.ShapeDtypeStruct((B, N, BINS), jnp.float32),
    )(nrm, nbn, sid)
    return out.reshape(B * N, BINS)

# --- scband reference (transcript-rebuilt; emitter-appended) ---
"""Pipeline reference for scband-shotdescriptor-24945170055733 (READ-ONLY COPY).

The authoritative reference and input builder live on the scoring server;
editing this copy changes nothing except your own understanding.
"""

import jax, jax.numpy as jnp
import numpy as np

B = 8
N = 4096
K = 5
LOCAL_BINS = 10
TOTAL_BINS = 80


def setup_inputs(seed: int = 0) -> dict:
    key = jax.random.key(seed)
    points = jax.random.normal(key, (B * N, 3), dtype=jnp.float32)
    # equal-length clouds: sorted segment ids 0..B-1, N points each
    batch = jnp.repeat(jnp.arange(B, dtype=jnp.int32), N)
    return {"points": points, "batch": batch}


def _forward(points):
    pts = points.reshape(B, N, 3)

    def per_cloud(cloud):
        # knn_points: K nearest (self included, dist 0 first)
        d2 = jnp.sum((cloud[:, None, :] - cloud[None, :, :]) ** 2, axis=-1)
        neg_d2, idx = jax.lax.top_k(-d2, K)
        nbh = jnp.take(cloud, idx, axis=0)  # [N, K, 3]
        # estimate_pointcloud_local_coord_frames: per-point covariance eigh
        mu = jnp.mean(nbh, axis=1, keepdims=True)
        diff = nbh - mu
        cov = jnp.einsum('nki,nkj->nij', diff, diff) / K
        evals, evecs = jnp.linalg.eigh(cov)  # ascending evals, evecs in columns
        return idx, nbh, evecs

    idx, nbh, lrfs = jax.lax.map(per_cloud, pts)
    # nbh_proj = nbh @ lrfs : [B,N,K,3] @ [B,N,3,3]
    nbh_proj = jnp.einsum('bnkc,bncd->bnkd', nbh, lrfs)
    ux = (nbh_proj[..., 0] >= 0).astype(jnp.int32)
    uy = (nbh_proj[..., 1] >= 0).astype(jnp.int32)
    uz = (nbh_proj[..., 2] >= 0).astype(jnp.int32)
    spatial_id = (ux << 2) + (uy << 1) + uz  # [B,N,K] in [0,8)
    normals = lrfs[..., 0]  # smallest-eigenvalue eigenvector column -> normal [B,N,3]
    # torch.gather of expanded normals == gather normals by neighbor index
    nbh_normals = jax.vmap(lambda nrm, ix: jnp.take(nrm, ix, axis=0))(normals, idx)  # [B,N,K,3]
    cos = jnp.sum(normals[:, :, None, :] * nbh_normals, axis=-1)  # [B,N,K]
    normal_id = jnp.clip(jnp.floor(LOCAL_BINS * (cos + 1.0) / 2.0), 0.0, LOCAL_BINS - 1.0)
    bin_id = (spatial_id.astype(jnp.float32) * LOCAL_BINS + normal_id).astype(jnp.int32)
    # scatter_add of ones into per-point histogram of size TOTAL_BINS
    flat = bin_id.reshape(B * N, K)
    offs = jnp.arange(B * N, dtype=jnp.int32)[:, None] * TOTAL_BINS
    ids = (flat + offs).reshape(-1)
    desc = jnp.zeros(B * N * TOTAL_BINS, dtype=jnp.float32).at[ids].add(1.0)
    shot = desc.reshape(B * N, TOTAL_BINS)
    return shot


def reference(points, batch):
    # equal-length clouds: concat of per-cloud descriptors == flat reshape
    return _forward(points)

if __name__ == "__main__":
    import jax
    _d = setup_inputs()
    print(jax.jit(kernel)(*tuple(_d.values())))

</pallas_src>

<mosaic_0001>
#map = affine_map<(d0, d1) -> (0)>
module attributes {stable_mosaic.version = 14 : i64} {
  func.func @k(%arg0: i32, %arg1: i32, %arg2: memref<98304xf32, #tpu.memory_space<hbm>>, %arg3: memref<163840xi32, #tpu.memory_space<hbm>>, %arg4: memref<491520xf32, #tpu.memory_space<hbm>>, %arg5: memref<5120xi32, #tpu.memory_space<vmem>>, %arg6: memref<4096xf32, #tpu.memory_space<vmem>>, %arg7: memref<4096xf32, #tpu.memory_space<vmem>>, %arg8: memref<4096xf32, #tpu.memory_space<vmem>>, %arg9: memref<5120xf32, #tpu.memory_space<vmem>>, %arg10: memref<5120xf32, #tpu.memory_space<vmem>>, %arg11: memref<5120xf32, #tpu.memory_space<vmem>>) attributes {dimension_semantics = [#tpu.dimension_semantics<core_parallel>, #tpu.dimension_semantics<subcore_parallel>], iteration_bounds = array<i64: 2, 16>, scalar_prefetch = 0 : i64, scratch_operands = 7 : i64, tpu.core_type = #tpu.core_type<sc_vector_subcore>, window_params = [{transform_indices = #map}, {transform_indices = #map}, {transform_indices = #map}]} {
    %mul3A = arith.constant 2 : i32
    %mul3A_0 = arith.muli %arg1, %mul3A : i32
    %add3A = arith.addi %mul3A_0, %arg0 : i32
    %mul3A_1 = arith.constant 5120 : i32
    %mul3A_2 = arith.muli %add3A, %mul3A_1 : i32
    %jit3A = arith.constant 20480 : i32
    %div3A = arith.divsi %mul3A_2, %jit3A : i32
    %sign3A = arith.constant 0 : i32
    %sign3A_3 = arith.cmpi sgt, %mul3A_2, %sign3A : i32
    %sign3A_4 = arith.extui %sign3A_3 : i1 to i32
    %sign3A_5 = arith.constant 0 : i32
    %sign3A_6 = arith.cmpi slt, %mul3A_2, %sign3A_5 : i32
    %sign3A_7 = arith.extui %sign3A_6 : i1 to i32
    %sign3A_8 = arith.subi %sign3A_4, %sign3A_7 : i32
    %sign3A_9 = arith.constant 0 : i32
    %sign3A_10 = arith.cmpi sgt, %jit3A, %sign3A_9 : i32
    %sign3A_11 = arith.extui %sign3A_10 : i1 to i32
    %sign3A_12 = arith.constant 0 : i32
    %sign3A_13 = arith.cmpi slt, %jit3A, %sign3A_12 : i32
    %sign3A_14 = arith.extui %sign3A_13 : i1 to i32
    %sign3A_15 = arith.subi %sign3A_11, %sign3A_14 : i32
    %ne3A = arith.cmpi ne, %sign3A_8, %sign3A_15 : i32
    %rem3A = arith.remsi %mul3A_2, %jit3A : i32
    %ne3A_16 = arith.constant 0 : i32
    %ne3A_17 = arith.cmpi ne, %rem3A, %ne3A_16 : i32
    %and3A = arith.andi %ne3A, %ne3A_17 : i1
    %sub3A = arith.constant 1 : i32
    %sub3A_18 = arith.subi %div3A, %sub3A : i32
    %select_n3A = arith.select %and3A, %sub3A_18, %div3A : i32
    "tpu.region"() ({
      %run_scoped3A = tpu.sem_alloc : memref<!tpu.dma_semaphore, #tpu.memory_space<semaphore_mem>>
      %dma_start3A = tpu.memref_slice %arg3[%mul3A_2] : memref<163840xi32, #tpu.memory_space<hbm>> -> memref<5120xi32, #tpu.memory_space<hbm>>
      %dma_start3A_41 = tpu.memref_slice %arg3[%mul3A_2] : memref<163840xi32, #tpu.memory_space<hbm>> -> memref<5120xi32, #tpu.memory_space<hbm>>
      tpu.enqueue_dma source(%dma_start3A_41 : memref<5120xi32, #tpu.memory_space<hbm>>) target(%arg5 : memref<5120xi32, #tpu.memory_space<vmem>>) target_semaphore(%run_scoped3A : memref<!tpu.dma_semaphore, #tpu.memory_space<semaphore_mem>>)
      %dma_wait3A = tpu.memref_slice %arg3[%mul3A_2] : memref<163840xi32, #tpu.memory_space<hbm>> -> memref<5120xi32, #tpu.memory_space<hbm>>
      %dma_wait3A_42 = tpu.memref_slice %arg3[%mul3A_2] : memref<163840xi32, #tpu.memory_space<hbm>> -> memref<5120xi32, #tpu.memory_space<hbm>>
      tpu.wait_dma2 semaphore(%run_scoped3A : memref<!tpu.dma_semaphore, #tpu.memory_space<semaphore_mem>>) src(%dma_wait3A_42 : memref<5120xi32, #tpu.memory_space<hbm>>) dst(%arg5 : memref<5120xi32, #tpu.memory_space<vmem>>)
      tpu.yield
    }) : () -> ()
    %mul3A_19 = arith.constant 4096 : i32
    %mul3A_20 = arith.muli %select_n3A, %mul3A_19 : i32
    %add3A_21 = arith.constant 0 : i32
    %add3A_22 = arith.addi %add3A_21, %mul3A_20 : i32
    "tpu.region"() ({
      %run_scoped3A = tpu.sem_alloc : memref<!tpu.dma_semaphore, #tpu.memory_space<semaphore_mem>>
      %dma_start3A = tpu.memref_slice %arg2[%add3A_22] : memref<98304xf32, #tpu.memory_space<hbm>> -> memref<4096xf32, #tpu.memory_space<hbm>>
      %dma_start3A_41 = tpu.memref_slice %arg2[%add3A_22] : memref<98304xf32, #tpu.memory_space<hbm>> -> memref<4096xf32, #tpu.memory_space<hbm>>
      tpu.enqueue_dma source(%dma_start3A_41 : memref<4096xf32, #tpu.memory_space<hbm>>) target(%arg6 : memref<4096xf32, #tpu.memory_space<vmem>>) target_semaphore(%run_scoped3A : memref<!tpu.dma_semaphore, #tpu.memory_space<semaphore_mem>>)
      %dma_wait3A = tpu.memref_slice %arg2[%add3A_22] : memref<98304xf32, #tpu.memory_space<hbm>> -> memref<4096xf32, #tpu.memory_space<hbm>>
      %dma_wait3A_42 = tpu.memref_slice %arg2[%add3A_22] : memref<98304xf32, #tpu.memory_space<hbm>> -> memref<4096xf32, #tpu.memory_space<hbm>>
      tpu.wait_dma2 semaphore(%run_scoped3A : memref<!tpu.dma_semaphore, #tpu.memory_space<semaphore_mem>>) src(%dma_wait3A_42 : memref<4096xf32, #tpu.memory_space<hbm>>) dst(%arg6 : memref<4096xf32, #tpu.memory_space<vmem>>)
      tpu.yield
    }) : () -> ()
    %mul3A_23 = arith.constant 4096 : i32
    %mul3A_24 = arith.muli %select_n3A, %mul3A_23 : i32
    %add3A_25 = arith.constant 32768 : i32
    %add3A_26 = arith.addi %add3A_25, %mul3A_24 : i32
    "tpu.region"() ({
      %run_scoped3A = tpu.sem_alloc : memref<!tpu.dma_semaphore, #tpu.memory_space<semaphore_mem>>
      %dma_start3A = tpu.memref_slice %arg2[%add3A_26] : memref<98304xf32, #tpu.memory_space<hbm>> -> memref<4096xf32, #tpu.memory_space<hbm>>
      %dma_start3A_41 = tpu.memref_slice %arg2[%add3A_26] : memref<98304xf32, #tpu.memory_space<hbm>> -> memref<4096xf32, #tpu.memory_space<hbm>>
      tpu.enqueue_dma source(%dma_start3A_41 : memref<4096xf32, #tpu.memory_space<hbm>>) target(%arg7 : memref<4096xf32, #tpu.memory_space<vmem>>) target_semaphore(%run_scoped3A : memref<!tpu.dma_semaphore, #tpu.memory_space<semaphore_mem>>)
      %dma_wait3A = tpu.memref_slice %arg2[%add3A_26] : memref<98304xf32, #tpu.memory_space<hbm>> -> memref<4096xf32, #tpu.memory_space<hbm>>
      %dma_wait3A_42 = tpu.memref_slice %arg2[%add3A_26] : memref<98304xf32, #tpu.memory_space<hbm>> -> memref<4096xf32, #tpu.memory_space<hbm>>
      tpu.wait_dma2 semaphore(%run_scoped3A : memref<!tpu.dma_semaphore, #tpu.memory_space<semaphore_mem>>) src(%dma_wait3A_42 : memref<4096xf32, #tpu.memory_space<hbm>>) dst(%arg7 : memref<4096xf32, #tpu.memory_space<vmem>>)
      tpu.yield
    }) : () -> ()
    %mul3A_27 = arith.constant 4096 : i32
    %mul3A_28 = arith.muli %select_n3A, %mul3A_27 : i32
    %add3A_29 = arith.constant 65536 : i32
    %add3A_30 = arith.addi %add3A_29, %mul3A_28 : i32
    "tpu.region"() ({
      %run_scoped3A = tpu.sem_alloc : memref<!tpu.dma_semaphore, #tpu.memory_space<semaphore_mem>>
      %dma_start3A = tpu.memref_slice %arg2[%add3A_30] : memref<98304xf32, #tpu.memory_space<hbm>> -> memref<4096xf32, #tpu.memory_space<hbm>>
      %dma_start3A_41 = tpu.memref_slice %arg2[%add3A_30] : memref<98304xf32, #tpu.memory_space<hbm>> -> memref<4096xf32, #tpu.memory_space<hbm>>
      tpu.enqueue_dma source(%dma_start3A_41 : memref<4096xf32, #tpu.memory_space<hbm>>) target(%arg8 : memref<4096xf32, #tpu.memory_space<vmem>>) target_semaphore(%run_scoped3A : memref<!tpu.dma_semaphore, #tpu.memory_space<semaphore_mem>>)
      %dma_wait3A = tpu.memref_slice %arg2[%add3A_30] : memref<98304xf32, #tpu.memory_space<hbm>> -> memref<4096xf32, #tpu.memory_space<hbm>>
      %dma_wait3A_42 = tpu.memref_slice %arg2[%add3A_30] : memref<98304xf32, #tpu.memory_space<hbm>> -> memref<4096xf32, #tpu.memory_space<hbm>>
      tpu.wait_dma2 semaphore(%run_scoped3A : memref<!tpu.dma_semaphore, #tpu.memory_space<semaphore_mem>>) src(%dma_wait3A_42 : memref<4096xf32, #tpu.memory_space<hbm>>) dst(%arg8 : memref<4096xf32, #tpu.memory_space<vmem>>)
      tpu.yield
    }) : () -> ()
    %scan3A = arith.constant 0 : i32
    %scan3A_31 = arith.constant 320 : i32
    %scan3A_32 = arith.addi %scan3A, %scan3A_31 : i32
    %scan3A_33 = arith.constant 1 : i32
    scf.for %scan3A_41 = %scan3A to %scan3A_32 step %scan3A_33  : i32 {
      %mul3A_42 = arith.constant 1 : i32
      %mul3A_43 = arith.muli %scan3A_41, %mul3A_42 : i32
      %add3A_44 = arith.constant 0 : i32
      %add3A_45 = arith.addi %add3A_44, %mul3A_43 : i32
      %mul3A_46 = arith.constant 16 : i32
      %mul3A_47 = arith.muli %add3A_45, %mul3A_46 : i32
      %get3A = arith.index_cast %mul3A_47 : i32 to index
      %get3A_48 = tpu.vector_load %arg5[%get3A] {strides = array<i32>} : memref<5120xi32, #tpu.memory_space<vmem>>, vector<16xi32>,
      %gather3A = tpu.vector_load_idx %arg6[%get3A_48] : memref<4096xf32, #tpu.memory_space<vmem>>[vector<16xi32>], vector<16xf32>,
      %mul3A_49 = arith.constant 16 : i32
      %mul3A_50 = arith.muli %add3A_45, %mul3A_49 : i32
      %swap3A = arith.index_cast %mul3A_50 : i32 to index
      %swap3A_51 = tpu.vector_load %arg9[%swap3A] {strides = array<i32>} : memref<5120xf32, #tpu.memory_space<vmem>>, vector<16xf32>,
      tpu.vector_store %arg9[%swap3A], %gather3A {strides = array<i32>} : memref<5120xf32, #tpu.memory_space<vmem>>, vector<16xf32>,
      %gather3A_52 = tpu.vector_load_idx %arg7[%get3A_48] : memref<4096xf32, #tpu.memory_space<vmem>>[vector<16xi32>], vector<16xf32>,
      %mul3A_53 = arith.constant 16 : i32
      %mul3A_54 = arith.muli %add3A_45, %mul3A_53 : i32
      %swap3A_55 = arith.index_cast %mul3A_54 : i32 to index
      %swap3A_56 = tpu.vector_load %arg10[%swap3A_55] {strides = array<i32>} : memref<5120xf32, #tpu.memory_space<vmem>>, vector<16xf32>,
      tpu.vector_store %arg10[%swap3A_55], %gather3A_52 {strides = array<i32>} : memref<5120xf32, #tpu.memory_space<vmem>>, vector<16xf32>,
      %gather3A_57 = tpu.vector_load_idx %arg8[%get3A_48] : memref<4096xf32, #tpu.memory_space<vmem>>[vector<16xi32>], vector<16xf32>,
      %mul3A_58 = arith.constant 16 : i32
      %mul3A_59 = arith.muli %add3A_45, %mul3A_58 : i32
      %swap3A_60 = arith.index_cast %mul3A_59 : i32 to index
      %swap3A_61 = tpu.vector_load %arg11[%swap3A_60] {strides = array<i32>} : memref<5120xf32, #tpu.memory_space<vmem>>, vector<16xf32>,
      tpu.vector_store %arg11[%swap3A_60], %gather3A_57 {strides = array<i32>} : memref<5120xf32, #tpu.memory_space<vmem>>, vector<16xf32>,
    }
    %scan3A_34 = arith.constant 320 : i32
    %add3A_35 = arith.constant 0 : i32
    %add3A_36 = arith.addi %add3A_35, %mul3A_2 : i32
    "tpu.region"() ({
      %run_scoped3A = tpu.sem_alloc : memref<!tpu.dma_semaphore, #tpu.memory_space<semaphore_mem>>
      %dma_start3A = tpu.memref_slice %arg4[%add3A_36] : memref<491520xf32, #tpu.memory_space<hbm>> -> memref<5120xf32, #tpu.memory_space<hbm>>
      %dma_start3A_41 = tpu.memref_slice %arg4[%add3A_36] : memref<491520xf32, #tpu.memory_space<hbm>> -> memref<5120xf32, #tpu.memory_space<hbm>>
      tpu.enqueue_dma source(%arg9 : memref<5120xf32, #tpu.memory_space<vmem>>) target(%dma_start3A_41 : memref<5120xf32, #tpu.memory_space<hbm>>) target_semaphore(%run_scoped3A : memref<!tpu.dma_semaphore, #tpu.memory_space<semaphore_mem>>)
      %dma_wait3A = tpu.memref_slice %arg4[%add3A_36] : memref<491520xf32, #tpu.memory_space<hbm>> -> memref<5120xf32, #tpu.memory_space<hbm>>
      %dma_wait3A_42 = tpu.memref_slice %arg4[%add3A_36] : memref<491520xf32, #tpu.memory_space<hbm>> -> memref<5120xf32, #tpu.memory_space<hbm>>
      tpu.wait_dma2 semaphore(%run_scoped3A : memref<!tpu.dma_semaphore, #tpu.memory_space<semaphore_mem>>) src(%arg9 : memref<5120xf32, #tpu.memory_space<vmem>>) dst(%dma_wait3A_42 : memref<5120xf32, #tpu.memory_space<hbm>>)
      tpu.yield
    }) : () -> ()
    %add3A_37 = arith.constant 163840 : i32
    %add3A_38 = arith.addi %add3A_37, %mul3A_2 : i32
    "tpu.region"() ({
      %run_scoped3A = tpu.sem_alloc : memref<!tpu.dma_semaphore, #tpu.memory_space<semaphore_mem>>
      %dma_start3A = tpu.memref_slice %arg4[%add3A_38] : memref<491520xf32, #tpu.memory_space<hbm>> -> memref<5120xf32, #tpu.memory_space<hbm>>
      %dma_start3A_41 = tpu.memref_slice %arg4[%add3A_38] : memref<491520xf32, #tpu.memory_space<hbm>> -> memref<5120xf32, #tpu.memory_space<hbm>>
      tpu.enqueue_dma source(%arg10 : memref<5120xf32, #tpu.memory_space<vmem>>) target(%dma_start3A_41 : memref<5120xf32, #tpu.memory_space<hbm>>) target_semaphore(%run_scoped3A : memref<!tpu.dma_semaphore, #tpu.memory_space<semaphore_mem>>)
      %dma_wait3A = tpu.memref_slice %arg4[%add3A_38] : memref<491520xf32, #tpu.memory_space<hbm>> -> memref<5120xf32, #tpu.memory_space<hbm>>
      %dma_wait3A_42 = tpu.memref_slice %arg4[%add3A_38] : memref<491520xf32, #tpu.memory_space<hbm>> -> memref<5120xf32, #tpu.memory_space<hbm>>
      tpu.wait_dma2 semaphore(%run_scoped3A : memref<!tpu.dma_semaphore, #tpu.memory_space<semaphore_mem>>) src(%arg10 : memref<5120xf32, #tpu.memory_space<vmem>>) dst(%dma_wait3A_42 : memref<5120xf32, #tpu.memory_space<hbm>>)
      tpu.yield
    }) : () -> ()
    %add3A_39 = arith.constant 327680 : i32
    %add3A_40 = arith.addi %add3A_39, %mul3A_2 : i32
    "tpu.region"() ({
      %run_scoped3A = tpu.sem_alloc : memref<!tpu.dma_semaphore, #tpu.memory_space<semaphore_mem>>
      %dma_start3A = tpu.memref_slice %arg4[%add3A_40] : memref<491520xf32, #tpu.memory_space<hbm>> -> memref<5120xf32, #tpu.memory_space<hbm>>
      %dma_start3A_41 = tpu.memref_slice %arg4[%add3A_40] : memref<491520xf32, #tpu.memory_space<hbm>> -> memref<5120xf32, #tpu.memory_space<hbm>>
      tpu.enqueue_dma source(%arg11 : memref<5120xf32, #tpu.memory_space<vmem>>) target(%dma_start3A_41 : memref<5120xf32, #tpu.memory_space<hbm>>) target_semaphore(%run_scoped3A : memref<!tpu.dma_semaphore, #tpu.memory_space<semaphore_mem>>)
      %dma_wait3A = tpu.memref_slice %arg4[%add3A_40] : memref<491520xf32, #tpu.memory_space<hbm>> -> memref<5120xf32, #tpu.memory_space<hbm>>
      %dma_wait3A_42 = tpu.memref_slice %arg4[%add3A_40] : memref<491520xf32, #tpu.memory_space<hbm>> -> memref<5120xf32, #tpu.memory_space<hbm>>
      tpu.wait_dma2 semaphore(%run_scoped3A : memref<!tpu.dma_semaphore, #tpu.memory_space<semaphore_mem>>) src(%arg11 : memref<5120xf32, #tpu.memory_space<vmem>>) dst(%dma_wait3A_42 : memref<5120xf32, #tpu.memory_space<hbm>>)
      tpu.yield
    }) : () -> ()
    return
  }
}

module attributes {stable_mosaic.version = 14 : i64} {
  func.func @_knn_kernel(%arg0: i32, %arg1: i32, %arg2: memref<1x256x3xf32, #tpu.memory_space<vmem>>, %arg3: memref<1x3x4096xf32, #tpu.memory_space<vmem>>, %arg4: memref<1x256x5xi32, #tpu.memory_space<vmem>>, %arg5: memref<1x256x15xf32, #tpu.memory_space<vmem>>) attributes {dimension_semantics = [#tpu.dimension_semantics<arbitrary>, #tpu.dimension_semantics<arbitrary>], iteration_bounds = array<i64: 8, 16>, scalar_prefetch = 0 : i64, scratch_operands = 0 : i64, tpu.core_type = #tpu.core_type<tc>, window_params = [{transform_indices = @transform_0, window_bounds = array<i64: 1, 256, 3>}, {transform_indices = @transform_1, window_bounds = array<i64: 1, 3, 4096>}, {transform_indices = @transform_2, window_bounds = array<i64: 1, 256, 5>}, {transform_indices = @transform_3, window_bounds = array<i64: 1, 256, 15>}]} {
    %get3A = arith.constant 0 : index
    %get3A_0 = arith.constant 0 : index
    %get3A_1 = arith.constant 0 : index
    %get3A_2 = vector.load %arg2[%get3A, %get3A_0, %get3A_1] : memref<1x256x3xf32, #tpu.memory_space<vmem>>, vector<1x256x1xf32>
    %get3A_3 = vector.shape_cast %get3A_2 : vector<1x256x1xf32> to vector<256xf32>
    %reshape3A = vector.shape_cast %get3A_3 : vector<256xf32> to vector<256x1xf32>
    %get3A_4 = arith.constant 0 : index
    %get3A_5 = arith.constant 0 : index
    %get3A_6 = arith.constant 1 : index
    %get3A_7 = vector.load %arg2[%get3A_4, %get3A_5, %get3A_6] : memref<1x256x3xf32, #tpu.memory_space<vmem>>, vector<1x256x1xf32>
    %get3A_8 = vector.shape_cast %get3A_7 : vector<1x256x1xf32> to vector<256xf32>
    %reshape3A_9 = vector.shape_cast %get3A_8 : vector<256xf32> to vector<256x1xf32>
    %get3A_10 = arith.constant 0 : index
    %get3A_11 = arith.constant 0 : index
    %get3A_12 = arith.constant 2 : index
    %get3A_13 = vector.load %arg2[%get3A_10, %get3A_11, %get3A_12] : memref<1x256x3xf32, #tpu.memory_space<vmem>>, vector<1x256x1xf32>
    %get3A_14 = vector.shape_cast %get3A_13 : vector<1x256x1xf32> to vector<256xf32>
    %reshape3A_15 = vector.shape_cast %get3A_14 : vector<256xf32> to vector<256x1xf32>
    %get3A_16 = arith.constant 0 : index
    %get3A_17 = arith.constant 0 : index
    %get3A_18 = arith.constant 0 : index
    %get3A_19 = vector.load %arg3[%get3A_16, %get3A_17, %get3A_18] : memref<1x3x4096xf32, #tpu.memory_space<vmem>>, vector<1x1x4096xf32>
    %get3A_20 = vector.shape_cast %get3A_19 : vector<1x1x4096xf32> to vector<4096xf32>
    %reshape3A_21 = vector.shape_cast %get3A_20 : vector<4096xf32> to vector<1x4096xf32>
    %get3A_22 = arith.constant 0 : index
    %get3A_23 = arith.constant 1 : index
    %get3A_24 = arith.constant 0 : index
    %get3A_25 = vector.load %arg3[%get3A_22, %get3A_23, %get3A_24] : memref<1x3x4096xf32, #tpu.memory_space<vmem>>, vector<1x1x4096xf32>
    %get3A_26 = vector.shape_cast %get3A_25 : vector<1x1x4096xf32> to vector<4096xf32>
    %reshape3A_27 = vector.shape_cast %get3A_26 : vector<4096xf32> to vector<1x4096xf32>
    %get3A_28 = arith.constant 0 : index
    %get3A_29 = arith.constant 2 : index
    %get3A_30 = arith.constant 0 : index
    %get3A_31 = vector.load %arg3[%get3A_28, %get3A_29, %get3A_30] : memref<1x3x4096xf32, #tpu.memory_space<vmem>>, vector<1x1x4096xf32>
    %get3A_32 = vector.shape_cast %get3A_31 : vector<1x1x4096xf32> to vector<4096xf32>
    %reshape3A_33 = vector.shape_cast %get3A_32 : vector<4096xf32> to vector<1x4096xf32>
    %sub3A = vector.broadcast %reshape3A : vector<256x1xf32> to vector<256x4096xf32>
    %sub3A_34 = vector.broadcast %reshape3A_21 : vector<1x4096xf32> to vector<256x4096xf32>
    %sub3A_35 = arith.subf %sub3A, %sub3A_34 : vector<256x4096xf32>
    %mul3A = arith.mulf %sub3A_35, %sub3A_35 : vector<256x4096xf32>
    %sub3A_36 = vector.broadcast %reshape3A_9 : vector<256x1xf32> to vector<256x4096xf32>
    %sub3A_37 = vector.broadcast %reshape3A_27 : vector<1x4096xf32> to vector<256x4096xf32>
    %sub3A_38 = arith.subf %sub3A_36, %sub3A_37 : vector<256x4096xf32>
    %mul3A_39 = arith.mulf %sub3A_38, %sub3A_38 : vector<256x4096xf32>
    %add3A = arith.addf %mul3A, %mul3A_39 : vector<256x4096xf32>
    %sub3A_40 = vector.broadcast %reshape3A_15 : vector<256x1xf32> to vector<256x4096xf32>
    %sub3A_41 = vector.broadcast %reshape3A_33 : vector<1x4096xf32> to vector<256x4096xf32>
    %sub3A_42 = arith.subf %sub3A_40, %sub3A_41 : vector<256x4096xf32>
    %mul3A_43 = arith.mulf %sub3A_42, %sub3A_42 : vector<256x4096xf32>
    %add3A_44 = arith.addf %add3A, %mul3A_43 : vector<256x4096xf32>
    %iota3A = tpu.iota {dimensions = array<i32: 1>} : vector<256x4096xi32>
    %reduce_min3A = arith.constant dense<0x7F800000> : vector<256xf32>
    %reduce_min3A_45 = vector.multi_reduction <minimumf>, %add3A_44, %reduce_min3A [1] : vector<256x4096xf32> to vector<256xf32>
    %broadcast_in_dim3A = vector.shape_cast %reduce_min3A_45 : vector<256xf32> to vector<256x1xf32>
    %eq3A = vector.broadcast %broadcast_in_dim3A : vector<256x1xf32> to vector<256x4096xf32>
    %eq3A_46 = arith.cmpf oeq, %add3A_44, %eq3A : vector<256x4096xf32>
    %jit3A = arith.constant 4096 : i32
    %broadcast_in_dim3A_47 = vector.broadcast %jit3A : i32 to vector<256x4096xi32>
    %select_n3A = arith.select %eq3A_46, %iota3A, %broadcast_in_dim3A_47 : vector<256x4096xi1>, vector<256x4096xi32>
    %reduce_min3A_48 = arith.constant dense<2147483647> : vector<256xi32>
    %reduce_min3A_49 = vector.multi_reduction <minsi>, %select_n3A, %reduce_min3A_48 [1] : vector<256x4096xi32> to vector<256xi32>
    %broadcast_in_dim3A_50 = vector.shape_cast %reduce_min3A_49 : vector<256xi32> to vector<256x1xi32>
    %eq3A_51 = vector.broadcast %broadcast_in_dim3A_50 : vector<256x1xi32> to vector<256x4096xi32>
    %eq3A_52 = arith.cmpi eq, %iota3A, %eq3A_51 : vector<256x4096xi32>
    %jit3A_53 = arith.constant 0.000000e+00 : f32
    %broadcast_in_dim3A_54 = vector.shape_cast %reshape3A_21 : vector<1x4096xf32> to vector<1x4096xf32>
    %broadcast_in_dim3A_55 = vector.broadcast %broadcast_in_dim3A_54 : vector<1x4096xf32> to vector<256x4096xf32>
    %broadcast_in_dim3A_56 = vector.broadcast %jit3A_53 : f32 to vector<256x4096xf32>
    %select_n3A_57 = arith.select %eq3A_52, %broadcast_in_dim3A_55, %broadcast_in_dim3A_56 : vector<256x4096xi1>, vector<256x4096xf32>
    %reduce_sum3A = arith.constant dense<0.000000e+00> : vector<256xf32>
    %reduce_sum3A_58 = vector.multi_reduction <add>, %select_n3A_57, %reduce_sum3A [1] : vector<256x4096xf32> to vector<256xf32>
    %broadcast_in_dim3A_59 = vector.shape_cast %reduce_sum3A_58 : vector<256xf32> to vector<256x1xf32>
    %jit3A_60 = arith.constant 0.000000e+00 : f32
    %broadcast_in_dim3A_61 = vector.shape_cast %reshape3A_27 : vector<1x4096xf32> to vector<1x4096xf32>
    %broadcast_in_dim3A_62 = vector.broadcast %broadcast_in_dim3A_61 : vector<1x4096xf32> to vector<256x4096xf32>
    %broadcast_in_dim3A_63 = vector.broadcast %jit3A_60 : f32 to vector<256x4096xf32>
    %select_n3A_64 = arith.select %eq3A_52, %broadcast_in_dim3A_62, %broadcast_in_dim3A_63 : vector<256x4096xi1>, vector<256x4096xf32>
    %reduce_sum3A_65 = arith.constant dense<0.000000e+00> : vector<256xf32>
    %reduce_sum3A_66 = vector.multi_reduction <add>, %select_n3A_64, %reduce_sum3A_65 [1] : vector<256x4096xf32> to vector<256xf32>
    %broadcast_in_dim3A_67 = vector.shape_cast %reduce_sum3A_66 : vector<256xf32> to vector<256x1xf32>
    %jit3A_68 = arith.constant 0.000000e+00 : f32
    %broadcast_in_dim3A_69 = vector.shape_cast %reshape3A_33 : vector<1x4096xf32> to vector<1x4096xf32>
    %broadcast_in_dim3A_70 = vector.broadcast %broadcast_in_dim3A_69 : vector<1x4096xf32> to vector<256x4096xf32>
    %broadcast_in_dim3A_71 = vector.broadcast %jit3A_68 : f32 to vector<256x4096xf32>
    %select_n3A_72 = arith.select %eq3A_52, %broadcast_in_dim3A_70, %broadcast_in_dim3A_71 : vector<256x4096xi1>, vector<256x4096xf32>
    %reduce_sum3A_73 = arith.constant dense<0.000000e+00> : vector<256xf32>
    %reduce_sum3A_74 = vector.multi_reduction <add>, %select_n3A_72, %reduce_sum3A_73 [1] : vector<256x4096xf32> to vector<256xf32>
    %broadcast_in_dim3A_75 = vector.shape_cast %reduce_sum3A_74 : vector<256xf32> to vector<256x1xf32>
    %jit3A_76 = arith.constant 0x7F800000 : f32
    %broadcast_in_dim3A_77 = vector.broadcast %jit3A_76 : f32 to vector<256x4096xf32>
    %select_n3A_78 = arith.select %eq3A_52, %broadcast_in_dim3A_77, %add3A_44 : vector<256x4096xi1>, vector<256x4096xf32>
    %reduce_min3A_79 = arith.constant dense<0x7F800000> : vector<256xf32>
    %reduce_min3A_80 = vector.multi_reduction <minimumf>, %select_n3A_78, %reduce_min3A_79 [1] : vector<256x4096xf32> to vector<256xf32>
    %broadcast_in_dim3A_81 = vector.shape_cast %reduce_min3A_80 : vector<256xf32> to vector<256x1xf32>
    %eq3A_82 = vector.broadcast %broadcast_in_dim3A_81 : vector<256x1xf32> to vector<256x4096xf32>
    %eq3A_83 = arith.cmpf oeq, %select_n3A_78, %eq3A_82 : vector<256x4096xf32>
    %jit3A_84 = arith.constant 4096 : i32
    %broadcast_in_dim3A_85 = vector.broadcast %jit3A_84 : i32 to vector<256x4096xi32>
    %select_n3A_86 = arith.select %eq3A_83, %iota3A, %broadcast_in_dim3A_85 : vector<256x4096xi1>, vector<256x4096xi32>
    %reduce_min3A_87 = arith.constant dense<2147483647> : vector<256xi32>
    %reduce_min3A_88 = vector.multi_reduction <minsi>, %select_n3A_86, %reduce_min3A_87 [1] : vector<256x4096xi32> to vector<256xi32>
    %broadcast_in_dim3A_89 = vector.shape_cast %reduce_min3A_88 : vector<256xi32> to vector<256x1xi32>
    %eq3A_90 = vector.broadcast %broadcast_in_dim3A_89 : vector<256x1xi32> to vector<256x4096xi32>
    %eq3A_91 = arith.cmpi eq, %iota3A, %eq3A_90 : vector<256x4096xi32>
    %jit3A_92 = arith.constant 0.000000e+00 : f32
    %broadcast_in_dim3A_93 = vector.shape_cast %reshape3A_21 : vector<1x4096xf32> to vector<1x4096xf32>
    %broadcast_in_dim3A_94 = vector.broadcast %broadcast_in_dim3A_93 : vector<1x4096xf32> to vector<256x4096xf32>
    %broadcast_in_dim3A_95 = vector.broadcast %jit3A_92 : f32 to vector<256x4096xf32>
    %select_n3A_96 = arith.select %eq3A_91, %broadcast_in_dim3A_94, %broadcast_in_dim3A_95 : vector<256x4096xi1>, vector<256x4096xf32>
    %reduce_sum3A_97 = arith.constant dense<0.000000e+00> : vector<256xf32>
    %reduce_sum3A_98 = vector.multi_reduction <add>, %select_n3A_96, %reduce_sum3A_97 [1] : vector<256x4096xf32> to vector<256xf32>
    %broadcast_in_dim3A_99 = vector.shape_cast %reduce_sum3A_98 : vector<256xf32> to vector<256x1xf32>
    %jit3A_100 = arith.constant 0.000000e+00 : f32
    %broadcast_in_dim3A_101 = vector.shape_cast %reshape3A_27 : vector<1x4096xf32> to vector<1x4096xf32>
    %broadcast_in_dim3A_102 = vector.broadcast %broadcast_in_dim3A_101 : vector<1x4096xf32> to vector<256x4096xf32>
    %broadcast_in_dim3A_103 = vector.broadcast %jit3A_100 : f32 to vector<256x4096xf32>
    %select_n3A_104 = arith.select %eq3A_91, %broadcast_in_dim3A_102, %broadcast_in_dim3A_103 : vector<256x4096xi1>, vector<256x4096xf32>
    %reduce_sum3A_105 = arith.constant dense<0.000000e+00> : vector<256xf32>
    %reduce_sum3A_106 = vector.multi_reduction <add>, %select_n3A_104, %reduce_sum3A_105 [1] : vector<256x4096xf32> to vector<256xf32>
    %broadcast_in_dim3A_107 = vector.shape_cast %reduce_sum3A_106 : vector<256xf32> to vector<256x1xf32>
    %jit3A_108 = arith.constant 0.000000e+00 : f32
    %broadcast_in_dim3A_109 = vector.shape_cast %reshape3A_33 : vector<1x4096xf32> to vector<1x4096xf32>
    %broadcast_in_dim3A_110 = vector.broadcast %broadcast_in_dim3A_109 : vector<1x4096xf32> to vector<256x4096xf32>
    %broadcast_in_dim3A_111 = vector.broadcast %jit3A_108 : f32 to vector<256x4096xf32>
    %select_n3A_112 = arith.select %eq3A_91, %broadcast_in_dim3A_110, %broadcast_in_dim3A_111 : vector<256x4096xi1>, vector<256x4096xf32>
    %reduce_sum3A_113 = arith.constant dense<0.000000e+00> : vector<256xf32>
    %reduce_sum3A_114 = vector.multi_reduction <add>, %select_n3A_112, %reduce_sum3A_113 [1] : vector<256x4096xf32> to vector<256xf32>
    %broadcast_in_dim3A_115 = vector.shape_cast %reduce_sum3A_114 : vector<256xf32> to vector<256x1xf32>
    %jit3A_116 = arith.constant 0x7F800000 : f32
    %broadcast_in_dim3A_117 = vector.broadcast %jit3A_116 : f32 to vector<256x4096xf32>
    %select_n3A_118 = arith.select %eq3A_91, %broadcast_in_dim3A_117, %select_n3A_78 : vector<256x4096xi1>, vector<256x4096xf32>
    %reduce_min3A_119 = arith.constant dense<0x7F800000> : vector<256xf32>
    %reduce_min3A_120 = vector.multi_reduction <minimumf>, %select_n3A_118, %reduce_min3A_119 [1] : vector<256x4096xf32> to vector<256xf32>
    %broadcast_in_dim3A_121 = vector.shape_cast %reduce_min3A_120 : vector<256xf32> to vector<256x1xf32>
    %eq3A_122 = vector.broadcast %broadcast_in_dim3A_121 : vector<256x1xf32> to vector<256x4096xf32>
    %eq3A_123 = arith.cmpf oeq, %select_n3A_118, %eq3A_122 : vector<256x4096xf32>
    %jit3A_124 = arith.constant 4096 : i32
    %broadcast_in_dim3A_125 = vector.broadcast %jit3A_124 : i32 to vector<256x4096xi32>
    %select_n3A_126 = arith.select %eq3A_123, %iota3A, %broadcast_in_dim3A_125 : vector<256x4096xi1>, vector<256x4096xi32>
    %reduce_min3A_127 = arith.constant dense<2147483647> : vector<256xi32>
    %reduce_min3A_128 = vector.multi_reduction <minsi>, %select_n3A_126, %reduce_min3A_127 [1] : vector<256x4096xi32> to vector<256xi32>
    %broadcast_in_dim3A_129 = vector.shape_cast %reduce_min3A_128 : vector<256xi32> to vector<256x1xi32>
    %eq3A_130 = vector.broadcast %broadcast_in_dim3A_129 : vector<256x1xi32> to vector<256x4096xi32>
    %eq3A_131 = arith.cmpi eq, %iota3A, %eq3A_130 : vector<256x4096xi32>
    %jit3A_132 = arith.constant 0.000000e+00 : f32
    %broadcast_in_dim3A_133 = vector.shape_cast %reshape3A_21 : vector<1x4096xf32> to vector<1x4096xf32>
    %broadcast_in_dim3A_134 = vector.broadcast %broadcast_in_dim3A_133 : vector<1x4096xf32> to vector<256x4096xf32>
    %broadcast_in_dim3A_135 = vector.broadcast %jit3A_132 : f32 to vector<256x4096xf32>
    %select_n3A_136 = arith.select %eq3A_131, %broadcast_in_dim3A_134, %broadcast_in_dim3A_135 : vector<256x4096xi1>, vector<256x4096xf32>
    %reduce_sum3A_137 = arith.constant dense<0.000000e+00> : vector<256xf32>
    %reduce_sum3A_138 = vector.multi_reduction <add>, %select_n3A_136, %reduce_sum3A_137 [1] : vector<256x4096xf32> to vector<256xf32>
    %broadcast_in_dim3A_139 = vector.shape_cast %reduce_sum3A_138 : vector<256xf32> to vector<256x1xf32>
    %jit3A_140 = arith.constant 0.000000e+00 : f32
    %broadcast_in_dim3A_141 = vector.shape_cast %reshape3A_27 : vector<1x4096xf32> to vector<1x4096xf32>
    %broadcast_in_dim3A_142 = vector.broadcast %broadcast_in_dim3A_141 : vector<1x4096xf32> to vector<256x4096xf32>
    %broadcast_in_dim3A_143 = vector.broadcast %jit3A_140 : f32 to vector<256x4096xf32>
    %select_n3A_144 = arith.select %eq3A_131, %broadcast_in_dim3A_142, %broadcast_in_dim3A_143 : vector<256x4096xi1>, vector<256x4096xf32>
    %reduce_sum3A_145 = arith.constant dense<0.000000e+00> : vector<256xf32>
    %reduce_sum3A_146 = vector.multi_reduction <add>, %select_n3A_144, %reduce_sum3A_145 [1] : vector<256x4096xf32> to vector<256xf32>
    %broadcast_in_dim3A_147 = vector.shape_cast %reduce_sum3A_146 : vector<256xf32> to vector<256x1xf32>
    %jit3A_148 = arith.constant 0.000000e+00 : f32
    %broadcast_in_dim3A_149 = vector.shape_cast %reshape3A_33 : vector<1x4096xf32> to vector<1x4096xf32>
    %broadcast_in_dim3A_150 = vector.broadcast %broadcast_in_dim3A_149 : vector<1x4096xf32> to vector<256x4096xf32>
    %broadcast_in_dim3A_151 = vector.broadcast %jit3A_148 : f32 to vector<256x4096xf32>
    %select_n3A_152 = arith.select %eq3A_131, %broadcast_in_dim3A_150, %broadcast_in_dim3A_151 : vector<256x4096xi1>, vector<256x4096xf32>
    %reduce_sum3A_153 = arith.constant dense<0.000000e+00> : vector<256xf32>
    %reduce_sum3A_154 = vector.multi_reduction <add>, %select_n3A_152, %reduce_sum3A_153 [1] : vector<256x4096xf32> to vector<256xf32>
    %broadcast_in_dim3A_155 = vector.shape_cast %reduce_sum3A_154 : vector<256xf32> to vector<256x1xf32>
    %jit3A_156 = arith.constant 0x7F800000 : f32
    %broadcast_in_dim3A_157 = vector.broadcast %jit3A_156 : f32 to vector<256x4096xf32>
    %select_n3A_158 = arith.select %eq3A_131, %broadcast_in_dim3A_157, %select_n3A_118 : vector<256x4096xi1>, vector<256x4096xf32>
    %reduce_min3A_159 = arith.constant dense<0x7F800000> : vector<256xf32>
    %reduce_min3A_160 = vector.multi_reduction <minimumf>, %select_n3A_158, %reduce_min3A_159 [1] : vector<256x4096xf32> to vector<256xf32>
    %broadcast_in_dim3A_161 = vector.shape_cast %reduce_min3A_160 : vector<256xf32> to vector<256x1xf32>
    %eq3A_162 = vector.broadcast %broadcast_in_dim3A_161 : vector<256x1xf32> to vector<256x4096xf32>
    %eq3A_163 = arith.cmpf oeq, %select_n3A_158, %eq3A_162 : vector<256x4096xf32>
    %jit3A_164 = arith.constant 4096 : i32
    %broadcast_in_dim3A_165 = vector.broadcast %jit3A_164 : i32 to vector<256x4096xi32>
    %select_n3A_166 = arith.select %eq3A_163, %iota3A, %broadcast_in_dim3A_165 : vector<256x4096xi1>, vector<256x4096xi32>
    %reduce_min3A_167 = arith.constant dense<2147483647> : vector<256xi32>
    %reduce_min3A_168 = vector.multi_reduction <minsi>, %select_n3A_166, %reduce_min3A_167 [1] : vector<256x4096xi32> to vector<256xi32>
    %broadcast_in_dim3A_169 = vector.shape_cast %reduce_min3A_168 : vector<256xi32> to vector<256x1xi32>
    %eq3A_170 = vector.broadcast %broadcast_in_dim3A_169 : vector<256x1xi32> to vector<256x4096xi32>
    %eq3A_171 = arith.cmpi eq, %iota3A, %eq3A_170 : vector<256x4096xi32>
    %jit3A_172 = arith.constant 0.000000e+00 : f32
    %broadcast_in_dim3A_173 = vector.shape_cast %reshape3A_21 : vector<1x4096xf32> to vector<1x4096xf32>
    %broadcast_in_dim3A_174 = vector.broadcast %broadcast_in_dim3A_173 : vector<1x4096xf32> to vector<256x4096xf32>
    %broadcast_in_dim3A_175 = vector.broadcast %jit3A_172 : f32 to vector<256x4096xf32>
    %select_n3A_176 = arith.select %eq3A_171, %broadcast_in_dim3A_174, %broadcast_in_dim3A_175 : vector<256x4096xi1>, vector<256x4096xf32>
    %reduce_sum3A_177 = arith.constant dense<0.000000e+00> : vector<256xf32>
    %reduce_sum3A_178 = vector.multi_reduction <add>, %select_n3A_176, %reduce_sum3A_177 [1] : vector<256x4096xf32> to vector<256xf32>
    %broadcast_in_dim3A_179 = vector.shape_cast %reduce_sum3A_178 : vector<256xf32> to vector<256x1xf32>
    %jit3A_180 = arith.constant 0.000000e+00 : f32
    %broadcast_in_dim3A_181 = vector.shape_cast %reshape3A_27 : vector<1x4096xf32> to vector<1x4096xf32>
    %broadcast_in_dim3A_182 = vector.broadcast %broadcast_in_dim3A_181 : vector<1x4096xf32> to vector<256x4096xf32>
    %broadcast_in_dim3A_183 = vector.broadcast %jit3A_180 : f32 to vector<256x4096xf32>
    %select_n3A_184 = arith.select %eq3A_171, %broadcast_in_dim3A_182, %broadcast_in_dim3A_183 : vector<256x4096xi1>, vector<256x4096xf32>
    %reduce_sum3A_185 = arith.constant dense<0.000000e+00> : vector<256xf32>
    %reduce_sum3A_186 = vector.multi_reduction <add>, %select_n3A_184, %reduce_sum3A_185 [1] : vector<256x4096xf32> to vector<256xf32>
    %broadcast_in_dim3A_187 = vector.shape_cast %reduce_sum3A_186 : vector<256xf32> to vector<256x1xf32>
    %jit3A_188 = arith.constant 0.000000e+00 : f32
    %broadcast_in_dim3A_189 = vector.shape_cast %reshape3A_33 : vector<1x4096xf32> to vector<1x4096xf32>
    %broadcast_in_dim3A_190 = vector.broadcast %broadcast_in_dim3A_189 : vector<1x4096xf32> to vector<256x4096xf32>
    %broadcast_in_dim3A_191 = vector.broadcast %jit3A_188 : f32 to vector<256x4096xf32>
    %select_n3A_192 = arith.select %eq3A_171, %broadcast_in_dim3A_190, %broadcast_in_dim3A_191 : vector<256x4096xi1>, vector<256x4096xf32>
    %reduce_sum3A_193 = arith.constant dense<0.000000e+00> : vector<256xf32>
    %reduce_sum3A_194 = vector.multi_reduction <add>, %select_n3A_192, %reduce_sum3A_193 [1] : vector<256x4096xf32> to vector<256xf32>
    %broadcast_in_dim3A_195 = vector.shape_cast %reduce_sum3A_194 : vector<256xf32> to vector<256x1xf32>
    %jit3A_196 = arith.constant 0x7F800000 : f32
    %broadcast_in_dim3A_197 = vector.broadcast %jit3A_196 : f32 to vector<256x4096xf32>
    %select_n3A_198 = arith.select %eq3A_171, %broadcast_in_dim3A_197, %select_n3A_158 : vector<256x4096xi1>, vector<256x4096xf32>
    %reduce_min3A_199 = arith.constant dense<0x7F800000> : vector<256xf32>
    %reduce_min3A_200 = vector.multi_reduction <minimumf>, %select_n3A_198, %reduce_min3A_199 [1] : vector<256x4096xf32> to vector<256xf32>
    %broadcast_in_dim3A_201 = vector.shape_cast %reduce_min3A_200 : vector<256xf32> to vector<256x1xf32>
    %eq3A_202 = vector.broadcast %broadcast_in_dim3A_201 : vector<256x1xf32> to vector<256x4096xf32>
    %eq3A_203 = arith.cmpf oeq, %select_n3A_198, %eq3A_202 : vector<256x4096xf32>
    %jit3A_204 = arith.constant 4096 : i32
    %broadcast_in_dim3A_205 = vector.broadcast %jit3A_204 : i32 to vector<256x4096xi32>
    %select_n3A_206 = arith.select %eq3A_203, %iota3A, %broadcast_in_dim3A_205 : vector<256x4096xi1>, vector<256x4096xi32>
    %reduce_min3A_207 = arith.constant dense<2147483647> : vector<256xi32>
    %reduce_min3A_208 = vector.multi_reduction <minsi>, %select_n3A_206, %reduce_min3A_207 [1] : vector<256x4096xi32> to vector<256xi32>
    %broadcast_in_dim3A_209 = vector.shape_cast %reduce_min3A_208 : vector<256xi32> to vector<256x1xi32>
    %eq3A_210 = vector.broadcast %broadcast_in_dim3A_209 : vector<256x1xi32> to vector<256x4096xi32>
    %eq3A_211 = arith.cmpi eq, %iota3A, %eq3A_210 : vector<256x4096xi32>
    %jit3A_212 = arith.constant 0.000000e+00 : f32
    %broadcast_in_dim3A_213 = vector.shape_cast %reshape3A_21 : vector<1x4096xf32> to vector<1x4096xf32>
    %broadcast_in_dim3A_214 = vector.broadcast %broadcast_in_dim3A_213 : vector<1x4096xf32> to vector<256x4096xf32>
    %broadcast_in_dim3A_215 = vector.broadcast %jit3A_212 : f32 to vector<256x4096xf32>
    %select_n3A_216 = arith.select %eq3A_211, %broadcast_in_dim3A_214, %broadcast_in_dim3A_215 : vector<256x4096xi1>, vector<256x4096xf32>
    %reduce_sum3A_217 = arith.constant dense<0.000000e+00> : vector<256xf32>
    %reduce_sum3A_218 = vector.multi_reduction <add>, %select_n3A_216, %reduce_sum3A_217 [1] : vector<256x4096xf32> to vector<256xf32>
    %broadcast_in_dim3A_219 = vector.shape_cast %reduce_sum3A_218 : vector<256xf32> to vector<256x1xf32>
    %jit3A_220 = arith.constant 0.000000e+00 : f32
    %broadcast_in_dim3A_221 = vector.shape_cast %reshape3A_27 : vector<1x4096xf32> to vector<1x4096xf32>
    %broadcast_in_dim3A_222 = vector.broadcast %broadcast_in_dim3A_221 : vector<1x4096xf32> to vector<256x4096xf32>
    %broadcast_in_dim3A_223 = vector.broadcast %jit3A_220 : f32 to vector<256x4096xf32>
    %select_n3A_224 = arith.select %eq3A_211, %broadcast_in_dim3A_222, %broadcast_in_dim3A_223 : vector<256x4096xi1>, vector<256x4096xf32>
    %reduce_sum3A_225 = arith.constant dense<0.000000e+00> : vector<256xf32>
    %reduce_sum3A_226 = vector.multi_reduction <add>, %select_n3A_224, %reduce_sum3A_225 [1] : vector<256x4096xf32> to vector<256xf32>
    %broadcast_in_dim3A_227 = vector.shape_cast %reduce_sum3A_226 : vector<256xf32> to vector<256x1xf32>
    %jit3A_228 = arith.constant 0.000000e+00 : f32
    %broadcast_in_dim3A_229 = vector.shape_cast %reshape3A_33 : vector<1x4096xf32> to vector<1x4096xf32>
    %broadcast_in_dim3A_230 = vector.broadcast %broadcast_in_dim3A_229 : vector<1x4096xf32> to vector<256x4096xf32>
    %broadcast_in_dim3A_231 = vector.broadcast %jit3A_228 : f32 to vector<256x4096xf32>
    %select_n3A_232 = arith.select %eq3A_211, %broadcast_in_dim3A_230, %broadcast_in_dim3A_231 : vector<256x4096xi1>, vector<256x4096xf32>
    %reduce_sum3A_233 = arith.constant dense<0.000000e+00> : vector<256xf32>
    %reduce_sum3A_234 = vector.multi_reduction <add>, %select_n3A_232, %reduce_sum3A_233 [1] : vector<256x4096xf32> to vector<256xf32>
    %broadcast_in_dim3A_235 = vector.shape_cast %reduce_sum3A_234 : vector<256xf32> to vector<256x1xf32>
    %concatenate3A = tpu.concatenate %broadcast_in_dim3A_50, %broadcast_in_dim3A_89, %broadcast_in_dim3A_129, %broadcast_in_dim3A_169, %broadcast_in_dim3A_209 in 1 : vector<256x1xi32>, vector<256x1xi32>, vector<256x1xi32>, vector<256x1xi32>, vector<256x1xi32> -> vector<256x5xi32>
    %swap3A = arith.constant 0 : index
    %swap3A_236 = arith.constant 0 : index
    %swap3A_237 = arith.constant 0 : index
    %swap3A_238 = vector.load %arg4[%swap3A, %swap3A_236, %swap3A_237] : memref<1x256x5xi32, #tpu.memory_space<vmem>>, vector<1x256x5xi32>
    %swap3A_239 = vector.shape_cast %swap3A_238 : vector<1x256x5xi32> to vector<256x5xi32>
    %swap3A_240 = vector.shape_cast %concatenate3A : vector<256x5xi32> to vector<1x256x5xi32>
    tpu.vector_store %arg4[%swap3A, %swap3A_236, %swap3A_237], %swap3A_240 {strides = array<i32>} : memref<1x256x5xi32, #tpu.memory_space<vmem>>, vector<1x256x5xi32>,
    %concatenate3A_241 = tpu.concatenate %broadcast_in_dim3A_59, %broadcast_in_dim3A_67, %broadcast_in_dim3A_75, %broadcast_in_dim3A_99, %broadcast_in_dim3A_107, %broadcast_in_dim3A_115, %broadcast_in_dim3A_139, %broadcast_in_dim3A_147, %broadcast_in_dim3A_155, %broadcast_in_dim3A_179, %broadcast_in_dim3A_187, %broadcast_in_dim3A_195, %broadcast_in_dim3A_219, %broadcast_in_dim3A_227, %broadcast_in_dim3A_235 in 1 : vector<256x1xf32>, vector<256x1xf32>, vector<256x1xf32>, vector<256x1xf32>, vector<256x1xf32>, vector<256x1xf32>, vector<256x1xf32>, vector<256x1xf32>, vector<256x1xf32>, vector<256x1xf32>, vector<256x1xf32>, vector<256x1xf32>, vector<256x1xf32>, vector<256x1xf32>, vector<256x1xf32> -> vector<256x15xf32>
    %swap3A_242 = arith.constant 0 : index
    %swap3A_243 = arith.constant 0 : index
    %swap3A_244 = arith.constant 0 : index
    %swap3A_245 = vector.load %arg5[%swap3A_242, %swap3A_243, %swap3A_244] : memref<1x256x15xf32, #tpu.memory_space<vmem>>, vector<1x256x15xf32>
    %swap3A_246 = vector.shape_cast %swap3A_245 : vector<1x256x15xf32> to vector<256x15xf32>
    %swap3A_247 = vector.shape_cast %concatenate3A_241 : vector<256x15xf32> to vector<1x256x15xf32>
    tpu.vector_store %arg5[%swap3A_242, %swap3A_243, %swap3A_244], %swap3A_247 {strides = array<i32>} : memref<1x256x15xf32, #tpu.memory_space<vmem>>, vector<1x256x15xf32>,
    return
  }
  func.func @transform_0(%arg0: i32, %arg1: i32) -> (i32, i32, i32) {
    %c0_i32 = arith.constant 0 : i32
    %c0_i32_0 = arith.constant 0 : i32
    return %arg0, %arg1, %c0_i32 : i32, i32, i32
  }
  func.func @transform_1(%arg0: i32, %arg1: i32) -> (i32, i32, i32) {
    %c0_i32 = arith.constant 0 : i32
    %c0_i32_0 = arith.constant 0 : i32
    %c0_i32_1 = arith.constant 0 : i32
    return %arg0, %c0_i32, %c0_i32_0 : i32, i32, i32
  }
  func.func @transform_2(%arg0: i32, %arg1: i32) -> (i32, i32, i32) {
    %c0_i32 = arith.constant 0 : i32
    %c0_i32_0 = arith.constant 0 : i32
    return %arg0, %arg1, %c0_i32 : i32, i32, i32
  }
  func.func @transform_3(%arg0: i32, %arg1: i32) -> (i32, i32, i32) {
    %c0_i32 = arith.constant 0 : i32
    %c0_i32_0 = arith.constant 0 : i32
    return %arg0, %arg1, %c0_i32 : i32, i32, i32
  }
}

module attributes {stable_mosaic.version = 14 : i64} {
  func.func @_lrf_kernel(%arg0: memref<15x256x128xf32, #tpu.memory_space<vmem>>, %arg1: memref<5x256x128xi32, #tpu.memory_space<vmem>>, %arg2: memref<3x256x128xf32, #tpu.memory_space<vmem>>) attributes {dimension_semantics = [], scalar_prefetch = 0 : i64, scratch_operands = 0 : i64, tpu.core_type = #tpu.core_type<tc>} {
    %get3A = arith.constant 0 : index
    %get3A_0 = arith.constant 0 : index
    %get3A_1 = arith.constant 0 : index
    %get3A_2 = vector.load %arg0[%get3A, %get3A_0, %get3A_1] : memref<15x256x128xf32, #tpu.memory_space<vmem>>, vector<1x256x128xf32>
    %get3A_3 = vector.shape_cast %get3A_2 : vector<1x256x128xf32> to vector<256x128xf32>
    %get3A_4 = arith.constant 1 : index
    %get3A_5 = arith.constant 0 : index
    %get3A_6 = arith.constant 0 : index
    %get3A_7 = vector.load %arg0[%get3A_4, %get3A_5, %get3A_6] : memref<15x256x128xf32, #tpu.memory_space<vmem>>, vector<1x256x128xf32>
    %get3A_8 = vector.shape_cast %get3A_7 : vector<1x256x128xf32> to vector<256x128xf32>
    %get3A_9 = arith.constant 2 : index
    %get3A_10 = arith.constant 0 : index
    %get3A_11 = arith.constant 0 : index
    %get3A_12 = vector.load %arg0[%get3A_9, %get3A_10, %get3A_11] : memref<15x256x128xf32, #tpu.memory_space<vmem>>, vector<1x256x128xf32>
    %get3A_13 = vector.shape_cast %get3A_12 : vector<1x256x128xf32> to vector<256x128xf32>
    %get3A_14 = arith.constant 3 : index
    %get3A_15 = arith.constant 0 : index
    %get3A_16 = arith.constant 0 : index
    %get3A_17 = vector.load %arg0[%get3A_14, %get3A_15, %get3A_16] : memref<15x256x128xf32, #tpu.memory_space<vmem>>, vector<1x256x128xf32>
    %get3A_18 = vector.shape_cast %get3A_17 : vector<1x256x128xf32> to vector<256x128xf32>
    %get3A_19 = arith.constant 4 : index
    %get3A_20 = arith.constant 0 : index
    %get3A_21 = arith.constant 0 : index
    %get3A_22 = vector.load %arg0[%get3A_19, %get3A_20, %get3A_21] : memref<15x256x128xf32, #tpu.memory_space<vmem>>, vector<1x256x128xf32>
    %get3A_23 = vector.shape_cast %get3A_22 : vector<1x256x128xf32> to vector<256x128xf32>
    %get3A_24 = arith.constant 5 : index
    %get3A_25 = arith.constant 0 : index
    %get3A_26 = arith.constant 0 : index
    %get3A_27 = vector.load %arg0[%get3A_24, %get3A_25, %get3A_26] : memref<15x256x128xf32, #tpu.memory_space<vmem>>, vector<1x256x128xf32>
    %get3A_28 = vector.shape_cast %get3A_27 : vector<1x256x128xf32> to vector<256x128xf32>
    %get3A_29 = arith.constant 6 : index
    %get3A_30 = arith.constant 0 : index
    %get3A_31 = arith.constant 0 : index
    %get3A_32 = vector.load %arg0[%get3A_29, %get3A_30, %get3A_31] : memref<15x256x128xf32, #tpu.memory_space<vmem>>, vector<1x256x128xf32>
    %get3A_33 = vector.shape_cast %get3A_32 : vector<1x256x128xf32> to vector<256x128xf32>
    %get3A_34 = arith.constant 7 : index
    %get3A_35 = arith.constant 0 : index
    %get3A_36 = arith.constant 0 : index
    %get3A_37 = vector.load %arg0[%get3A_34, %get3A_35, %get3A_36] : memref<15x256x128xf32, #tpu.memory_space<vmem>>, vector<1x256x128xf32>
    %get3A_38 = vector.shape_cast %get3A_37 : vector<1x256x128xf32> to vector<256x128xf32>
    %get3A_39 = arith.constant 8 : index
    %get3A_40 = arith.constant 0 : index
    %get3A_41 = arith.constant 0 : index
    %get3A_42 = vector.load %arg0[%get3A_39, %get3A_40, %get3A_41] : memref<15x256x128xf32, #tpu.memory_space<vmem>>, vector<1x256x128xf32>
    %get3A_43 = vector.shape_cast %get3A_42 : vector<1x256x128xf32> to vector<256x128xf32>
    %get3A_44 = arith.constant 9 : index
    %get3A_45 = arith.constant 0 : index
    %get3A_46 = arith.constant 0 : index
    %get3A_47 = vector.load %arg0[%get3A_44, %get3A_45, %get3A_46] : memref<15x256x128xf32, #tpu.memory_space<vmem>>, vector<1x256x128xf32>
    %get3A_48 = vector.shape_cast %get3A_47 : vector<1x256x128xf32> to vector<256x128xf32>
    %get3A_49 = arith.constant 10 : index
    %get3A_50 = arith.constant 0 : index
    %get3A_51 = arith.constant 0 : index
    %get3A_52 = vector.load %arg0[%get3A_49, %get3A_50, %get3A_51] : memref<15x256x128xf32, #tpu.memory_space<vmem>>, vector<1x256x128xf32>
    %get3A_53 = vector.shape_cast %get3A_52 : vector<1x256x128xf32> to vector<256x128xf32>
    %get3A_54 = arith.constant 11 : index
    %get3A_55 = arith.constant 0 : index
    %get3A_56 = arith.constant 0 : index
    %get3A_57 = vector.load %arg0[%get3A_54, %get3A_55, %get3A_56] : memref<15x256x128xf32, #tpu.memory_space<vmem>>, vector<1x256x128xf32>
    %get3A_58 = vector.shape_cast %get3A_57 : vector<1x256x128xf32> to vector<256x128xf32>
    %get3A_59 = arith.constant 12 : index
    %get3A_60 = arith.constant 0 : index
    %get3A_61 = arith.constant 0 : index
    %get3A_62 = vector.load %arg0[%get3A_59, %get3A_60, %get3A_61] : memref<15x256x128xf32, #tpu.memory_space<vmem>>, vector<1x256x128xf32>
    %get3A_63 = vector.shape_cast %get3A_62 : vector<1x256x128xf32> to vector<256x128xf32>
    %get3A_64 = arith.constant 13 : index
    %get3A_65 = arith.constant 0 : index
    %get3A_66 = arith.constant 0 : index
    %get3A_67 = vector.load %arg0[%get3A_64, %get3A_65, %get3A_66] : memref<15x256x128xf32, #tpu.memory_space<vmem>>, vector<1x256x128xf32>
    %get3A_68 = vector.shape_cast %get3A_67 : vector<1x256x128xf32> to vector<256x128xf32>
    %get3A_69 = arith.constant 14 : index
    %get3A_70 = arith.constant 0 : index
    %get3A_71 = arith.constant 0 : index
    %get3A_72 = vector.load %arg0[%get3A_69, %get3A_70, %get3A_71] : memref<15x256x128xf32, #tpu.memory_space<vmem>>, vector<1x256x128xf32>
    %get3A_73 = vector.shape_cast %get3A_72 : vector<1x256x128xf32> to vector<256x128xf32>
    %add3A = arith.addf %get3A_3, %get3A_18 : vector<256x128xf32>
    %add3A_74 = arith.addf %add3A, %get3A_33 : vector<256x128xf32>
    %add3A_75 = arith.addf %add3A_74, %get3A_48 : vector<256x128xf32>
    %add3A_76 = arith.addf %add3A_75, %get3A_63 : vector<256x128xf32>
    %mul3A = arith.constant 2.000000e-01 : f32
    %mul3A_77 = vector.broadcast %mul3A : f32 to vector<256x128xf32>
    %mul3A_78 = arith.mulf %add3A_76, %mul3A_77 : vector<256x128xf32>
    %add3A_79 = arith.addf %get3A_8, %get3A_23 : vector<256x128xf32>
    %add3A_80 = arith.addf %add3A_79, %get3A_38 : vector<256x128xf32>
    %add3A_81 = arith.addf %add3A_80, %get3A_53 : vector<256x128xf32>
    %add3A_82 = arith.addf %add3A_81, %get3A_68 : vector<256x128xf32>
    %mul3A_83 = arith.constant 2.000000e-01 : f32
    %mul3A_84 = vector.broadcast %mul3A_83 : f32 to vector<256x128xf32>
    %mul3A_85 = arith.mulf %add3A_82, %mul3A_84 : vector<256x128xf32>
    %add3A_86 = arith.addf %get3A_13, %get3A_28 : vector<256x128xf32>
    %add3A_87 = arith.addf %add3A_86, %get3A_43 : vector<256x128xf32>
    %add3A_88 = arith.addf %add3A_87, %get3A_58 : vector<256x128xf32>
    %add3A_89 = arith.addf %add3A_88, %get3A_73 : vector<256x128xf32>
    %mul3A_90 = arith.constant 2.000000e-01 : f32
    %mul3A_91 = vector.broadcast %mul3A_90 : f32 to vector<256x128xf32>
    %mul3A_92 = arith.mulf %add3A_89, %mul3A_91 : vector<256x128xf32>
    %sub3A = arith.subf %get3A_3, %mul3A_78 : vector<256x128xf32>
    %convert_element_type3A = arith.truncf %sub3A : vector<256x128xf32> to vector<256x128xbf16>
    %convert_element_type3A_93 = arith.extf %convert_element_type3A : vector<256x128xbf16> to vector<256x128xf32>
    %sub3A_94 = arith.subf %get3A_8, %mul3A_85 : vector<256x128xf32>
    %convert_element_type3A_95 = arith.truncf %sub3A_94 : vector<256x128xf32> to vector<256x128xbf16>
    %convert_element_type3A_96 = arith.extf %convert_element_type3A_95 : vector<256x128xbf16> to vector<256x128xf32>
    %sub3A_97 = arith.subf %get3A_13, %mul3A_92 : vector<256x128xf32>
    %convert_element_type3A_98 = arith.truncf %sub3A_97 : vector<256x128xf32> to vector<256x128xbf16>
    %convert_element_type3A_99 = arith.extf %convert_element_type3A_98 : vector<256x128xbf16> to vector<256x128xf32>
    %sub3A_100 = arith.subf %get3A_18, %mul3A_78 : vector<256x128xf32>
    %convert_element_type3A_101 = arith.truncf %sub3A_100 : vector<256x128xf32> to vector<256x128xbf16>
    %convert_element_type3A_102 = arith.extf %convert_element_type3A_101 : vector<256x128xbf16> to vector<256x128xf32>
    %sub3A_103 = arith.subf %get3A_23, %mul3A_85 : vector<256x128xf32>
    %convert_element_type3A_104 = arith.truncf %sub3A_103 : vector<256x128xf32> to vector<256x128xbf16>
    %convert_element_type3A_105 = arith.extf %convert_element_type3A_104 : vector<256x128xbf16> to vector<256x128xf32>
    %sub3A_106 = arith.subf %get3A_28, %mul3A_92 : vector<256x128xf32>
    %convert_element_type3A_107 = arith.truncf %sub3A_106 : vector<256x128xf32> to vector<256x128xbf16>
    %convert_element_type3A_108 = arith.extf %convert_element_type3A_107 : vector<256x128xbf16> to vector<256x128xf32>
    %sub3A_109 = arith.subf %get3A_33, %mul3A_78 : vector<256x128xf32>
    %convert_element_type3A_110 = arith.truncf %sub3A_109 : vector<256x128xf32> to vector<256x128xbf16>
    %convert_element_type3A_111 = arith.extf %convert_element_type3A_110 : vector<256x128xbf16> to vector<256x128xf32>
    %sub3A_112 = arith.subf %get3A_38, %mul3A_85 : vector<256x128xf32>
    %convert_element_type3A_113 = arith.truncf %sub3A_112 : vector<256x128xf32> to vector<256x128xbf16>
    %convert_element_type3A_114 = arith.extf %convert_element_type3A_113 : vector<256x128xbf16> to vector<256x128xf32>
    %sub3A_115 = arith.subf %get3A_43, %mul3A_92 : vector<256x128xf32>
    %convert_element_type3A_116 = arith.truncf %sub3A_115 : vector<256x128xf32> to vector<256x128xbf16>
    %convert_element_type3A_117 = arith.extf %convert_element_type3A_116 : vector<256x128xbf16> to vector<256x128xf32>
    %sub3A_118 = arith.subf %get3A_48, %mul3A_78 : vector<256x128xf32>
    %convert_element_type3A_119 = arith.truncf %sub3A_118 : vector<256x128xf32> to vector<256x128xbf16>
    %convert_element_type3A_120 = arith.extf %convert_element_type3A_119 : vector<256x128xbf16> to vector<256x128xf32>
    %sub3A_121 = arith.subf %get3A_53, %mul3A_85 : vector<256x128xf32>
    %convert_element_type3A_122 = arith.truncf %sub3A_121 : vector<256x128xf32> to vector<256x128xbf16>
    %convert_element_type3A_123 = arith.extf %convert_element_type3A_122 : vector<256x128xbf16> to vector<256x128xf32>
    %sub3A_124 = arith.subf %get3A_58, %mul3A_92 : vector<256x128xf32>
    %convert_element_type3A_125 = arith.truncf %sub3A_124 : vector<256x128xf32> to vector<256x128xbf16>
    %convert_element_type3A_126 = arith.extf %convert_element_type3A_125 : vector<256x128xbf16> to vector<256x128xf32>
    %sub3A_127 = arith.subf %get3A_63, %mul3A_78 : vector<256x128xf32>
    %convert_element_type3A_128 = arith.truncf %sub3A_127 : vector<256x128xf32> to vector<256x128xbf16>
    %convert_element_type3A_129 = arith.extf %convert_element_type3A_128 : vector<256x128xbf16> to vector<256x128xf32>
    %sub3A_130 = arith.subf %get3A_68, %mul3A_85 : vector<256x128xf32>
    %convert_element_type3A_131 = arith.truncf %sub3A_130 : vector<256x128xf32> to vector<256x128xbf16>
    %convert_element_type3A_132 = arith.extf %convert_element_type3A_131 : vector<256x128xbf16> to vector<256x128xf32>
    %sub3A_133 = arith.subf %get3A_73, %mul3A_92 : vector<256x128xf32>
    %convert_element_type3A_134 = arith.truncf %sub3A_133 : vector<256x128xf32> to vector<256x128xbf16>
    %convert_element_type3A_135 = arith.extf %convert_element_type3A_134 : vector<256x128xbf16> to vector<256x128xf32>
    %mul3A_136 = arith.mulf %convert_element_type3A_93, %convert_element_type3A_93 : vector<256x128xf32>
    %mul3A_137 = arith.mulf %convert_element_type3A_102, %convert_element_type3A_102 : vector<256x128xf32>
    %add3A_138 = arith.addf %mul3A_136, %mul3A_137 : vector<256x128xf32>
    %mul3A_139 = arith.mulf %convert_element_type3A_111, %convert_element_type3A_111 : vector<256x128xf32>
    %add3A_140 = arith.addf %add3A_138, %mul3A_139 : vector<256x128xf32>
    %mul3A_141 = arith.mulf %convert_element_type3A_120, %convert_element_type3A_120 : vector<256x128xf32>
    %add3A_142 = arith.addf %add3A_140, %mul3A_141 : vector<256x128xf32>
    %mul3A_143 = arith.mulf %convert_element_type3A_129, %convert_element_type3A_129 : vector<256x128xf32>
    %add3A_144 = arith.addf %add3A_142, %mul3A_143 : vector<256x128xf32>
    %mul3A_145 = arith.constant 2.000000e-01 : f32
    %mul3A_146 = vector.broadcast %mul3A_145 : f32 to vector<256x128xf32>
    %mul3A_147 = arith.mulf %add3A_144, %mul3A_146 : vector<256x128xf32>
    %mul3A_148 = arith.mulf %convert_element_type3A_93, %convert_element_type3A_96 : vector<256x128xf32>
    %mul3A_149 = arith.mulf %convert_element_type3A_102, %convert_element_type3A_105 : vector<256x128xf32>
    %add3A_150 = arith.addf %mul3A_148, %mul3A_149 : vector<256x128xf32>
    %mul3A_151 = arith.mulf %convert_element_type3A_111, %convert_element_type3A_114 : vector<256x128xf32>
    %add3A_152 = arith.addf %add3A_150, %mul3A_151 : vector<256x128xf32>
    %mul3A_153 = arith.mulf %convert_element_type3A_120, %convert_element_type3A_123 : vector<256x128xf32>
    %add3A_154 = arith.addf %add3A_152, %mul3A_153 : vector<256x128xf32>
    %mul3A_155 = arith.mulf %convert_element_type3A_129, %convert_element_type3A_132 : vector<256x128xf32>
    %add3A_156 = arith.addf %add3A_154, %mul3A_155 : vector<256x128xf32>
    %mul3A_157 = arith.constant 2.000000e-01 : f32
    %mul3A_158 = vector.broadcast %mul3A_157 : f32 to vector<256x128xf32>
    %mul3A_159 = arith.mulf %add3A_156, %mul3A_158 : vector<256x128xf32>
    %mul3A_160 = arith.mulf %convert_element_type3A_93, %convert_element_type3A_99 : vector<256x128xf32>
    %mul3A_161 = arith.mulf %convert_element_type3A_102, %convert_element_type3A_108 : vector<256x128xf32>
    %add3A_162 = arith.addf %mul3A_160, %mul3A_161 : vector<256x128xf32>
    %mul3A_163 = arith.mulf %convert_element_type3A_111, %convert_element_type3A_117 : vector<256x128xf32>
    %add3A_164 = arith.addf %add3A_162, %mul3A_163 : vector<256x128xf32>
    %mul3A_165 = arith.mulf %convert_element_type3A_120, %convert_element_type3A_126 : vector<256x128xf32>
    %add3A_166 = arith.addf %add3A_164, %mul3A_165 : vector<256x128xf32>
    %mul3A_167 = arith.mulf %convert_element_type3A_129, %convert_element_type3A_135 : vector<256x128xf32>
    %add3A_168 = arith.addf %add3A_166, %mul3A_167 : vector<256x128xf32>
    %mul3A_169 = arith.constant 2.000000e-01 : f32
    %mul3A_170 = vector.broadcast %mul3A_169 : f32 to vector<256x128xf32>
    %mul3A_171 = arith.mulf %add3A_168, %mul3A_170 : vector<256x128xf32>
    %mul3A_172 = arith.mulf %convert_element_type3A_96, %convert_element_type3A_96 : vector<256x128xf32>
    %mul3A_173 = arith.mulf %convert_element_type3A_105, %convert_element_type3A_105 : vector<256x128xf32>
    %add3A_174 = arith.addf %mul3A_172, %mul3A_173 : vector<256x128xf32>
    %mul3A_175 = arith.mulf %convert_element_type3A_114, %convert_element_type3A_114 : vector<256x128xf32>
    %add3A_176 = arith.addf %add3A_174, %mul3A_175 : vector<256x128xf32>
    %mul3A_177 = arith.mulf %convert_element_type3A_123, %convert_element_type3A_123 : vector<256x128xf32>
    %add3A_178 = arith.addf %add3A_176, %mul3A_177 : vector<256x128xf32>
    %mul3A_179 = arith.mulf %convert_element_type3A_132, %convert_element_type3A_132 : vector<256x128xf32>
    %add3A_180 = arith.addf %add3A_178, %mul3A_179 : vector<256x128xf32>
    %mul3A_181 = arith.constant 2.000000e-01 : f32
    %mul3A_182 = vector.broadcast %mul3A_181 : f32 to vector<256x128xf32>
    %mul3A_183 = arith.mulf %add3A_180, %mul3A_182 : vector<256x128xf32>
    %mul3A_184 = arith.mulf %convert_element_type3A_96, %convert_element_type3A_99 : vector<256x128xf32>
    %mul3A_185 = arith.mulf %convert_element_type3A_105, %convert_element_type3A_108 : vector<256x128xf32>
    %add3A_186 = arith.addf %mul3A_184, %mul3A_185 : vector<256x128xf32>
    %mul3A_187 = arith.mulf %convert_element_type3A_114, %convert_element_type3A_117 : vector<256x128xf32>
    %add3A_188 = arith.addf %add3A_186, %mul3A_187 : vector<256x128xf32>
    %mul3A_189 = arith.mulf %convert_element_type3A_123, %convert_element_type3A_126 : vector<256x128xf32>
    %add3A_190 = arith.addf %add3A_188, %mul3A_189 : vector<256x128xf32>
    %mul3A_191 = arith.mulf %convert_element_type3A_132, %convert_element_type3A_135 : vector<256x128xf32>
    %add3A_192 = arith.addf %add3A_190, %mul3A_191 : vector<256x128xf32>
    %mul3A_193 = arith.constant 2.000000e-01 : f32
    %mul3A_194 = vector.broadcast %mul3A_193 : f32 to vector<256x128xf32>
    %mul3A_195 = arith.mulf %add3A_192, %mul3A_194 : vector<256x128xf32>
    %mul3A_196 = arith.mulf %convert_element_type3A_99, %convert_element_type3A_99 : vector<256x128xf32>
    %mul3A_197 = arith.mulf %convert_element_type3A_108, %convert_element_type3A_108 : vector<256x128xf32>
    %add3A_198 = arith.addf %mul3A_196, %mul3A_197 : vector<256x128xf32>
    %mul3A_199 = arith.mulf %convert_element_type3A_117, %convert_element_type3A_117 : vector<256x128xf32>
    %add3A_200 = arith.addf %add3A_198, %mul3A_199 : vector<256x128xf32>
    %mul3A_201 = arith.mulf %convert_element_type3A_126, %convert_element_type3A_126 : vector<256x128xf32>
    %add3A_202 = arith.addf %add3A_200, %mul3A_201 : vector<256x128xf32>
    %mul3A_203 = arith.mulf %convert_element_type3A_135, %convert_element_type3A_135 : vector<256x128xf32>
    %add3A_204 = arith.addf %add3A_202, %mul3A_203 : vector<256x128xf32>
    %mul3A_205 = arith.constant 2.000000e-01 : f32
    %mul3A_206 = vector.broadcast %mul3A_205 : f32 to vector<256x128xf32>
    %mul3A_207 = arith.mulf %add3A_204, %mul3A_206 : vector<256x128xf32>
    %broadcast_in_dim3A = arith.constant 1.000000e+00 : f32
    %broadcast_in_dim3A_208 = vector.broadcast %broadcast_in_dim3A : f32 to vector<256x128xf32>
    %broadcast_in_dim3A_209 = arith.constant 0.000000e+00 : f32
    %broadcast_in_dim3A_210 = vector.broadcast %broadcast_in_dim3A_209 : f32 to vector<256x128xf32>
    %sub3A_211 = arith.subf %mul3A_207, %mul3A_147 : vector<256x128xf32>
    %mul3A_212 = arith.constant 2.000000e+00 : f32
    %mul3A_213 = vector.broadcast %mul3A_212 : f32 to vector<256x128xf32>
    %mul3A_214 = arith.mulf %mul3A_213, %mul3A_171 : vector<256x128xf32>
    %div3A = arith.divf %sub3A_211, %mul3A_214 : vector<256x128xf32>
    %sign3A = tpu.bitcast %div3A : vector<256x128xf32> -> vector<256x128xi32>
    %sign3A_215 = arith.constant -2147483648 : i32
    %sign3A_216 = vector.broadcast %sign3A_215 : i32 to vector<256x128xi32>
    %sign3A_217 = arith.andi %sign3A, %sign3A_216 : vector<256x128xi32>
    %sign3A_218 = arith.constant 1065353216 : i32
    %sign3A_219 = vector.broadcast %sign3A_218 : i32 to vector<256x128xi32>
    %sign3A_220 = arith.ori %sign3A_219, %sign3A_217 : vector<256x128xi32>
    %sign3A_221 = tpu.bitcast %sign3A_220 : vector<256x128xi32> -> vector<256x128xf32>
    %sign3A_222 = math.absf %div3A : vector<256x128xf32>
    %sign3A_223 = arith.constant 0.000000e+00 : f32
    %sign3A_224 = vector.broadcast %sign3A_223 : f32 to vector<256x128xf32>
    %sign3A_225 = arith.cmpf ogt, %sign3A_222, %sign3A_224 : vector<256x128xf32>
    %sign3A_226 = arith.select %sign3A_225, %sign3A_221, %div3A : vector<256x128xi1>, vector<256x128xf32>
    %abs3A = math.absf %div3A : vector<256x128xf32>
    %mul3A_227 = arith.mulf %div3A, %div3A : vector<256x128xf32>
    %add3A_228 = arith.constant 1.000000e+00 : f32
    %add3A_229 = vector.broadcast %add3A_228 : f32 to vector<256x128xf32>
    %add3A_230 = arith.addf %add3A_229, %mul3A_227 : vector<256x128xf32>
    %sqrt3A = math.sqrt %add3A_230 : vector<256x128xf32>
    %add3A_231 = arith.addf %abs3A, %sqrt3A : vector<256x128xf32>
    %div3A_232 = arith.divf %sign3A_226, %add3A_231 : vector<256x128xf32>
    %eq3A = arith.constant 0.000000e+00 : f32
    %eq3A_233 = vector.broadcast %eq3A : f32 to vector<256x128xf32>
    %eq3A_234 = arith.cmpf oeq, %mul3A_171, %eq3A_233 : vector<256x128xf32>
    %jit3A = arith.constant 0.000000e+00 : f32
    %broadcast_in_dim3A_235 = vector.broadcast %jit3A : f32 to vector<256x128xf32>
    %select_n3A = arith.select %eq3A_234, %broadcast_in_dim3A_235, %div3A_232 : vector<256x128xi1>, vector<256x128xf32>
    %mul3A_236 = arith.mulf %select_n3A, %select_n3A : vector<256x128xf32>
    %add3A_237 = arith.constant 1.000000e+00 : f32
    %add3A_238 = vector.broadcast %add3A_237 : f32 to vector<256x128xf32>
    %add3A_239 = arith.addf %add3A_238, %mul3A_236 : vector<256x128xf32>
    %sqrt3A_240 = math.sqrt %add3A_239 : vector<256x128xf32>
    %div3A_241 = arith.constant 1.000000e+00 : f32
    %div3A_242 = vector.broadcast %div3A_241 : f32 to vector<256x128xf32>
    %div3A_243 = arith.divf %div3A_242, %sqrt3A_240 : vector<256x128xf32>
    %mul3A_244 = arith.mulf %select_n3A, %div3A_243 : vector<256x128xf32>
    %mul3A_245 = arith.mulf %div3A_243, %mul3A_147 : vector<256x128xf32>
    %mul3A_246 = arith.mulf %mul3A_244, %mul3A_171 : vector<256x128xf32>
    %sub3A_247 = arith.subf %mul3A_245, %mul3A_246 : vector<256x128xf32>
    %mul3A_248 = arith.mulf %mul3A_244, %mul3A_147 : vector<256x128xf32>
    %mul3A_249 = arith.mulf %div3A_243, %mul3A_171 : vector<256x128xf32>
    %add3A_250 = arith.addf %mul3A_248, %mul3A_249 : vector<256x128xf32>
    %mul3A_251 = arith.mulf %div3A_243, %mul3A_159 : vector<256x128xf32>
    %mul3A_252 = arith.mulf %mul3A_244, %mul3A_195 : vector<256x128xf32>
    %sub3A_253 = arith.subf %mul3A_251, %mul3A_252 : vector<256x128xf32>
    %mul3A_254 = arith.mulf %mul3A_244, %mul3A_159 : vector<256x128xf32>
    %mul3A_255 = arith.mulf %div3A_243, %mul3A_195 : vector<256x128xf32>
    %add3A_256 = arith.addf %mul3A_254, %mul3A_255 : vector<256x128xf32>
    %mul3A_257 = arith.mulf %div3A_243, %mul3A_171 : vector<256x128xf32>
    %mul3A_258 = arith.mulf %mul3A_244, %mul3A_207 : vector<256x128xf32>
    %sub3A_259 = arith.subf %mul3A_257, %mul3A_258 : vector<256x128xf32>
    %mul3A_260 = arith.mulf %mul3A_244, %mul3A_171 : vector<256x128xf32>
    %mul3A_261 = arith.mulf %div3A_243, %mul3A_207 : vector<256x128xf32>
    %add3A_262 = arith.addf %mul3A_260, %mul3A_261 : vector<256x128xf32>
    %mul3A_263 = arith.mulf %div3A_243, %sub3A_247 : vector<256x128xf32>
    %mul3A_264 = arith.mulf %mul3A_244, %sub3A_259 : vector<256x128xf32>
    %sub3A_265 = arith.subf %mul3A_263, %mul3A_264 : vector<256x128xf32>
    %mul3A_266 = arith.mulf %mul3A_244, %sub3A_247 : vector<256x128xf32>
    %mul3A_267 = arith.mulf %div3A_243, %sub3A_259 : vector<256x128xf32>
    %add3A_268 = arith.addf %mul3A_266, %mul3A_267 : vector<256x128xf32>
    %mul3A_269 = arith.mulf %div3A_243, %mul3A_159 : vector<256x128xf32>
    %mul3A_270 = arith.mulf %mul3A_244, %mul3A_195 : vector<256x128xf32>
    %sub3A_271 = arith.subf %mul3A_269, %mul3A_270 : vector<256x128xf32>
    %mul3A_272 = arith.mulf %mul3A_244, %mul3A_159 : vector<256x128xf32>
    %mul3A_273 = arith.mulf %div3A_243, %mul3A_195 : vector<256x128xf32>
    %add3A_274 = arith.addf %mul3A_272, %mul3A_273 : vector<256x128xf32>
    %mul3A_275 = arith.mulf %div3A_243, %add3A_250 : vector<256x128xf32>
    %mul3A_276 = arith.mulf %mul3A_244, %add3A_262 : vector<256x128xf32>
    %sub3A_277 = arith.subf %mul3A_275, %mul3A_276 : vector<256x128xf32>
    %mul3A_278 = arith.mulf %mul3A_244, %add3A_250 : vector<256x128xf32>
    %mul3A_279 = arith.mulf %div3A_243, %add3A_262 : vector<256x128xf32>
    %add3A_280 = arith.addf %mul3A_278, %mul3A_279 : vector<256x128xf32>
    %mul3A_281 = arith.mulf %div3A_243, %broadcast_in_dim3A_208 : vector<256x128xf32>
    %mul3A_282 = arith.mulf %mul3A_244, %broadcast_in_dim3A_210 : vector<256x128xf32>
    %sub3A_283 = arith.subf %mul3A_281, %mul3A_282 : vector<256x128xf32>
    %mul3A_284 = arith.mulf %mul3A_244, %broadcast_in_dim3A_208 : vector<256x128xf32>
    %mul3A_285 = arith.mulf %div3A_243, %broadcast_in_dim3A_210 : vector<256x128xf32>
    %add3A_286 = arith.addf %mul3A_284, %mul3A_285 : vector<256x128xf32>
    %mul3A_287 = arith.mulf %div3A_243, %broadcast_in_dim3A_210 : vector<256x128xf32>
    %mul3A_288 = arith.mulf %mul3A_244, %broadcast_in_dim3A_210 : vector<256x128xf32>
    %sub3A_289 = arith.subf %mul3A_287, %mul3A_288 : vector<256x128xf32>
    %mul3A_290 = arith.mulf %mul3A_244, %broadcast_in_dim3A_210 : vector<256x128xf32>
    %mul3A_291 = arith.mulf %div3A_243, %broadcast_in_dim3A_210 : vector<256x128xf32>
    %add3A_292 = arith.addf %mul3A_290, %mul3A_291 : vector<256x128xf32>
    %mul3A_293 = arith.mulf %div3A_243, %broadcast_in_dim3A_210 : vector<256x128xf32>
    %mul3A_294 = arith.mulf %mul3A_244, %broadcast_in_dim3A_208 : vector<256x128xf32>
    %sub3A_295 = arith.subf %mul3A_293, %mul3A_294 : vector<256x128xf32>
    %mul3A_296 = arith.mulf %mul3A_244, %broadcast_in_dim3A_210 : vector<256x128xf32>
    %mul3A_297 = arith.mulf %div3A_243, %broadcast_in_dim3A_208 : vector<256x128xf32>
    %add3A_298 = arith.addf %mul3A_296, %mul3A_297 : vector<256x128xf32>
    %sub3A_299 = arith.subf %mul3A_183, %add3A_280 : vector<256x128xf32>
    %mul3A_300 = arith.constant 2.000000e+00 : f32
    %mul3A_301 = vector.broadcast %mul3A_300 : f32 to vector<256x128xf32>
    %mul3A_302 = arith.mulf %mul3A_301, %add3A_274 : vector<256x128xf32>
    %div3A_303 = arith.divf %sub3A_299, %mul3A_302 : vector<256x128xf32>
    %sign3A_304 = tpu.bitcast %div3A_303 : vector<256x128xf32> -> vector<256x128xi32>
    %sign3A_305 = arith.constant -2147483648 : i32
    %sign3A_306 = vector.broadcast %sign3A_305 : i32 to vector<256x128xi32>
    %sign3A_307 = arith.andi %sign3A_304, %sign3A_306 : vector<256x128xi32>
    %sign3A_308 = arith.constant 1065353216 : i32
    %sign3A_309 = vector.broadcast %sign3A_308 : i32 to vector<256x128xi32>
    %sign3A_310 = arith.ori %sign3A_309, %sign3A_307 : vector<256x128xi32>
    %sign3A_311 = tpu.bitcast %sign3A_310 : vector<256x128xi32> -> vector<256x128xf32>
    %sign3A_312 = math.absf %div3A_303 : vector<256x128xf32>
    %sign3A_313 = arith.constant 0.000000e+00 : f32
    %sign3A_314 = vector.broadcast %sign3A_313 : f32 to vector<256x128xf32>
    %sign3A_315 = arith.cmpf ogt, %sign3A_312, %sign3A_314 : vector<256x128xf32>
    %sign3A_316 = arith.select %sign3A_315, %sign3A_311, %div3A_303 : vector<256x128xi1>, vector<256x128xf32>
    %abs3A_317 = math.absf %div3A_303 : vector<256x128xf32>
    %mul3A_318 = arith.mulf %div3A_303, %div3A_303 : vector<256x128xf32>
    %add3A_319 = arith.constant 1.000000e+00 : f32
    %add3A_320 = vector.broadcast %add3A_319 : f32 to vector<256x128xf32>
    %add3A_321 = arith.addf %add3A_320, %mul3A_318 : vector<256x128xf32>
    %sqrt3A_322 = math.sqrt %add3A_321 : vector<256x128xf32>
    %add3A_323 = arith.addf %abs3A_317, %sqrt3A_322 : vector<256x128xf32>
    %div3A_324 = arith.divf %sign3A_316, %add3A_323 : vector<256x128xf32>
    %eq3A_325 = arith.constant 0.000000e+00 : f32
    %eq3A_326 = vector.broadcast %eq3A_325 : f32 to vector<256x128xf32>
    %eq3A_327 = arith.cmpf oeq, %add3A_274, %eq3A_326 : vector<256x128xf32>
    %jit3A_328 = arith.constant 0.000000e+00 : f32
    %broadcast_in_dim3A_329 = vector.broadcast %jit3A_328 : f32 to vector<256x128xf32>
    %select_n3A_330 = arith.select %eq3A_327, %broadcast_in_dim3A_329, %div3A_324 : vector<256x128xi1>, vector<256x128xf32>
    %mul3A_331 = arith.mulf %select_n3A_330, %select_n3A_330 : vector<256x128xf32>
    %add3A_332 = arith.constant 1.000000e+00 : f32
    %add3A_333 = vector.broadcast %add3A_332 : f32 to vector<256x128xf32>
    %add3A_334 = arith.addf %add3A_333, %mul3A_331 : vector<256x128xf32>
    %sqrt3A_335 = math.sqrt %add3A_334 : vector<256x128xf32>
    %div3A_336 = arith.constant 1.000000e+00 : f32
    %div3A_337 = vector.broadcast %div3A_336 : f32 to vector<256x128xf32>
    %div3A_338 = arith.divf %div3A_337, %sqrt3A_335 : vector<256x128xf32>
    %mul3A_339 = arith.mulf %select_n3A_330, %div3A_338 : vector<256x128xf32>
    %mul3A_340 = arith.mulf %div3A_338, %sub3A_277 : vector<256x128xf32>
    %mul3A_341 = arith.mulf %mul3A_339, %sub3A_271 : vector<256x128xf32>
    %sub3A_342 = arith.subf %mul3A_340, %mul3A_341 : vector<256x128xf32>
    %mul3A_343 = arith.mulf %mul3A_339, %sub3A_277 : vector<256x128xf32>
    %mul3A_344 = arith.mulf %div3A_338, %sub3A_271 : vector<256x128xf32>
    %add3A_345 = arith.addf %mul3A_343, %mul3A_344 : vector<256x128xf32>
    %mul3A_346 = arith.mulf %div3A_338, %add3A_256 : vector<256x128xf32>
    %mul3A_347 = arith.mulf %mul3A_339, %mul3A_183 : vector<256x128xf32>
    %sub3A_348 = arith.subf %mul3A_346, %mul3A_347 : vector<256x128xf32>
    %mul3A_349 = arith.mulf %mul3A_339, %add3A_256 : vector<256x128xf32>
    %mul3A_350 = arith.mulf %div3A_338, %mul3A_183 : vector<256x128xf32>
    %add3A_351 = arith.addf %mul3A_349, %mul3A_350 : vector<256x128xf32>
    %mul3A_352 = arith.mulf %div3A_338, %add3A_280 : vector<256x128xf32>
    %mul3A_353 = arith.mulf %mul3A_339, %add3A_274 : vector<256x128xf32>
    %sub3A_354 = arith.subf %mul3A_352, %mul3A_353 : vector<256x128xf32>
    %mul3A_355 = arith.mulf %mul3A_339, %add3A_280 : vector<256x128xf32>
    %mul3A_356 = arith.mulf %div3A_338, %add3A_274 : vector<256x128xf32>
    %add3A_357 = arith.addf %mul3A_355, %mul3A_356 : vector<256x128xf32>
    %mul3A_358 = arith.mulf %div3A_338, %add3A_268 : vector<256x128xf32>
    %mul3A_359 = arith.mulf %mul3A_339, %sub3A_253 : vector<256x128xf32>
    %sub3A_360 = arith.subf %mul3A_358, %mul3A_359 : vector<256x128xf32>
    %mul3A_361 = arith.mulf %mul3A_339, %add3A_268 : vector<256x128xf32>
    %mul3A_362 = arith.mulf %div3A_338, %sub3A_253 : vector<256x128xf32>
    %add3A_363 = arith.addf %mul3A_361, %mul3A_362 : vector<256x128xf32>
    %mul3A_364 = arith.mulf %div3A_338, %add3A_357 : vector<256x128xf32>
    %mul3A_365 = arith.mulf %mul3A_339, %add3A_351 : vector<256x128xf32>
    %sub3A_366 = arith.subf %mul3A_364, %mul3A_365 : vector<256x128xf32>
    %mul3A_367 = arith.mulf %mul3A_339, %add3A_357 : vector<256x128xf32>
    %mul3A_368 = arith.mulf %div3A_338, %add3A_351 : vector<256x128xf32>
    %add3A_369 = arith.addf %mul3A_367, %mul3A_368 : vector<256x128xf32>
    %mul3A_370 = arith.mulf %div3A_338, %sub3A_354 : vector<256x128xf32>
    %mul3A_371 = arith.mulf %mul3A_339, %sub3A_348 : vector<256x128xf32>
    %sub3A_372 = arith.subf %mul3A_370, %mul3A_371 : vector<256x128xf32>
    %mul3A_373 = arith.mulf %mul3A_339, %sub3A_354 : vector<256x128xf32>
    %mul3A_374 = arith.mulf %div3A_338, %sub3A_348 : vector<256x128xf32>
    %add3A_375 = arith.addf %mul3A_373, %mul3A_374 : vector<256x128xf32>
    %mul3A_376 = arith.mulf %div3A_338, %add3A_286 : vector<256x128xf32>
    %mul3A_377 = arith.mulf %mul3A_339, %broadcast_in_dim3A_210 : vector<256x128xf32>
    %sub3A_378 = arith.subf %mul3A_376, %mul3A_377 : vector<256x128xf32>
    %mul3A_379 = arith.mulf %mul3A_339, %add3A_286 : vector<256x128xf32>
    %mul3A_380 = arith.mulf %div3A_338, %broadcast_in_dim3A_210 : vector<256x128xf32>
    %add3A_381 = arith.addf %mul3A_379, %mul3A_380 : vector<256x128xf32>
    %mul3A_382 = arith.mulf %div3A_338, %add3A_292 : vector<256x128xf32>
    %mul3A_383 = arith.mulf %mul3A_339, %broadcast_in_dim3A_208 : vector<256x128xf32>
    %sub3A_384 = arith.subf %mul3A_382, %mul3A_383 : vector<256x128xf32>
    %mul3A_385 = arith.mulf %mul3A_339, %add3A_292 : vector<256x128xf32>
    %mul3A_386 = arith.mulf %div3A_338, %broadcast_in_dim3A_208 : vector<256x128xf32>
    %add3A_387 = arith.addf %mul3A_385, %mul3A_386 : vector<256x128xf32>
    %mul3A_388 = arith.mulf %div3A_338, %add3A_298 : vector<256x128xf32>
    %mul3A_389 = arith.mulf %mul3A_339, %broadcast_in_dim3A_210 : vector<256x128xf32>
    %sub3A_390 = arith.subf %mul3A_388, %mul3A_389 : vector<256x128xf32>
    %mul3A_391 = arith.mulf %mul3A_339, %add3A_298 : vector<256x128xf32>
    %mul3A_392 = arith.mulf %div3A_338, %broadcast_in_dim3A_210 : vector<256x128xf32>
    %add3A_393 = arith.addf %mul3A_391, %mul3A_392 : vector<256x128xf32>
    %sub3A_394 = arith.subf %add3A_369, %sub3A_265 : vector<256x128xf32>
    %mul3A_395 = arith.constant 2.000000e+00 : f32
    %mul3A_396 = vector.broadcast %mul3A_395 : f32 to vector<256x128xf32>
    %mul3A_397 = arith.mulf %mul3A_396, %add3A_345 : vector<256x128xf32>
    %div3A_398 = arith.divf %sub3A_394, %mul3A_397 : vector<256x128xf32>
    %sign3A_399 = tpu.bitcast %div3A_398 : vector<256x128xf32> -> vector<256x128xi32>
    %sign3A_400 = arith.constant -2147483648 : i32
    %sign3A_401 = vector.broadcast %sign3A_400 : i32 to vector<256x128xi32>
    %sign3A_402 = arith.andi %sign3A_399, %sign3A_401 : vector<256x128xi32>
    %sign3A_403 = arith.constant 1065353216 : i32
    %sign3A_404 = vector.broadcast %sign3A_403 : i32 to vector<256x128xi32>
    %sign3A_405 = arith.ori %sign3A_404, %sign3A_402 : vector<256x128xi32>
    %sign3A_406 = tpu.bitcast %sign3A_405 : vector<256x128xi32> -> vector<256x128xf32>
    %sign3A_407 = math.absf %div3A_398 : vector<256x128xf32>
    %sign3A_408 = arith.constant 0.000000e+00 : f32
    %sign3A_409 = vector.broadcast %sign3A_408 : f32 to vector<256x128xf32>
    %sign3A_410 = arith.cmpf ogt, %sign3A_407, %sign3A_409 : vector<256x128xf32>
    %sign3A_411 = arith.select %sign3A_410, %sign3A_406, %div3A_398 : vector<256x128xi1>, vector<256x128xf32>
    %abs3A_412 = math.absf %div3A_398 : vector<256x128xf32>
    %mul3A_413 = arith.mulf %div3A_398, %div3A_398 : vector<256x128xf32>
    %add3A_414 = arith.constant 1.000000e+00 : f32
    %add3A_415 = vector.broadcast %add3A_414 : f32 to vector<256x128xf32>
    %add3A_416 = arith.addf %add3A_415, %mul3A_413 : vector<256x128xf32>
    %sqrt3A_417 = math.sqrt %add3A_416 : vector<256x128xf32>
    %add3A_418 = arith.addf %abs3A_412, %sqrt3A_417 : vector<256x128xf32>
    %div3A_419 = arith.divf %sign3A_411, %add3A_418 : vector<256x128xf32>
    %eq3A_420 = arith.constant 0.000000e+00 : f32
    %eq3A_421 = vector.broadcast %eq3A_420 : f32 to vector<256x128xf32>
    %eq3A_422 = arith.cmpf oeq, %add3A_345, %eq3A_421 : vector<256x128xf32>
    %jit3A_423 = arith.constant 0.000000e+00 : f32
    %broadcast_in_dim3A_424 = vector.broadcast %jit3A_423 : f32 to vector<256x128xf32>
    %select_n3A_425 = arith.select %eq3A_422, %broadcast_in_dim3A_424, %div3A_419 : vector<256x128xi1>, vector<256x128xf32>
    %mul3A_426 = arith.mulf %select_n3A_425, %select_n3A_425 : vector<256x128xf32>
    %add3A_427 = arith.constant 1.000000e+00 : f32
    %add3A_428 = vector.broadcast %add3A_427 : f32 to vector<256x128xf32>
    %add3A_429 = arith.addf %add3A_428, %mul3A_426 : vector<256x128xf32>
    %sqrt3A_430 = math.sqrt %add3A_429 : vector<256x128xf32>
    %div3A_431 = arith.constant 1.000000e+00 : f32
    %div3A_432 = vector.broadcast %div3A_431 : f32 to vector<256x128xf32>
    %div3A_433 = arith.divf %div3A_432, %sqrt3A_430 : vector<256x128xf32>
    %mul3A_434 = arith.mulf %select_n3A_425, %div3A_433 : vector<256x128xf32>
    %mul3A_435 = arith.mulf %div3A_433, %sub3A_265 : vector<256x128xf32>
    %mul3A_436 = arith.mulf %mul3A_434, %add3A_345 : vector<256x128xf32>
    %sub3A_437 = arith.subf %mul3A_435, %mul3A_436 : vector<256x128xf32>
    %mul3A_438 = arith.mulf %mul3A_434, %sub3A_265 : vector<256x128xf32>
    %mul3A_439 = arith.mulf %div3A_433, %add3A_345 : vector<256x128xf32>
    %add3A_440 = arith.addf %mul3A_438, %mul3A_439 : vector<256x128xf32>
    %mul3A_441 = arith.mulf %div3A_433, %add3A_363 : vector<256x128xf32>
    %mul3A_442 = arith.mulf %mul3A_434, %add3A_369 : vector<256x128xf32>
    %sub3A_443 = arith.subf %mul3A_441, %mul3A_442 : vector<256x128xf32>
    %mul3A_444 = arith.mulf %mul3A_434, %add3A_363 : vector<256x128xf32>
    %mul3A_445 = arith.mulf %div3A_433, %add3A_369 : vector<256x128xf32>
    %add3A_446 = arith.addf %mul3A_444, %mul3A_445 : vector<256x128xf32>
    %mul3A_447 = arith.mulf %div3A_433, %sub3A_360 : vector<256x128xf32>
    %mul3A_448 = arith.mulf %mul3A_434, %sub3A_366 : vector<256x128xf32>
    %sub3A_449 = arith.subf %mul3A_447, %mul3A_448 : vector<256x128xf32>
    %mul3A_450 = arith.mulf %mul3A_434, %sub3A_360 : vector<256x128xf32>
    %mul3A_451 = arith.mulf %div3A_433, %sub3A_366 : vector<256x128xf32>
    %add3A_452 = arith.addf %mul3A_450, %mul3A_451 : vector<256x128xf32>
    %mul3A_453 = arith.mulf %div3A_433, %sub3A_437 : vector<256x128xf32>
    %mul3A_454 = arith.mulf %mul3A_434, %sub3A_443 : vector<256x128xf32>
    %sub3A_455 = arith.subf %mul3A_453, %mul3A_454 : vector<256x128xf32>
    %mul3A_456 = arith.mulf %mul3A_434, %sub3A_437 : vector<256x128xf32>
    %mul3A_457 = arith.mulf %div3A_433, %sub3A_443 : vector<256x128xf32>
    %add3A_458 = arith.addf %mul3A_456, %mul3A_457 : vector<256x128xf32>
    %mul3A_459 = arith.mulf %div3A_433, %add3A_440 : vector<256x128xf32>
    %mul3A_460 = arith.mulf %mul3A_434, %add3A_446 : vector<256x128xf32>
    %sub3A_461 = arith.subf %mul3A_459, %mul3A_460 : vector<256x128xf32>
    %mul3A_462 = arith.mulf %mul3A_434, %add3A_440 : vector<256x128xf32>
    %mul3A_463 = arith.mulf %div3A_433, %add3A_446 : vector<256x128xf32>
    %add3A_464 = arith.addf %mul3A_462, %mul3A_463 : vector<256x128xf32>
    %mul3A_465 = arith.mulf %div3A_433, %sub3A_342 : vector<256x128xf32>
    %mul3A_466 = arith.mulf %mul3A_434, %add3A_375 : vector<256x128xf32>
    %sub3A_467 = arith.subf %mul3A_465, %mul3A_466 : vector<256x128xf32>
    %mul3A_468 = arith.mulf %mul3A_434, %sub3A_342 : vector<256x128xf32>
    %mul3A_469 = arith.mulf %div3A_433, %add3A_375 : vector<256x128xf32>
    %add3A_470 = arith.addf %mul3A_468, %mul3A_469 : vector<256x128xf32>
    %mul3A_471 = arith.mulf %div3A_433, %sub3A_283 : vector<256x128xf32>
    %mul3A_472 = arith.mulf %mul3A_434, %add3A_381 : vector<256x128xf32>
    %sub3A_473 = arith.subf %mul3A_471, %mul3A_472 : vector<256x128xf32>
    %mul3A_474 = arith.mulf %mul3A_434, %sub3A_283 : vector<256x128xf32>
    %mul3A_475 = arith.mulf %div3A_433, %add3A_381 : vector<256x128xf32>
    %add3A_476 = arith.addf %mul3A_474, %mul3A_475 : vector<256x128xf32>
    %mul3A_477 = arith.mulf %div3A_433, %sub3A_289 : vector<256x128xf32>
    %mul3A_478 = arith.mulf %mul3A_434, %add3A_387 : vector<256x128xf32>
    %sub3A_479 = arith.subf %mul3A_477, %mul3A_478 : vector<256x128xf32>
    %mul3A_480 = arith.mulf %mul3A_434, %sub3A_289 : vector<256x128xf32>
    %mul3A_481 = arith.mulf %div3A_433, %add3A_387 : vector<256x128xf32>
    %add3A_482 = arith.addf %mul3A_480, %mul3A_481 : vector<256x128xf32>
    %mul3A_483 = arith.mulf %div3A_433, %sub3A_295 : vector<256x128xf32>
    %mul3A_484 = arith.mulf %mul3A_434, %add3A_393 : vector<256x128xf32>
    %sub3A_485 = arith.subf %mul3A_483, %mul3A_484 : vector<256x128xf32>
    %mul3A_486 = arith.mulf %mul3A_434, %sub3A_295 : vector<256x128xf32>
    %mul3A_487 = arith.mulf %div3A_433, %add3A_393 : vector<256x128xf32>
    %add3A_488 = arith.addf %mul3A_486, %mul3A_487 : vector<256x128xf32>
    %sub3A_489 = arith.subf %sub3A_372, %sub3A_455 : vector<256x128xf32>
    %mul3A_490 = arith.constant 2.000000e+00 : f32
    %mul3A_491 = vector.broadcast %mul3A_490 : f32 to vector<256x128xf32>
    %mul3A_492 = arith.mulf %mul3A_491, %sub3A_467 : vector<256x128xf32>
    %div3A_493 = arith.divf %sub3A_489, %mul3A_492 : vector<256x128xf32>
    %sign3A_494 = tpu.bitcast %div3A_493 : vector<256x128xf32> -> vector<256x128xi32>
    %sign3A_495 = arith.constant -2147483648 : i32
    %sign3A_496 = vector.broadcast %sign3A_495 : i32 to vector<256x128xi32>
    %sign3A_497 = arith.andi %sign3A_494, %sign3A_496 : vector<256x128xi32>
    %sign3A_498 = arith.constant 1065353216 : i32
    %sign3A_499 = vector.broadcast %sign3A_498 : i32 to vector<256x128xi32>
    %sign3A_500 = arith.ori %sign3A_499, %sign3A_497 : vector<256x128xi32>
    %sign3A_501 = tpu.bitcast %sign3A_500 : vector<256x128xi32> -> vector<256x128xf32>
    %sign3A_502 = math.absf %div3A_493 : vector<256x128xf32>
    %sign3A_503 = arith.constant 0.000000e+00 : f32
    %sign3A_504 = vector.broadcast %sign3A_503 : f32 to vector<256x128xf32>
    %sign3A_505 = arith.cmpf ogt, %sign3A_502, %sign3A_504 : vector<256x128xf32>
    %sign3A_506 = arith.select %sign3A_505, %sign3A_501, %div3A_493 : vector<256x128xi1>, vector<256x128xf32>
    %abs3A_507 = math.absf %div3A_493 : vector<256x128xf32>
    %mul3A_508 = arith.mulf %div3A_493, %div3A_493 : vector<256x128xf32>
    %add3A_509 = arith.constant 1.000000e+00 : f32
    %add3A_510 = vector.broadcast %add3A_509 : f32 to vector<256x128xf32>
    %add3A_511 = arith.addf %add3A_510, %mul3A_508 : vector<256x128xf32>
    %sqrt3A_512 = math.sqrt %add3A_511 : vector<256x128xf32>
    %add3A_513 = arith.addf %abs3A_507, %sqrt3A_512 : vector<256x128xf32>
    %div3A_514 = arith.divf %sign3A_506, %add3A_513 : vector<256x128xf32>
    %eq3A_515 = arith.constant 0.000000e+00 : f32
    %eq3A_516 = vector.broadcast %eq3A_515 : f32 to vector<256x128xf32>
    %eq3A_517 = arith.cmpf oeq, %sub3A_467, %eq3A_516 : vector<256x128xf32>
    %jit3A_518 = arith.constant 0.000000e+00 : f32
    %broadcast_in_dim3A_519 = vector.broadcast %jit3A_518 : f32 to vector<256x128xf32>
    %select_n3A_520 = arith.select %eq3A_517, %broadcast_in_dim3A_519, %div3A_514 : vector<256x128xi1>, vector<256x128xf32>
    %mul3A_521 = arith.mulf %select_n3A_520, %select_n3A_520 : vector<256x128xf32>
    %add3A_522 = arith.constant 1.000000e+00 : f32
    %add3A_523 = vector.broadcast %add3A_522 : f32 to vector<256x128xf32>
    %add3A_524 = arith.addf %add3A_523, %mul3A_521 : vector<256x128xf32>
    %sqrt3A_525 = math.sqrt %add3A_524 : vector<256x128xf32>
    %div3A_526 = arith.constant 1.000000e+00 : f32
    %div3A_527 = vector.broadcast %div3A_526 : f32 to vector<256x128xf32>
    %div3A_528 = arith.divf %div3A_527, %sqrt3A_525 : vector<256x128xf32>
    %mul3A_529 = arith.mulf %select_n3A_520, %div3A_528 : vector<256x128xf32>
    %mul3A_530 = arith.mulf %div3A_528, %sub3A_455 : vector<256x128xf32>
    %mul3A_531 = arith.mulf %mul3A_529, %sub3A_467 : vector<256x128xf32>
    %sub3A_532 = arith.subf %mul3A_530, %mul3A_531 : vector<256x128xf32>
    %mul3A_533 = arith.mulf %mul3A_529, %sub3A_455 : vector<256x128xf32>
    %mul3A_534 = arith.mulf %div3A_528, %sub3A_467 : vector<256x128xf32>
    %add3A_535 = arith.addf %mul3A_533, %mul3A_534 : vector<256x128xf32>
    %mul3A_536 = arith.mulf %div3A_528, %add3A_458 : vector<256x128xf32>
    %mul3A_537 = arith.mulf %mul3A_529, %add3A_470 : vector<256x128xf32>
    %sub3A_538 = arith.subf %mul3A_536, %mul3A_537 : vector<256x128xf32>
    %mul3A_539 = arith.mulf %mul3A_529, %add3A_458 : vector<256x128xf32>
    %mul3A_540 = arith.mulf %div3A_528, %add3A_470 : vector<256x128xf32>
    %add3A_541 = arith.addf %mul3A_539, %mul3A_540 : vector<256x128xf32>
    %mul3A_542 = arith.mulf %div3A_528, %sub3A_449 : vector<256x128xf32>
    %mul3A_543 = arith.mulf %mul3A_529, %sub3A_372 : vector<256x128xf32>
    %sub3A_544 = arith.subf %mul3A_542, %mul3A_543 : vector<256x128xf32>
    %mul3A_545 = arith.mulf %mul3A_529, %sub3A_449 : vector<256x128xf32>
    %mul3A_546 = arith.mulf %div3A_528, %sub3A_372 : vector<256x128xf32>
    %add3A_547 = arith.addf %mul3A_545, %mul3A_546 : vector<256x128xf32>
    %mul3A_548 = arith.mulf %div3A_528, %sub3A_532 : vector<256x128xf32>
    %mul3A_549 = arith.mulf %mul3A_529, %sub3A_544 : vector<256x128xf32>
    %sub3A_550 = arith.subf %mul3A_548, %mul3A_549 : vector<256x128xf32>
    %mul3A_551 = arith.mulf %mul3A_529, %sub3A_532 : vector<256x128xf32>
    %mul3A_552 = arith.mulf %div3A_528, %sub3A_544 : vector<256x128xf32>
    %add3A_553 = arith.addf %mul3A_551, %mul3A_552 : vector<256x128xf32>
    %mul3A_554 = arith.mulf %div3A_528, %sub3A_461 : vector<256x128xf32>
    %mul3A_555 = arith.mulf %mul3A_529, %add3A_452 : vector<256x128xf32>
    %sub3A_556 = arith.subf %mul3A_554, %mul3A_555 : vector<256x128xf32>
    %mul3A_557 = arith.mulf %mul3A_529, %sub3A_461 : vector<256x128xf32>
    %mul3A_558 = arith.mulf %div3A_528, %add3A_452 : vector<256x128xf32>
    %add3A_559 = arith.addf %mul3A_557, %mul3A_558 : vector<256x128xf32>
    %mul3A_560 = arith.mulf %div3A_528, %add3A_535 : vector<256x128xf32>
    %mul3A_561 = arith.mulf %mul3A_529, %add3A_547 : vector<256x128xf32>
    %sub3A_562 = arith.subf %mul3A_560, %mul3A_561 : vector<256x128xf32>
    %mul3A_563 = arith.mulf %mul3A_529, %add3A_535 : vector<256x128xf32>
    %mul3A_564 = arith.mulf %div3A_528, %add3A_547 : vector<256x128xf32>
    %add3A_565 = arith.addf %mul3A_563, %mul3A_564 : vector<256x128xf32>
    %mul3A_566 = arith.mulf %div3A_528, %sub3A_473 : vector<256x128xf32>
    %mul3A_567 = arith.mulf %mul3A_529, %sub3A_378 : vector<256x128xf32>
    %sub3A_568 = arith.subf %mul3A_566, %mul3A_567 : vector<256x128xf32>
    %mul3A_569 = arith.mulf %mul3A_529, %sub3A_473 : vector<256x128xf32>
    %mul3A_570 = arith.mulf %div3A_528, %sub3A_378 : vector<256x128xf32>
    %add3A_571 = arith.addf %mul3A_569, %mul3A_570 : vector<256x128xf32>
    %mul3A_572 = arith.mulf %div3A_528, %sub3A_479 : vector<256x128xf32>
    %mul3A_573 = arith.mulf %mul3A_529, %sub3A_384 : vector<256x128xf32>
    %sub3A_574 = arith.subf %mul3A_572, %mul3A_573 : vector<256x128xf32>
    %mul3A_575 = arith.mulf %mul3A_529, %sub3A_479 : vector<256x128xf32>
    %mul3A_576 = arith.mulf %div3A_528, %sub3A_384 : vector<256x128xf32>
    %add3A_577 = arith.addf %mul3A_575, %mul3A_576 : vector<256x128xf32>
    %mul3A_578 = arith.mulf %div3A_528, %sub3A_485 : vector<256x128xf32>
    %mul3A_579 = arith.mulf %mul3A_529, %sub3A_390 : vector<256x128xf32>
    %sub3A_580 = arith.subf %mul3A_578, %mul3A_579 : vector<256x128xf32>
    %mul3A_581 = arith.mulf %mul3A_529, %sub3A_485 : vector<256x128xf32>
    %mul3A_582 = arith.mulf %div3A_528, %sub3A_390 : vector<256x128xf32>
    %add3A_583 = arith.addf %mul3A_581, %mul3A_582 : vector<256x128xf32>
    %sub3A_584 = arith.subf %add3A_464, %add3A_565 : vector<256x128xf32>
    %mul3A_585 = arith.constant 2.000000e+00 : f32
    %mul3A_586 = vector.broadcast %mul3A_585 : f32 to vector<256x128xf32>
    %mul3A_587 = arith.mulf %mul3A_586, %add3A_559 : vector<256x128xf32>
    %div3A_588 = arith.divf %sub3A_584, %mul3A_587 : vector<256x128xf32>
    %sign3A_589 = tpu.bitcast %div3A_588 : vector<256x128xf32> -> vector<256x128xi32>
    %sign3A_590 = arith.constant -2147483648 : i32
    %sign3A_591 = vector.broadcast %sign3A_590 : i32 to vector<256x128xi32>
    %sign3A_592 = arith.andi %sign3A_589, %sign3A_591 : vector<256x128xi32>
    %sign3A_593 = arith.constant 1065353216 : i32
    %sign3A_594 = vector.broadcast %sign3A_593 : i32 to vector<256x128xi32>
    %sign3A_595 = arith.ori %sign3A_594, %sign3A_592 : vector<256x128xi32>
    %sign3A_596 = tpu.bitcast %sign3A_595 : vector<256x128xi32> -> vector<256x128xf32>
    %sign3A_597 = math.absf %div3A_588 : vector<256x128xf32>
    %sign3A_598 = arith.constant 0.000000e+00 : f32
    %sign3A_599 = vector.broadcast %sign3A_598 : f32 to vector<256x128xf32>
    %sign3A_600 = arith.cmpf ogt, %sign3A_597, %sign3A_599 : vector<256x128xf32>
    %sign3A_601 = arith.select %sign3A_600, %sign3A_596, %div3A_588 : vector<256x128xi1>, vector<256x128xf32>
    %abs3A_602 = math.absf %div3A_588 : vector<256x128xf32>
    %mul3A_603 = arith.mulf %div3A_588, %div3A_588 : vector<256x128xf32>
    %add3A_604 = arith.constant 1.000000e+00 : f32
    %add3A_605 = vector.broadcast %add3A_604 : f32 to vector<256x128xf32>
    %add3A_606 = arith.addf %add3A_605, %mul3A_603 : vector<256x128xf32>
    %sqrt3A_607 = math.sqrt %add3A_606 : vector<256x128xf32>
    %add3A_608 = arith.addf %abs3A_602, %sqrt3A_607 : vector<256x128xf32>
    %div3A_609 = arith.divf %sign3A_601, %add3A_608 : vector<256x128xf32>
    %eq3A_610 = arith.constant 0.000000e+00 : f32
    %eq3A_611 = vector.broadcast %eq3A_610 : f32 to vector<256x128xf32>
    %eq3A_612 = arith.cmpf oeq, %add3A_559, %eq3A_611 : vector<256x128xf32>
    %jit3A_613 = arith.constant 0.000000e+00 : f32
    %broadcast_in_dim3A_614 = vector.broadcast %jit3A_613 : f32 to vector<256x128xf32>
    %select_n3A_615 = arith.select %eq3A_612, %broadcast_in_dim3A_614, %div3A_609 : vector<256x128xi1>, vector<256x128xf32>
    %mul3A_616 = arith.mulf %select_n3A_615, %select_n3A_615 : vector<256x128xf32>
    %add3A_617 = arith.constant 1.000000e+00 : f32
    %add3A_618 = vector.broadcast %add3A_617 : f32 to vector<256x128xf32>
    %add3A_619 = arith.addf %add3A_618, %mul3A_616 : vector<256x128xf32>
    %sqrt3A_620 = math.sqrt %add3A_619 : vector<256x128xf32>
    %div3A_621 = arith.constant 1.000000e+00 : f32
    %div3A_622 = vector.broadcast %div3A_621 : f32 to vector<256x128xf32>
    %div3A_623 = arith.divf %div3A_622, %sqrt3A_620 : vector<256x128xf32>
    %mul3A_624 = arith.mulf %select_n3A_615, %div3A_623 : vector<256x128xf32>
    %mul3A_625 = arith.mulf %div3A_623, %sub3A_562 : vector<256x128xf32>
    %mul3A_626 = arith.mulf %mul3A_624, %sub3A_556 : vector<256x128xf32>
    %sub3A_627 = arith.subf %mul3A_625, %mul3A_626 : vector<256x128xf32>
    %mul3A_628 = arith.mulf %mul3A_624, %sub3A_562 : vector<256x128xf32>
    %mul3A_629 = arith.mulf %div3A_623, %sub3A_556 : vector<256x128xf32>
    %add3A_630 = arith.addf %mul3A_628, %mul3A_629 : vector<256x128xf32>
    %mul3A_631 = arith.mulf %div3A_623, %add3A_541 : vector<256x128xf32>
    %mul3A_632 = arith.mulf %mul3A_624, %add3A_464 : vector<256x128xf32>
    %sub3A_633 = arith.subf %mul3A_631, %mul3A_632 : vector<256x128xf32>
    %mul3A_634 = arith.mulf %mul3A_624, %add3A_541 : vector<256x128xf32>
    %mul3A_635 = arith.mulf %div3A_623, %add3A_464 : vector<256x128xf32>
    %add3A_636 = arith.addf %mul3A_634, %mul3A_635 : vector<256x128xf32>
    %mul3A_637 = arith.mulf %div3A_623, %add3A_565 : vector<256x128xf32>
    %mul3A_638 = arith.mulf %mul3A_624, %add3A_559 : vector<256x128xf32>
    %sub3A_639 = arith.subf %mul3A_637, %mul3A_638 : vector<256x128xf32>
    %mul3A_640 = arith.mulf %mul3A_624, %add3A_565 : vector<256x128xf32>
    %mul3A_641 = arith.mulf %div3A_623, %add3A_559 : vector<256x128xf32>
    %add3A_642 = arith.addf %mul3A_640, %mul3A_641 : vector<256x128xf32>
    %mul3A_643 = arith.mulf %div3A_623, %add3A_553 : vector<256x128xf32>
    %mul3A_644 = arith.mulf %mul3A_624, %sub3A_538 : vector<256x128xf32>
    %sub3A_645 = arith.subf %mul3A_643, %mul3A_644 : vector<256x128xf32>
    %mul3A_646 = arith.mulf %mul3A_624, %add3A_553 : vector<256x128xf32>
    %mul3A_647 = arith.mulf %div3A_623, %sub3A_538 : vector<256x128xf32>
    %add3A_648 = arith.addf %mul3A_646, %mul3A_647 : vector<256x128xf32>
    %mul3A_649 = arith.mulf %div3A_623, %add3A_642 : vector<256x128xf32>
    %mul3A_650 = arith.mulf %mul3A_624, %add3A_636 : vector<256x128xf32>
    %sub3A_651 = arith.subf %mul3A_649, %mul3A_650 : vector<256x128xf32>
    %mul3A_652 = arith.mulf %mul3A_624, %add3A_642 : vector<256x128xf32>
    %mul3A_653 = arith.mulf %div3A_623, %add3A_636 : vector<256x128xf32>
    %add3A_654 = arith.addf %mul3A_652, %mul3A_653 : vector<256x128xf32>
    %mul3A_655 = arith.mulf %div3A_623, %sub3A_639 : vector<256x128xf32>
    %mul3A_656 = arith.mulf %mul3A_624, %sub3A_633 : vector<256x128xf32>
    %sub3A_657 = arith.subf %mul3A_655, %mul3A_656 : vector<256x128xf32>
    %mul3A_658 = arith.mulf %mul3A_624, %sub3A_639 : vector<256x128xf32>
    %mul3A_659 = arith.mulf %div3A_623, %sub3A_633 : vector<256x128xf32>
    %add3A_660 = arith.addf %mul3A_658, %mul3A_659 : vector<256x128xf32>
    %mul3A_661 = arith.mulf %div3A_623, %add3A_571 : vector<256x128xf32>
    %mul3A_662 = arith.mulf %mul3A_624, %add3A_476 : vector<256x128xf32>
    %sub3A_663 = arith.subf %mul3A_661, %mul3A_662 : vector<256x128xf32>
    %mul3A_664 = arith.mulf %mul3A_624, %add3A_571 : vector<256x128xf32>
    %mul3A_665 = arith.mulf %div3A_623, %add3A_476 : vector<256x128xf32>
    %add3A_666 = arith.addf %mul3A_664, %mul3A_665 : vector<256x128xf32>
    %mul3A_667 = arith.mulf %div3A_623, %add3A_577 : vector<256x128xf32>
    %mul3A_668 = arith.mulf %mul3A_624, %add3A_482 : vector<256x128xf32>
    %sub3A_669 = arith.subf %mul3A_667, %mul3A_668 : vector<256x128xf32>
    %mul3A_670 = arith.mulf %mul3A_624, %add3A_577 : vector<256x128xf32>
    %mul3A_671 = arith.mulf %div3A_623, %add3A_482 : vector<256x128xf32>
    %add3A_672 = arith.addf %mul3A_670, %mul3A_671 : vector<256x128xf32>
    %mul3A_673 = arith.mulf %div3A_623, %add3A_583 : vector<256x128xf32>
    %mul3A_674 = arith.mulf %mul3A_624, %add3A_488 : vector<256x128xf32>
    %sub3A_675 = arith.subf %mul3A_673, %mul3A_674 : vector<256x128xf32>
    %mul3A_676 = arith.mulf %mul3A_624, %add3A_583 : vector<256x128xf32>
    %mul3A_677 = arith.mulf %div3A_623, %add3A_488 : vector<256x128xf32>
    %add3A_678 = arith.addf %mul3A_676, %mul3A_677 : vector<256x128xf32>
    %sub3A_679 = arith.subf %add3A_654, %sub3A_550 : vector<256x128xf32>
    %mul3A_680 = arith.constant 2.000000e+00 : f32
    %mul3A_681 = vector.broadcast %mul3A_680 : f32 to vector<256x128xf32>
    %mul3A_682 = arith.mulf %mul3A_681, %add3A_630 : vector<256x128xf32>
    %div3A_683 = arith.divf %sub3A_679, %mul3A_682 : vector<256x128xf32>
    %sign3A_684 = tpu.bitcast %div3A_683 : vector<256x128xf32> -> vector<256x128xi32>
    %sign3A_685 = arith.constant -2147483648 : i32
    %sign3A_686 = vector.broadcast %sign3A_685 : i32 to vector<256x128xi32>
    %sign3A_687 = arith.andi %sign3A_684, %sign3A_686 : vector<256x128xi32>
    %sign3A_688 = arith.constant 1065353216 : i32
    %sign3A_689 = vector.broadcast %sign3A_688 : i32 to vector<256x128xi32>
    %sign3A_690 = arith.ori %sign3A_689, %sign3A_687 : vector<256x128xi32>
    %sign3A_691 = tpu.bitcast %sign3A_690 : vector<256x128xi32> -> vector<256x128xf32>
    %sign3A_692 = math.absf %div3A_683 : vector<256x128xf32>
    %sign3A_693 = arith.constant 0.000000e+00 : f32
    %sign3A_694 = vector.broadcast %sign3A_693 : f32 to vector<256x128xf32>
    %sign3A_695 = arith.cmpf ogt, %sign3A_692, %sign3A_694 : vector<256x128xf32>
    %sign3A_696 = arith.select %sign3A_695, %sign3A_691, %div3A_683 : vector<256x128xi1>, vector<256x128xf32>
    %abs3A_697 = math.absf %div3A_683 : vector<256x128xf32>
    %mul3A_698 = arith.mulf %div3A_683, %div3A_683 : vector<256x128xf32>
    %add3A_699 = arith.constant 1.000000e+00 : f32
    %add3A_700 = vector.broadcast %add3A_699 : f32 to vector<256x128xf32>
    %add3A_701 = arith.addf %add3A_700, %mul3A_698 : vector<256x128xf32>
    %sqrt3A_702 = math.sqrt %add3A_701 : vector<256x128xf32>
    %add3A_703 = arith.addf %abs3A_697, %sqrt3A_702 : vector<256x128xf32>
    %div3A_704 = arith.divf %sign3A_696, %add3A_703 : vector<256x128xf32>
    %eq3A_705 = arith.constant 0.000000e+00 : f32
    %eq3A_706 = vector.broadcast %eq3A_705 : f32 to vector<256x128xf32>
    %eq3A_707 = arith.cmpf oeq, %add3A_630, %eq3A_706 : vector<256x128xf32>
    %jit3A_708 = arith.constant 0.000000e+00 : f32
    %broadcast_in_dim3A_709 = vector.broadcast %jit3A_708 : f32 to vector<256x128xf32>
    %select_n3A_710 = arith.select %eq3A_707, %broadcast_in_dim3A_709, %div3A_704 : vector<256x128xi1>, vector<256x128xf32>
    %mul3A_711 = arith.mulf %select_n3A_710, %select_n3A_710 : vector<256x128xf32>
    %add3A_712 = arith.constant 1.000000e+00 : f32
    %add3A_713 = vector.broadcast %add3A_712 : f32 to vector<256x128xf32>
    %add3A_714 = arith.addf %add3A_713, %mul3A_711 : vector<256x128xf32>
    %sqrt3A_715 = math.sqrt %add3A_714 : vector<256x128xf32>
    %div3A_716 = arith.constant 1.000000e+00 : f32
    %div3A_717 = vector.broadcast %div3A_716 : f32 to vector<256x128xf32>
    %div3A_718 = arith.divf %div3A_717, %sqrt3A_715 : vector<256x128xf32>
    %mul3A_719 = arith.mulf %select_n3A_710, %div3A_718 : vector<256x128xf32>
    %mul3A_720 = arith.mulf %div3A_718, %sub3A_550 : vector<256x128xf32>
    %mul3A_721 = arith.mulf %mul3A_719, %add3A_630 : vector<256x128xf32>
    %sub3A_722 = arith.subf %mul3A_720, %mul3A_721 : vector<256x128xf32>
    %mul3A_723 = arith.mulf %mul3A_719, %sub3A_550 : vector<256x128xf32>
    %mul3A_724 = arith.mulf %div3A_718, %add3A_630 : vector<256x128xf32>
    %add3A_725 = arith.addf %mul3A_723, %mul3A_724 : vector<256x128xf32>
    %mul3A_726 = arith.mulf %div3A_718, %add3A_648 : vector<256x128xf32>
    %mul3A_727 = arith.mulf %mul3A_719, %add3A_654 : vector<256x128xf32>
    %sub3A_728 = arith.subf %mul3A_726, %mul3A_727 : vector<256x128xf32>
    %mul3A_729 = arith.mulf %mul3A_719, %add3A_648 : vector<256x128xf32>
    %mul3A_730 = arith.mulf %div3A_718, %add3A_654 : vector<256x128xf32>
    %add3A_731 = arith.addf %mul3A_729, %mul3A_730 : vector<256x128xf32>
    %mul3A_732 = arith.mulf %div3A_718, %sub3A_645 : vector<256x128xf32>
    %mul3A_733 = arith.mulf %mul3A_719, %sub3A_651 : vector<256x128xf32>
    %sub3A_734 = arith.subf %mul3A_732, %mul3A_733 : vector<256x128xf32>
    %mul3A_735 = arith.mulf %mul3A_719, %sub3A_645 : vector<256x128xf32>
    %mul3A_736 = arith.mulf %div3A_718, %sub3A_651 : vector<256x128xf32>
    %add3A_737 = arith.addf %mul3A_735, %mul3A_736 : vector<256x128xf32>
    %mul3A_738 = arith.mulf %div3A_718, %sub3A_722 : vector<256x128xf32>
    %mul3A_739 = arith.mulf %mul3A_719, %sub3A_728 : vector<256x128xf32>
    %sub3A_740 = arith.subf %mul3A_738, %mul3A_739 : vector<256x128xf32>
    %mul3A_741 = arith.mulf %mul3A_719, %sub3A_722 : vector<256x128xf32>
    %mul3A_742 = arith.mulf %div3A_718, %sub3A_728 : vector<256x128xf32>
    %add3A_743 = arith.addf %mul3A_741, %mul3A_742 : vector<256x128xf32>
    %mul3A_744 = arith.mulf %div3A_718, %add3A_725 : vector<256x128xf32>
    %mul3A_745 = arith.mulf %mul3A_719, %add3A_731 : vector<256x128xf32>
    %sub3A_746 = arith.subf %mul3A_744, %mul3A_745 : vector<256x128xf32>
    %mul3A_747 = arith.mulf %mul3A_719, %add3A_725 : vector<256x128xf32>
    %mul3A_748 = arith.mulf %div3A_718, %add3A_731 : vector<256x128xf32>
    %add3A_749 = arith.addf %mul3A_747, %mul3A_748 : vector<256x128xf32>
    %mul3A_750 = arith.mulf %div3A_718, %sub3A_627 : vector<256x128xf32>
    %mul3A_751 = arith.mulf %mul3A_719, %add3A_660 : vector<256x128xf32>
    %sub3A_752 = arith.subf %mul3A_750, %mul3A_751 : vector<256x128xf32>
    %mul3A_753 = arith.mulf %mul3A_719, %sub3A_627 : vector<256x128xf32>
    %mul3A_754 = arith.mulf %div3A_718, %add3A_660 : vector<256x128xf32>
    %add3A_755 = arith.addf %mul3A_753, %mul3A_754 : vector<256x128xf32>
    %mul3A_756 = arith.mulf %div3A_718, %sub3A_568 : vector<256x128xf32>
    %mul3A_757 = arith.mulf %mul3A_719, %add3A_666 : vector<256x128xf32>
    %sub3A_758 = arith.subf %mul3A_756, %mul3A_757 : vector<256x128xf32>
    %mul3A_759 = arith.mulf %mul3A_719, %sub3A_568 : vector<256x128xf32>
    %mul3A_760 = arith.mulf %div3A_718, %add3A_666 : vector<256x128xf32>
    %add3A_761 = arith.addf %mul3A_759, %mul3A_760 : vector<256x128xf32>
    %mul3A_762 = arith.mulf %div3A_718, %sub3A_574 : vector<256x128xf32>
    %mul3A_763 = arith.mulf %mul3A_719, %add3A_672 : vector<256x128xf32>
    %sub3A_764 = arith.subf %mul3A_762, %mul3A_763 : vector<256x128xf32>
    %mul3A_765 = arith.mulf %mul3A_719, %sub3A_574 : vector<256x128xf32>
    %mul3A_766 = arith.mulf %div3A_718, %add3A_672 : vector<256x128xf32>
    %add3A_767 = arith.addf %mul3A_765, %mul3A_766 : vector<256x128xf32>
    %mul3A_768 = arith.mulf %div3A_718, %sub3A_580 : vector<256x128xf32>
    %mul3A_769 = arith.mulf %mul3A_719, %add3A_678 : vector<256x128xf32>
    %sub3A_770 = arith.subf %mul3A_768, %mul3A_769 : vector<256x128xf32>
    %mul3A_771 = arith.mulf %mul3A_719, %sub3A_580 : vector<256x128xf32>
    %mul3A_772 = arith.mulf %div3A_718, %add3A_678 : vector<256x128xf32>
    %add3A_773 = arith.addf %mul3A_771, %mul3A_772 : vector<256x128xf32>
    %sub3A_774 = arith.subf %sub3A_657, %sub3A_740 : vector<256x128xf32>
    %mul3A_775 = arith.constant 2.000000e+00 : f32
    %mul3A_776 = vector.broadcast %mul3A_775 : f32 to vector<256x128xf32>
    %mul3A_777 = arith.mulf %mul3A_776, %sub3A_752 : vector<256x128xf32>
    %div3A_778 = arith.divf %sub3A_774, %mul3A_777 : vector<256x128xf32>
    %sign3A_779 = tpu.bitcast %div3A_778 : vector<256x128xf32> -> vector<256x128xi32>
    %sign3A_780 = arith.constant -2147483648 : i32
    %sign3A_781 = vector.broadcast %sign3A_780 : i32 to vector<256x128xi32>
    %sign3A_782 = arith.andi %sign3A_779, %sign3A_781 : vector<256x128xi32>
    %sign3A_783 = arith.constant 1065353216 : i32
    %sign3A_784 = vector.broadcast %sign3A_783 : i32 to vector<256x128xi32>
    %sign3A_785 = arith.ori %sign3A_784, %sign3A_782 : vector<256x128xi32>
    %sign3A_786 = tpu.bitcast %sign3A_785 : vector<256x128xi32> -> vector<256x128xf32>
    %sign3A_787 = math.absf %div3A_778 : vector<256x128xf32>
    %sign3A_788 = arith.constant 0.000000e+00 : f32
    %sign3A_789 = vector.broadcast %sign3A_788 : f32 to vector<256x128xf32>
    %sign3A_790 = arith.cmpf ogt, %sign3A_787, %sign3A_789 : vector<256x128xf32>
    %sign3A_791 = arith.select %sign3A_790, %sign3A_786, %div3A_778 : vector<256x128xi1>, vector<256x128xf32>
    %abs3A_792 = math.absf %div3A_778 : vector<256x128xf32>
    %mul3A_793 = arith.mulf %div3A_778, %div3A_778 : vector<256x128xf32>
    %add3A_794 = arith.constant 1.000000e+00 : f32
    %add3A_795 = vector.broadcast %add3A_794 : f32 to vector<256x128xf32>
    %add3A_796 = arith.addf %add3A_795, %mul3A_793 : vector<256x128xf32>
    %sqrt3A_797 = math.sqrt %add3A_796 : vector<256x128xf32>
    %add3A_798 = arith.addf %abs3A_792, %sqrt3A_797 : vector<256x128xf32>
    %div3A_799 = arith.divf %sign3A_791, %add3A_798 : vector<256x128xf32>
    %eq3A_800 = arith.constant 0.000000e+00 : f32
    %eq3A_801 = vector.broadcast %eq3A_800 : f32 to vector<256x128xf32>
    %eq3A_802 = arith.cmpf oeq, %sub3A_752, %eq3A_801 : vector<256x128xf32>
    %jit3A_803 = arith.constant 0.000000e+00 : f32
    %broadcast_in_dim3A_804 = vector.broadcast %jit3A_803 : f32 to vector<256x128xf32>
    %select_n3A_805 = arith.select %eq3A_802, %broadcast_in_dim3A_804, %div3A_799 : vector<256x128xi1>, vector<256x128xf32>
    %mul3A_806 = arith.mulf %select_n3A_805, %select_n3A_805 : vector<256x128xf32>
    %add3A_807 = arith.constant 1.000000e+00 : f32
    %add3A_808 = vector.broadcast %add3A_807 : f32 to vector<256x128xf32>
    %add3A_809 = arith.addf %add3A_808, %mul3A_806 : vector<256x128xf32>
    %sqrt3A_810 = math.sqrt %add3A_809 : vector<256x128xf32>
    %div3A_811 = arith.constant 1.000000e+00 : f32
    %div3A_812 = vector.broadcast %div3A_811 : f32 to vector<256x128xf32>
    %div3A_813 = arith.divf %div3A_812, %sqrt3A_810 : vector<256x128xf32>
    %mul3A_814 = arith.mulf %select_n3A_805, %div3A_813 : vector<256x128xf32>
    %mul3A_815 = arith.mulf %div3A_813, %sub3A_740 : vector<256x128xf32>
    %mul3A_816 = arith.mulf %mul3A_814, %sub3A_752 : vector<256x128xf32>
    %sub3A_817 = arith.subf %mul3A_815, %mul3A_816 : vector<256x128xf32>
    %mul3A_818 = arith.mulf %mul3A_814, %sub3A_740 : vector<256x128xf32>
    %mul3A_819 = arith.mulf %div3A_813, %sub3A_752 : vector<256x128xf32>
    %add3A_820 = arith.addf %mul3A_818, %mul3A_819 : vector<256x128xf32>
    %mul3A_821 = arith.mulf %div3A_813, %add3A_743 : vector<256x128xf32>
    %mul3A_822 = arith.mulf %mul3A_814, %add3A_755 : vector<256x128xf32>
    %sub3A_823 = arith.subf %mul3A_821, %mul3A_822 : vector<256x128xf32>
    %mul3A_824 = arith.mulf %mul3A_814, %add3A_743 : vector<256x128xf32>
    %mul3A_825 = arith.mulf %div3A_813, %add3A_755 : vector<256x128xf32>
    %add3A_826 = arith.addf %mul3A_824, %mul3A_825 : vector<256x128xf32>
    %mul3A_827 = arith.mulf %div3A_813, %sub3A_734 : vector<256x128xf32>
    %mul3A_828 = arith.mulf %mul3A_814, %sub3A_657 : vector<256x128xf32>
    %sub3A_829 = arith.subf %mul3A_827, %mul3A_828 : vector<256x128xf32>
    %mul3A_830 = arith.mulf %mul3A_814, %sub3A_734 : vector<256x128xf32>
    %mul3A_831 = arith.mulf %div3A_813, %sub3A_657 : vector<256x128xf32>
    %add3A_832 = arith.addf %mul3A_830, %mul3A_831 : vector<256x128xf32>
    %mul3A_833 = arith.mulf %div3A_813, %sub3A_817 : vector<256x128xf32>
    %mul3A_834 = arith.mulf %mul3A_814, %sub3A_829 : vector<256x128xf32>
    %sub3A_835 = arith.subf %mul3A_833, %mul3A_834 : vector<256x128xf32>
    %mul3A_836 = arith.mulf %mul3A_814, %sub3A_817 : vector<256x128xf32>
    %mul3A_837 = arith.mulf %div3A_813, %sub3A_829 : vector<256x128xf32>
    %add3A_838 = arith.addf %mul3A_836, %mul3A_837 : vector<256x128xf32>
    %mul3A_839 = arith.mulf %div3A_813, %sub3A_746 : vector<256x128xf32>
    %mul3A_840 = arith.mulf %mul3A_814, %add3A_737 : vector<256x128xf32>
    %sub3A_841 = arith.subf %mul3A_839, %mul3A_840 : vector<256x128xf32>
    %mul3A_842 = arith.mulf %mul3A_814, %sub3A_746 : vector<256x128xf32>
    %mul3A_843 = arith.mulf %div3A_813, %add3A_737 : vector<256x128xf32>
    %add3A_844 = arith.addf %mul3A_842, %mul3A_843 : vector<256x128xf32>
    %mul3A_845 = arith.mulf %div3A_813, %add3A_820 : vector<256x128xf32>
    %mul3A_846 = arith.mulf %mul3A_814, %add3A_832 : vector<256x128xf32>
    %sub3A_847 = arith.subf %mul3A_845, %mul3A_846 : vector<256x128xf32>
    %mul3A_848 = arith.mulf %mul3A_814, %add3A_820 : vector<256x128xf32>
    %mul3A_849 = arith.mulf %div3A_813, %add3A_832 : vector<256x128xf32>
    %add3A_850 = arith.addf %mul3A_848, %mul3A_849 : vector<256x128xf32>
    %mul3A_851 = arith.mulf %div3A_813, %sub3A_758 : vector<256x128xf32>
    %mul3A_852 = arith.mulf %mul3A_814, %sub3A_663 : vector<256x128xf32>
    %sub3A_853 = arith.subf %mul3A_851, %mul3A_852 : vector<256x128xf32>
    %mul3A_854 = arith.mulf %mul3A_814, %sub3A_758 : vector<256x128xf32>
    %mul3A_855 = arith.mulf %div3A_813, %sub3A_663 : vector<256x128xf32>
    %add3A_856 = arith.addf %mul3A_854, %mul3A_855 : vector<256x128xf32>
    %mul3A_857 = arith.mulf %div3A_813, %sub3A_764 : vector<256x128xf32>
    %mul3A_858 = arith.mulf %mul3A_814, %sub3A_669 : vector<256x128xf32>
    %sub3A_859 = arith.subf %mul3A_857, %mul3A_858 : vector<256x128xf32>
    %mul3A_860 = arith.mulf %mul3A_814, %sub3A_764 : vector<256x128xf32>
    %mul3A_861 = arith.mulf %div3A_813, %sub3A_669 : vector<256x128xf32>
    %add3A_862 = arith.addf %mul3A_860, %mul3A_861 : vector<256x128xf32>
    %mul3A_863 = arith.mulf %div3A_813, %sub3A_770 : vector<256x128xf32>
    %mul3A_864 = arith.mulf %mul3A_814, %sub3A_675 : vector<256x128xf32>
    %sub3A_865 = arith.subf %mul3A_863, %mul3A_864 : vector<256x128xf32>
    %mul3A_866 = arith.mulf %mul3A_814, %sub3A_770 : vector<256x128xf32>
    %mul3A_867 = arith.mulf %div3A_813, %sub3A_675 : vector<256x128xf32>
    %add3A_868 = arith.addf %mul3A_866, %mul3A_867 : vector<256x128xf32>
    %sub3A_869 = arith.subf %add3A_749, %add3A_850 : vector<256x128xf32>
    %mul3A_870 = arith.constant 2.000000e+00 : f32
    %mul3A_871 = vector.broadcast %mul3A_870 : f32 to vector<256x128xf32>
    %mul3A_872 = arith.mulf %mul3A_871, %add3A_844 : vector<256x128xf32>
    %div3A_873 = arith.divf %sub3A_869, %mul3A_872 : vector<256x128xf32>
    %sign3A_874 = tpu.bitcast %div3A_873 : vector<256x128xf32> -> vector<256x128xi32>
    %sign3A_875 = arith.constant -2147483648 : i32
    %sign3A_876 = vector.broadcast %sign3A_875 : i32 to vector<256x128xi32>
    %sign3A_877 = arith.andi %sign3A_874, %sign3A_876 : vector<256x128xi32>
    %sign3A_878 = arith.constant 1065353216 : i32
    %sign3A_879 = vector.broadcast %sign3A_878 : i32 to vector<256x128xi32>
    %sign3A_880 = arith.ori %sign3A_879, %sign3A_877 : vector<256x128xi32>
    %sign3A_881 = tpu.bitcast %sign3A_880 : vector<256x128xi32> -> vector<256x128xf32>
    %sign3A_882 = math.absf %div3A_873 : vector<256x128xf32>
    %sign3A_883 = arith.constant 0.000000e+00 : f32
    %sign3A_884 = vector.broadcast %sign3A_883 : f32 to vector<256x128xf32>
    %sign3A_885 = arith.cmpf ogt, %sign3A_882, %sign3A_884 : vector<256x128xf32>
    %sign3A_886 = arith.select %sign3A_885, %sign3A_881, %div3A_873 : vector<256x128xi1>, vector<256x128xf32>
    %abs3A_887 = math.absf %div3A_873 : vector<256x128xf32>
    %mul3A_888 = arith.mulf %div3A_873, %div3A_873 : vector<256x128xf32>
    %add3A_889 = arith.constant 1.000000e+00 : f32
    %add3A_890 = vector.broadcast %add3A_889 : f32 to vector<256x128xf32>
    %add3A_891 = arith.addf %add3A_890, %mul3A_888 : vector<256x128xf32>
    %sqrt3A_892 = math.sqrt %add3A_891 : vector<256x128xf32>
    %add3A_893 = arith.addf %abs3A_887, %sqrt3A_892 : vector<256x128xf32>
    %div3A_894 = arith.divf %sign3A_886, %add3A_893 : vector<256x128xf32>
    %eq3A_895 = arith.constant 0.000000e+00 : f32
    %eq3A_896 = vector.broadcast %eq3A_895 : f32 to vector<256x128xf32>
    %eq3A_897 = arith.cmpf oeq, %add3A_844, %eq3A_896 : vector<256x128xf32>
    %jit3A_898 = arith.constant 0.000000e+00 : f32
    %broadcast_in_dim3A_899 = vector.broadcast %jit3A_898 : f32 to vector<256x128xf32>
    %select_n3A_900 = arith.select %eq3A_897, %broadcast_in_dim3A_899, %div3A_894 : vector<256x128xi1>, vector<256x128xf32>
    %mul3A_901 = arith.mulf %select_n3A_900, %select_n3A_900 : vector<256x128xf32>
    %add3A_902 = arith.constant 1.000000e+00 : f32
    %add3A_903 = vector.broadcast %add3A_902 : f32 to vector<256x128xf32>
    %add3A_904 = arith.addf %add3A_903, %mul3A_901 : vector<256x128xf32>
    %sqrt3A_905 = math.sqrt %add3A_904 : vector<256x128xf32>
    %div3A_906 = arith.constant 1.000000e+00 : f32
    %div3A_907 = vector.broadcast %div3A_906 : f32 to vector<256x128xf32>
    %div3A_908 = arith.divf %div3A_907, %sqrt3A_905 : vector<256x128xf32>
    %mul3A_909 = arith.mulf %select_n3A_900, %div3A_908 : vector<256x128xf32>
    %mul3A_910 = arith.mulf %div3A_908, %sub3A_847 : vector<256x128xf32>
    %mul3A_911 = arith.mulf %mul3A_909, %sub3A_841 : vector<256x128xf32>
    %sub3A_912 = arith.subf %mul3A_910, %mul3A_911 : vector<256x128xf32>
    %mul3A_913 = arith.mulf %mul3A_909, %sub3A_847 : vector<256x128xf32>
    %mul3A_914 = arith.mulf %div3A_908, %sub3A_841 : vector<256x128xf32>
    %add3A_915 = arith.addf %mul3A_913, %mul3A_914 : vector<256x128xf32>
    %mul3A_916 = arith.mulf %div3A_908, %add3A_826 : vector<256x128xf32>
    %mul3A_917 = arith.mulf %mul3A_909, %add3A_749 : vector<256x128xf32>
    %sub3A_918 = arith.subf %mul3A_916, %mul3A_917 : vector<256x128xf32>
    %mul3A_919 = arith.mulf %mul3A_909, %add3A_826 : vector<256x128xf32>
    %mul3A_920 = arith.mulf %div3A_908, %add3A_749 : vector<256x128xf32>
    %add3A_921 = arith.addf %mul3A_919, %mul3A_920 : vector<256x128xf32>
    %mul3A_922 = arith.mulf %div3A_908, %add3A_850 : vector<256x128xf32>
    %mul3A_923 = arith.mulf %mul3A_909, %add3A_844 : vector<256x128xf32>
    %sub3A_924 = arith.subf %mul3A_922, %mul3A_923 : vector<256x128xf32>
    %mul3A_925 = arith.mulf %mul3A_909, %add3A_850 : vector<256x128xf32>
    %mul3A_926 = arith.mulf %div3A_908, %add3A_844 : vector<256x128xf32>
    %add3A_927 = arith.addf %mul3A_925, %mul3A_926 : vector<256x128xf32>
    %mul3A_928 = arith.mulf %div3A_908, %add3A_838 : vector<256x128xf32>
    %mul3A_929 = arith.mulf %mul3A_909, %sub3A_823 : vector<256x128xf32>
    %sub3A_930 = arith.subf %mul3A_928, %mul3A_929 : vector<256x128xf32>
    %mul3A_931 = arith.mulf %mul3A_909, %add3A_838 : vector<256x128xf32>
    %mul3A_932 = arith.mulf %div3A_908, %sub3A_823 : vector<256x128xf32>
    %add3A_933 = arith.addf %mul3A_931, %mul3A_932 : vector<256x128xf32>
    %mul3A_934 = arith.mulf %div3A_908, %add3A_927 : vector<256x128xf32>
    %mul3A_935 = arith.mulf %mul3A_909, %add3A_921 : vector<256x128xf32>
    %sub3A_936 = arith.subf %mul3A_934, %mul3A_935 : vector<256x128xf32>
    %mul3A_937 = arith.mulf %mul3A_909, %add3A_927 : vector<256x128xf32>
    %mul3A_938 = arith.mulf %div3A_908, %add3A_921 : vector<256x128xf32>
    %add3A_939 = arith.addf %mul3A_937, %mul3A_938 : vector<256x128xf32>
    %mul3A_940 = arith.mulf %div3A_908, %sub3A_924 : vector<256x128xf32>
    %mul3A_941 = arith.mulf %mul3A_909, %sub3A_918 : vector<256x128xf32>
    %sub3A_942 = arith.subf %mul3A_940, %mul3A_941 : vector<256x128xf32>
    %mul3A_943 = arith.mulf %mul3A_909, %sub3A_924 : vector<256x128xf32>
    %mul3A_944 = arith.mulf %div3A_908, %sub3A_918 : vector<256x128xf32>
    %add3A_945 = arith.addf %mul3A_943, %mul3A_944 : vector<256x128xf32>
    %mul3A_946 = arith.mulf %div3A_908, %add3A_856 : vector<256x128xf32>
    %mul3A_947 = arith.mulf %mul3A_909, %add3A_761 : vector<256x128xf32>
    %sub3A_948 = arith.subf %mul3A_946, %mul3A_947 : vector<256x128xf32>
    %mul3A_949 = arith.mulf %mul3A_909, %add3A_856 : vector<256x128xf32>
    %mul3A_950 = arith.mulf %div3A_908, %add3A_761 : vector<256x128xf32>
    %add3A_951 = arith.addf %mul3A_949, %mul3A_950 : vector<256x128xf32>
    %mul3A_952 = arith.mulf %div3A_908, %add3A_862 : vector<256x128xf32>
    %mul3A_953 = arith.mulf %mul3A_909, %add3A_767 : vector<256x128xf32>
    %sub3A_954 = arith.subf %mul3A_952, %mul3A_953 : vector<256x128xf32>
    %mul3A_955 = arith.mulf %mul3A_909, %add3A_862 : vector<256x128xf32>
    %mul3A_956 = arith.mulf %div3A_908, %add3A_767 : vector<256x128xf32>
    %add3A_957 = arith.addf %mul3A_955, %mul3A_956 : vector<256x128xf32>
    %mul3A_958 = arith.mulf %div3A_908, %add3A_868 : vector<256x128xf32>
    %mul3A_959 = arith.mulf %mul3A_909, %add3A_773 : vector<256x128xf32>
    %sub3A_960 = arith.subf %mul3A_958, %mul3A_959 : vector<256x128xf32>
    %mul3A_961 = arith.mulf %mul3A_909, %add3A_868 : vector<256x128xf32>
    %mul3A_962 = arith.mulf %div3A_908, %add3A_773 : vector<256x128xf32>
    %add3A_963 = arith.addf %mul3A_961, %mul3A_962 : vector<256x128xf32>
    %sub3A_964 = arith.subf %add3A_939, %sub3A_835 : vector<256x128xf32>
    %mul3A_965 = arith.constant 2.000000e+00 : f32
    %mul3A_966 = vector.broadcast %mul3A_965 : f32 to vector<256x128xf32>
    %mul3A_967 = arith.mulf %mul3A_966, %add3A_915 : vector<256x128xf32>
    %div3A_968 = arith.divf %sub3A_964, %mul3A_967 : vector<256x128xf32>
    %sign3A_969 = tpu.bitcast %div3A_968 : vector<256x128xf32> -> vector<256x128xi32>
    %sign3A_970 = arith.constant -2147483648 : i32
    %sign3A_971 = vector.broadcast %sign3A_970 : i32 to vector<256x128xi32>
    %sign3A_972 = arith.andi %sign3A_969, %sign3A_971 : vector<256x128xi32>
    %sign3A_973 = arith.constant 1065353216 : i32
    %sign3A_974 = vector.broadcast %sign3A_973 : i32 to vector<256x128xi32>
    %sign3A_975 = arith.ori %sign3A_974, %sign3A_972 : vector<256x128xi32>
    %sign3A_976 = tpu.bitcast %sign3A_975 : vector<256x128xi32> -> vector<256x128xf32>
    %sign3A_977 = math.absf %div3A_968 : vector<256x128xf32>
    %sign3A_978 = arith.constant 0.000000e+00 : f32
    %sign3A_979 = vector.broadcast %sign3A_978 : f32 to vector<256x128xf32>
    %sign3A_980 = arith.cmpf ogt, %sign3A_977, %sign3A_979 : vector<256x128xf32>
    %sign3A_981 = arith.select %sign3A_980, %sign3A_976, %div3A_968 : vector<256x128xi1>, vector<256x128xf32>
    %abs3A_982 = math.absf %div3A_968 : vector<256x128xf32>
    %mul3A_983 = arith.mulf %div3A_968, %div3A_968 : vector<256x128xf32>
    %add3A_984 = arith.constant 1.000000e+00 : f32
    %add3A_985 = vector.broadcast %add3A_984 : f32 to vector<256x128xf32>
    %add3A_986 = arith.addf %add3A_985, %mul3A_983 : vector<256x128xf32>
    %sqrt3A_987 = math.sqrt %add3A_986 : vector<256x128xf32>
    %add3A_988 = arith.addf %abs3A_982, %sqrt3A_987 : vector<256x128xf32>
    %div3A_989 = arith.divf %sign3A_981, %add3A_988 : vector<256x128xf32>
    %eq3A_990 = arith.constant 0.000000e+00 : f32
    %eq3A_991 = vector.broadcast %eq3A_990 : f32 to vector<256x128xf32>
    %eq3A_992 = arith.cmpf oeq, %add3A_915, %eq3A_991 : vector<256x128xf32>
    %jit3A_993 = arith.constant 0.000000e+00 : f32
    %broadcast_in_dim3A_994 = vector.broadcast %jit3A_993 : f32 to vector<256x128xf32>
    %select_n3A_995 = arith.select %eq3A_992, %broadcast_in_dim3A_994, %div3A_989 : vector<256x128xi1>, vector<256x128xf32>
    %mul3A_996 = arith.mulf %select_n3A_995, %select_n3A_995 : vector<256x128xf32>
    %add3A_997 = arith.constant 1.000000e+00 : f32
    %add3A_998 = vector.broadcast %add3A_997 : f32 to vector<256x128xf32>
    %add3A_999 = arith.addf %add3A_998, %mul3A_996 : vector<256x128xf32>
    %sqrt3A_1000 = math.sqrt %add3A_999 : vector<256x128xf32>
    %div3A_1001 = arith.constant 1.000000e+00 : f32
    %div3A_1002 = vector.broadcast %div3A_1001 : f32 to vector<256x128xf32>
    %div3A_1003 = arith.divf %div3A_1002, %sqrt3A_1000 : vector<256x128xf32>
    %mul3A_1004 = arith.mulf %select_n3A_995, %div3A_1003 : vector<256x128xf32>
    %mul3A_1005 = arith.mulf %div3A_1003, %sub3A_835 : vector<256x128xf32>
    %mul3A_1006 = arith.mulf %mul3A_1004, %add3A_915 : vector<256x128xf32>
    %sub3A_1007 = arith.subf %mul3A_1005, %mul3A_1006 : vector<256x128xf32>
    %mul3A_1008 = arith.mulf %mul3A_1004, %sub3A_835 : vector<256x128xf32>
    %mul3A_1009 = arith.mulf %div3A_1003, %add3A_915 : vector<256x128xf32>
    %add3A_1010 = arith.addf %mul3A_1008, %mul3A_1009 : vector<256x128xf32>
    %mul3A_1011 = arith.mulf %div3A_1003, %add3A_933 : vector<256x128xf32>
    %mul3A_1012 = arith.mulf %mul3A_1004, %add3A_939 : vector<256x128xf32>
    %sub3A_1013 = arith.subf %mul3A_1011, %mul3A_1012 : vector<256x128xf32>
    %mul3A_1014 = arith.mulf %mul3A_1004, %add3A_933 : vector<256x128xf32>
    %mul3A_1015 = arith.mulf %div3A_1003, %add3A_939 : vector<256x128xf32>
    %add3A_1016 = arith.addf %mul3A_1014, %mul3A_1015 : vector<256x128xf32>
    %mul3A_1017 = arith.mulf %div3A_1003, %sub3A_930 : vector<256x128xf32>
    %mul3A_1018 = arith.mulf %mul3A_1004, %sub3A_936 : vector<256x128xf32>
    %sub3A_1019 = arith.subf %mul3A_1017, %mul3A_1018 : vector<256x128xf32>
    %mul3A_1020 = arith.mulf %mul3A_1004, %sub3A_930 : vector<256x128xf32>
    %mul3A_1021 = arith.mulf %div3A_1003, %sub3A_936 : vector<256x128xf32>
    %add3A_1022 = arith.addf %mul3A_1020, %mul3A_1021 : vector<256x128xf32>
    %mul3A_1023 = arith.mulf %div3A_1003, %sub3A_1007 : vector<256x128xf32>
    %mul3A_1024 = arith.mulf %mul3A_1004, %sub3A_1013 : vector<256x128xf32>
    %sub3A_1025 = arith.subf %mul3A_1023, %mul3A_1024 : vector<256x128xf32>
    %mul3A_1026 = arith.mulf %mul3A_1004, %sub3A_1007 : vector<256x128xf32>
    %mul3A_1027 = arith.mulf %div3A_1003, %sub3A_1013 : vector<256x128xf32>
    %add3A_1028 = arith.addf %mul3A_1026, %mul3A_1027 : vector<256x128xf32>
    %mul3A_1029 = arith.mulf %div3A_1003, %add3A_1010 : vector<256x128xf32>
    %mul3A_1030 = arith.mulf %mul3A_1004, %add3A_1016 : vector<256x128xf32>
    %sub3A_1031 = arith.subf %mul3A_1029, %mul3A_1030 : vector<256x128xf32>
    %mul3A_1032 = arith.mulf %mul3A_1004, %add3A_1010 : vector<256x128xf32>
    %mul3A_1033 = arith.mulf %div3A_1003, %add3A_1016 : vector<256x128xf32>
    %add3A_1034 = arith.addf %mul3A_1032, %mul3A_1033 : vector<256x128xf32>
    %mul3A_1035 = arith.mulf %div3A_1003, %sub3A_912 : vector<256x128xf32>
    %mul3A_1036 = arith.mulf %mul3A_1004, %add3A_945 : vector<256x128xf32>
    %sub3A_1037 = arith.subf %mul3A_1035, %mul3A_1036 : vector<256x128xf32>
    %mul3A_1038 = arith.mulf %mul3A_1004, %sub3A_912 : vector<256x128xf32>
    %mul3A_1039 = arith.mulf %div3A_1003, %add3A_945 : vector<256x128xf32>
    %add3A_1040 = arith.addf %mul3A_1038, %mul3A_1039 : vector<256x128xf32>
    %mul3A_1041 = arith.mulf %div3A_1003, %sub3A_853 : vector<256x128xf32>
    %mul3A_1042 = arith.mulf %mul3A_1004, %add3A_951 : vector<256x128xf32>
    %sub3A_1043 = arith.subf %mul3A_1041, %mul3A_1042 : vector<256x128xf32>
    %mul3A_1044 = arith.mulf %mul3A_1004, %sub3A_853 : vector<256x128xf32>
    %mul3A_1045 = arith.mulf %div3A_1003, %add3A_951 : vector<256x128xf32>
    %add3A_1046 = arith.addf %mul3A_1044, %mul3A_1045 : vector<256x128xf32>
    %mul3A_1047 = arith.mulf %div3A_1003, %sub3A_859 : vector<256x128xf32>
    %mul3A_1048 = arith.mulf %mul3A_1004, %add3A_957 : vector<256x128xf32>
    %sub3A_1049 = arith.subf %mul3A_1047, %mul3A_1048 : vector<256x128xf32>
    %mul3A_1050 = arith.mulf %mul3A_1004, %sub3A_859 : vector<256x128xf32>
    %mul3A_1051 = arith.mulf %div3A_1003, %add3A_957 : vector<256x128xf32>
    %add3A_1052 = arith.addf %mul3A_1050, %mul3A_1051 : vector<256x128xf32>
    %mul3A_1053 = arith.mulf %div3A_1003, %sub3A_865 : vector<256x128xf32>
    %mul3A_1054 = arith.mulf %mul3A_1004, %add3A_963 : vector<256x128xf32>
    %sub3A_1055 = arith.subf %mul3A_1053, %mul3A_1054 : vector<256x128xf32>
    %mul3A_1056 = arith.mulf %mul3A_1004, %sub3A_865 : vector<256x128xf32>
    %mul3A_1057 = arith.mulf %div3A_1003, %add3A_963 : vector<256x128xf32>
    %add3A_1058 = arith.addf %mul3A_1056, %mul3A_1057 : vector<256x128xf32>
    %sub3A_1059 = arith.subf %sub3A_942, %sub3A_1025 : vector<256x128xf32>
    %mul3A_1060 = arith.constant 2.000000e+00 : f32
    %mul3A_1061 = vector.broadcast %mul3A_1060 : f32 to vector<256x128xf32>
    %mul3A_1062 = arith.mulf %mul3A_1061, %sub3A_1037 : vector<256x128xf32>
    %div3A_1063 = arith.divf %sub3A_1059, %mul3A_1062 : vector<256x128xf32>
    %sign3A_1064 = tpu.bitcast %div3A_1063 : vector<256x128xf32> -> vector<256x128xi32>
    %sign3A_1065 = arith.constant -2147483648 : i32
    %sign3A_1066 = vector.broadcast %sign3A_1065 : i32 to vector<256x128xi32>
    %sign3A_1067 = arith.andi %sign3A_1064, %sign3A_1066 : vector<256x128xi32>
    %sign3A_1068 = arith.constant 1065353216 : i32
    %sign3A_1069 = vector.broadcast %sign3A_1068 : i32 to vector<256x128xi32>
    %sign3A_1070 = arith.ori %sign3A_1069, %sign3A_1067 : vector<256x128xi32>
    %sign3A_1071 = tpu.bitcast %sign3A_1070 : vector<256x128xi32> -> vector<256x128xf32>
    %sign3A_1072 = math.absf %div3A_1063 : vector<256x128xf32>
    %sign3A_1073 = arith.constant 0.000000e+00 : f32
    %sign3A_1074 = vector.broadcast %sign3A_1073 : f32 to vector<256x128xf32>
    %sign3A_1075 = arith.cmpf ogt, %sign3A_1072, %sign3A_1074 : vector<256x128xf32>
    %sign3A_1076 = arith.select %sign3A_1075, %sign3A_1071, %div3A_1063 : vector<256x128xi1>, vector<256x128xf32>
    %abs3A_1077 = math.absf %div3A_1063 : vector<256x128xf32>
    %mul3A_1078 = arith.mulf %div3A_1063, %div3A_1063 : vector<256x128xf32>
    %add3A_1079 = arith.constant 1.000000e+00 : f32
    %add3A_1080 = vector.broadcast %add3A_1079 : f32 to vector<256x128xf32>
    %add3A_1081 = arith.addf %add3A_1080, %mul3A_1078 : vector<256x128xf32>
    %sqrt3A_1082 = math.sqrt %add3A_1081 : vector<256x128xf32>
    %add3A_1083 = arith.addf %abs3A_1077, %sqrt3A_1082 : vector<256x128xf32>
    %div3A_1084 = arith.divf %sign3A_1076, %add3A_1083 : vector<256x128xf32>
    %eq3A_1085 = arith.constant 0.000000e+00 : f32
    %eq3A_1086 = vector.broadcast %eq3A_1085 : f32 to vector<256x128xf32>
    %eq3A_1087 = arith.cmpf oeq, %sub3A_1037, %eq3A_1086 : vector<256x128xf32>
    %jit3A_1088 = arith.constant 0.000000e+00 : f32
    %broadcast_in_dim3A_1089 = vector.broadcast %jit3A_1088 : f32 to vector<256x128xf32>
    %select_n3A_1090 = arith.select %eq3A_1087, %broadcast_in_dim3A_1089, %div3A_1084 : vector<256x128xi1>, vector<256x128xf32>
    %mul3A_1091 = arith.mulf %select_n3A_1090, %select_n3A_1090 : vector<256x128xf32>
    %add3A_1092 = arith.constant 1.000000e+00 : f32
    %add3A_1093 = vector.broadcast %add3A_1092 : f32 to vector<256x128xf32>
    %add3A_1094 = arith.addf %add3A_1093, %mul3A_1091 : vector<256x128xf32>
    %sqrt3A_1095 = math.sqrt %add3A_1094 : vector<256x128xf32>
    %div3A_1096 = arith.constant 1.000000e+00 : f32
    %div3A_1097 = vector.broadcast %div3A_1096 : f32 to vector<256x128xf32>
    %div3A_1098 = arith.divf %div3A_1097, %sqrt3A_1095 : vector<256x128xf32>
    %mul3A_1099 = arith.mulf %select_n3A_1090, %div3A_1098 : vector<256x128xf32>
    %mul3A_1100 = arith.mulf %div3A_1098, %sub3A_1025 : vector<256x128xf32>
    %mul3A_1101 = arith.mulf %mul3A_1099, %sub3A_1037 : vector<256x128xf32>
    %sub3A_1102 = arith.subf %mul3A_1100, %mul3A_1101 : vector<256x128xf32>
    %mul3A_1103 = arith.mulf %mul3A_1099, %sub3A_1025 : vector<256x128xf32>
    %mul3A_1104 = arith.mulf %div3A_1098, %sub3A_1037 : vector<256x128xf32>
    %add3A_1105 = arith.addf %mul3A_1103, %mul3A_1104 : vector<256x128xf32>
    %mul3A_1106 = arith.mulf %div3A_1098, %add3A_1028 : vector<256x128xf32>
    %mul3A_1107 = arith.mulf %mul3A_1099, %add3A_1040 : vector<256x128xf32>
    %sub3A_1108 = arith.subf %mul3A_1106, %mul3A_1107 : vector<256x128xf32>
    %mul3A_1109 = arith.mulf %mul3A_1099, %add3A_1028 : vector<256x128xf32>
    %mul3A_1110 = arith.mulf %div3A_1098, %add3A_1040 : vector<256x128xf32>
    %add3A_1111 = arith.addf %mul3A_1109, %mul3A_1110 : vector<256x128xf32>
    %mul3A_1112 = arith.mulf %div3A_1098, %sub3A_1019 : vector<256x128xf32>
    %mul3A_1113 = arith.mulf %mul3A_1099, %sub3A_942 : vector<256x128xf32>
    %sub3A_1114 = arith.subf %mul3A_1112, %mul3A_1113 : vector<256x128xf32>
    %mul3A_1115 = arith.mulf %mul3A_1099, %sub3A_1019 : vector<256x128xf32>
    %mul3A_1116 = arith.mulf %div3A_1098, %sub3A_942 : vector<256x128xf32>
    %add3A_1117 = arith.addf %mul3A_1115, %mul3A_1116 : vector<256x128xf32>
    %mul3A_1118 = arith.mulf %div3A_1098, %sub3A_1102 : vector<256x128xf32>
    %mul3A_1119 = arith.mulf %mul3A_1099, %sub3A_1114 : vector<256x128xf32>
    %sub3A_1120 = arith.subf %mul3A_1118, %mul3A_1119 : vector<256x128xf32>
    %mul3A_1121 = arith.mulf %mul3A_1099, %sub3A_1102 : vector<256x128xf32>
    %mul3A_1122 = arith.mulf %div3A_1098, %sub3A_1114 : vector<256x128xf32>
    %add3A_1123 = arith.addf %mul3A_1121, %mul3A_1122 : vector<256x128xf32>
    %mul3A_1124 = arith.mulf %div3A_1098, %sub3A_1031 : vector<256x128xf32>
    %mul3A_1125 = arith.mulf %mul3A_1099, %add3A_1022 : vector<256x128xf32>
    %sub3A_1126 = arith.subf %mul3A_1124, %mul3A_1125 : vector<256x128xf32>
    %mul3A_1127 = arith.mulf %mul3A_1099, %sub3A_1031 : vector<256x128xf32>
    %mul3A_1128 = arith.mulf %div3A_1098, %add3A_1022 : vector<256x128xf32>
    %add3A_1129 = arith.addf %mul3A_1127, %mul3A_1128 : vector<256x128xf32>
    %mul3A_1130 = arith.mulf %div3A_1098, %add3A_1105 : vector<256x128xf32>
    %mul3A_1131 = arith.mulf %mul3A_1099, %add3A_1117 : vector<256x128xf32>
    %sub3A_1132 = arith.subf %mul3A_1130, %mul3A_1131 : vector<256x128xf32>
    %mul3A_1133 = arith.mulf %mul3A_1099, %add3A_1105 : vector<256x128xf32>
    %mul3A_1134 = arith.mulf %div3A_1098, %add3A_1117 : vector<256x128xf32>
    %add3A_1135 = arith.addf %mul3A_1133, %mul3A_1134 : vector<256x128xf32>
    %mul3A_1136 = arith.mulf %div3A_1098, %sub3A_1043 : vector<256x128xf32>
    %mul3A_1137 = arith.mulf %mul3A_1099, %sub3A_948 : vector<256x128xf32>
    %sub3A_1138 = arith.subf %mul3A_1136, %mul3A_1137 : vector<256x128xf32>
    %mul3A_1139 = arith.mulf %mul3A_1099, %sub3A_1043 : vector<256x128xf32>
    %mul3A_1140 = arith.mulf %div3A_1098, %sub3A_948 : vector<256x128xf32>
    %add3A_1141 = arith.addf %mul3A_1139, %mul3A_1140 : vector<256x128xf32>
    %mul3A_1142 = arith.mulf %div3A_1098, %sub3A_1049 : vector<256x128xf32>
    %mul3A_1143 = arith.mulf %mul3A_1099, %sub3A_954 : vector<256x128xf32>
    %sub3A_1144 = arith.subf %mul3A_1142, %mul3A_1143 : vector<256x128xf32>
    %mul3A_1145 = arith.mulf %mul3A_1099, %sub3A_1049 : vector<256x128xf32>
    %mul3A_1146 = arith.mulf %div3A_1098, %sub3A_954 : vector<256x128xf32>
    %add3A_1147 = arith.addf %mul3A_1145, %mul3A_1146 : vector<256x128xf32>
    %mul3A_1148 = arith.mulf %div3A_1098, %sub3A_1055 : vector<256x128xf32>
    %mul3A_1149 = arith.mulf %mul3A_1099, %sub3A_960 : vector<256x128xf32>
    %sub3A_1150 = arith.subf %mul3A_1148, %mul3A_1149 : vector<256x128xf32>
    %mul3A_1151 = arith.mulf %mul3A_1099, %sub3A_1055 : vector<256x128xf32>
    %mul3A_1152 = arith.mulf %div3A_1098, %sub3A_960 : vector<256x128xf32>
    %add3A_1153 = arith.addf %mul3A_1151, %mul3A_1152 : vector<256x128xf32>
    %sub3A_1154 = arith.subf %add3A_1034, %add3A_1135 : vector<256x128xf32>
    %mul3A_1155 = arith.constant 2.000000e+00 : f32
    %mul3A_1156 = vector.broadcast %mul3A_1155 : f32 to vector<256x128xf32>
    %mul3A_1157 = arith.mulf %mul3A_1156, %add3A_1129 : vector<256x128xf32>
    %div3A_1158 = arith.divf %sub3A_1154, %mul3A_1157 : vector<256x128xf32>
    %sign3A_1159 = tpu.bitcast %div3A_1158 : vector<256x128xf32> -> vector<256x128xi32>
    %sign3A_1160 = arith.constant -2147483648 : i32
    %sign3A_1161 = vector.broadcast %sign3A_1160 : i32 to vector<256x128xi32>
    %sign3A_1162 = arith.andi %sign3A_1159, %sign3A_1161 : vector<256x128xi32>
    %sign3A_1163 = arith.constant 1065353216 : i32
    %sign3A_1164 = vector.broadcast %sign3A_1163 : i32 to vector<256x128xi32>
    %sign3A_1165 = arith.ori %sign3A_1164, %sign3A_1162 : vector<256x128xi32>
    %sign3A_1166 = tpu.bitcast %sign3A_1165 : vector<256x128xi32> -> vector<256x128xf32>
    %sign3A_1167 = math.absf %div3A_1158 : vector<256x128xf32>
    %sign3A_1168 = arith.constant 0.000000e+00 : f32
    %sign3A_1169 = vector.broadcast %sign3A_1168 : f32 to vector<256x128xf32>
    %sign3A_1170 = arith.cmpf ogt, %sign3A_1167, %sign3A_1169 : vector<256x128xf32>
    %sign3A_1171 = arith.select %sign3A_1170, %sign3A_1166, %div3A_1158 : vector<256x128xi1>, vector<256x128xf32>
    %abs3A_1172 = math.absf %div3A_1158 : vector<256x128xf32>
    %mul3A_1173 = arith.mulf %div3A_1158, %div3A_1158 : vector<256x128xf32>
    %add3A_1174 = arith.constant 1.000000e+00 : f32
    %add3A_1175 = vector.broadcast %add3A_1174 : f32 to vector<256x128xf32>
    %add3A_1176 = arith.addf %add3A_1175, %mul3A_1173 : vector<256x128xf32>
    %sqrt3A_1177 = math.sqrt %add3A_1176 : vector<256x128xf32>
    %add3A_1178 = arith.addf %abs3A_1172, %sqrt3A_1177 : vector<256x128xf32>
    %div3A_1179 = arith.divf %sign3A_1171, %add3A_1178 : vector<256x128xf32>
    %eq3A_1180 = arith.constant 0.000000e+00 : f32
    %eq3A_1181 = vector.broadcast %eq3A_1180 : f32 to vector<256x128xf32>
    %eq3A_1182 = arith.cmpf oeq, %add3A_1129, %eq3A_1181 : vector<256x128xf32>
    %jit3A_1183 = arith.constant 0.000000e+00 : f32
    %broadcast_in_dim3A_1184 = vector.broadcast %jit3A_1183 : f32 to vector<256x128xf32>
    %select_n3A_1185 = arith.select %eq3A_1182, %broadcast_in_dim3A_1184, %div3A_1179 : vector<256x128xi1>, vector<256x128xf32>
    %mul3A_1186 = arith.mulf %select_n3A_1185, %select_n3A_1185 : vector<256x128xf32>
    %add3A_1187 = arith.constant 1.000000e+00 : f32
    %add3A_1188 = vector.broadcast %add3A_1187 : f32 to vector<256x128xf32>
    %add3A_1189 = arith.addf %add3A_1188, %mul3A_1186 : vector<256x128xf32>
    %sqrt3A_1190 = math.sqrt %add3A_1189 : vector<256x128xf32>
    %div3A_1191 = arith.constant 1.000000e+00 : f32
    %div3A_1192 = vector.broadcast %div3A_1191 : f32 to vector<256x128xf32>
    %div3A_1193 = arith.divf %div3A_1192, %sqrt3A_1190 : vector<256x128xf32>
    %mul3A_1194 = arith.mulf %select_n3A_1185, %div3A_1193 : vector<256x128xf32>
    %mul3A_1195 = arith.mulf %mul3A_1194, %sub3A_1132 : vector<256x128xf32>
    %mul3A_1196 = arith.mulf %div3A_1193, %sub3A_1126 : vector<256x128xf32>
    %add3A_1197 = arith.addf %mul3A_1195, %mul3A_1196 : vector<256x128xf32>
    %mul3A_1198 = arith.mulf %div3A_1193, %add3A_1111 : vector<256x128xf32>
    %mul3A_1199 = arith.mulf %mul3A_1194, %add3A_1034 : vector<256x128xf32>
    %sub3A_1200 = arith.subf %mul3A_1198, %mul3A_1199 : vector<256x128xf32>
    %mul3A_1201 = arith.mulf %mul3A_1194, %add3A_1111 : vector<256x128xf32>
    %mul3A_1202 = arith.mulf %div3A_1193, %add3A_1034 : vector<256x128xf32>
    %add3A_1203 = arith.addf %mul3A_1201, %mul3A_1202 : vector<256x128xf32>
    %mul3A_1204 = arith.mulf %div3A_1193, %add3A_1135 : vector<256x128xf32>
    %mul3A_1205 = arith.mulf %mul3A_1194, %add3A_1129 : vector<256x128xf32>
    %sub3A_1206 = arith.subf %mul3A_1204, %mul3A_1205 : vector<256x128xf32>
    %mul3A_1207 = arith.mulf %mul3A_1194, %add3A_1135 : vector<256x128xf32>
    %mul3A_1208 = arith.mulf %div3A_1193, %add3A_1129 : vector<256x128xf32>
    %add3A_1209 = arith.addf %mul3A_1207, %mul3A_1208 : vector<256x128xf32>
    %mul3A_1210 = arith.mulf %mul3A_1194, %add3A_1123 : vector<256x128xf32>
    %mul3A_1211 = arith.mulf %div3A_1193, %sub3A_1108 : vector<256x128xf32>
    %add3A_1212 = arith.addf %mul3A_1210, %mul3A_1211 : vector<256x128xf32>
    %mul3A_1213 = arith.mulf %mul3A_1194, %add3A_1209 : vector<256x128xf32>
    %mul3A_1214 = arith.mulf %div3A_1193, %add3A_1203 : vector<256x128xf32>
    %add3A_1215 = arith.addf %mul3A_1213, %mul3A_1214 : vector<256x128xf32>
    %mul3A_1216 = arith.mulf %div3A_1193, %sub3A_1206 : vector<256x128xf32>
    %mul3A_1217 = arith.mulf %mul3A_1194, %sub3A_1200 : vector<256x128xf32>
    %sub3A_1218 = arith.subf %mul3A_1216, %mul3A_1217 : vector<256x128xf32>
    %mul3A_1219 = arith.mulf %div3A_1193, %add3A_1141 : vector<256x128xf32>
    %mul3A_1220 = arith.mulf %mul3A_1194, %add3A_1046 : vector<256x128xf32>
    %sub3A_1221 = arith.subf %mul3A_1219, %mul3A_1220 : vector<256x128xf32>
    %mul3A_1222 = arith.mulf %mul3A_1194, %add3A_1141 : vector<256x128xf32>
    %mul3A_1223 = arith.mulf %div3A_1193, %add3A_1046 : vector<256x128xf32>
    %add3A_1224 = arith.addf %mul3A_1222, %mul3A_1223 : vector<256x128xf32>
    %mul3A_1225 = arith.mulf %div3A_1193, %add3A_1147 : vector<256x128xf32>
    %mul3A_1226 = arith.mulf %mul3A_1194, %add3A_1052 : vector<256x128xf32>
    %sub3A_1227 = arith.subf %mul3A_1225, %mul3A_1226 : vector<256x128xf32>
    %mul3A_1228 = arith.mulf %mul3A_1194, %add3A_1147 : vector<256x128xf32>
    %mul3A_1229 = arith.mulf %div3A_1193, %add3A_1052 : vector<256x128xf32>
    %add3A_1230 = arith.addf %mul3A_1228, %mul3A_1229 : vector<256x128xf32>
    %mul3A_1231 = arith.mulf %div3A_1193, %add3A_1153 : vector<256x128xf32>
    %mul3A_1232 = arith.mulf %mul3A_1194, %add3A_1058 : vector<256x128xf32>
    %sub3A_1233 = arith.subf %mul3A_1231, %mul3A_1232 : vector<256x128xf32>
    %mul3A_1234 = arith.mulf %mul3A_1194, %add3A_1153 : vector<256x128xf32>
    %mul3A_1235 = arith.mulf %div3A_1193, %add3A_1058 : vector<256x128xf32>
    %add3A_1236 = arith.addf %mul3A_1234, %mul3A_1235 : vector<256x128xf32>
    %sub3A_1237 = arith.subf %add3A_1215, %sub3A_1120 : vector<256x128xf32>
    %mul3A_1238 = arith.constant 2.000000e+00 : f32
    %mul3A_1239 = vector.broadcast %mul3A_1238 : f32 to vector<256x128xf32>
    %mul3A_1240 = arith.mulf %mul3A_1239, %add3A_1197 : vector<256x128xf32>
    %div3A_1241 = arith.divf %sub3A_1237, %mul3A_1240 : vector<256x128xf32>
    %sign3A_1242 = tpu.bitcast %div3A_1241 : vector<256x128xf32> -> vector<256x128xi32>
    %sign3A_1243 = arith.constant -2147483648 : i32
    %sign3A_1244 = vector.broadcast %sign3A_1243 : i32 to vector<256x128xi32>
    %sign3A_1245 = arith.andi %sign3A_1242, %sign3A_1244 : vector<256x128xi32>
    %sign3A_1246 = arith.constant 1065353216 : i32
    %sign3A_1247 = vector.broadcast %sign3A_1246 : i32 to vector<256x128xi32>
    %sign3A_1248 = arith.ori %sign3A_1247, %sign3A_1245 : vector<256x128xi32>
    %sign3A_1249 = tpu.bitcast %sign3A_1248 : vector<256x128xi32> -> vector<256x128xf32>
    %sign3A_1250 = math.absf %div3A_1241 : vector<256x128xf32>
    %sign3A_1251 = arith.constant 0.000000e+00 : f32
    %sign3A_1252 = vector.broadcast %sign3A_1251 : f32 to vector<256x128xf32>
    %sign3A_1253 = arith.cmpf ogt, %sign3A_1250, %sign3A_1252 : vector<256x128xf32>
    %sign3A_1254 = arith.select %sign3A_1253, %sign3A_1249, %div3A_1241 : vector<256x128xi1>, vector<256x128xf32>
    %abs3A_1255 = math.absf %div3A_1241 : vector<256x128xf32>
    %mul3A_1256 = arith.mulf %div3A_1241, %div3A_1241 : vector<256x128xf32>
    %add3A_1257 = arith.constant 1.000000e+00 : f32
    %add3A_1258 = vector.broadcast %add3A_1257 : f32 to vector<256x128xf32>
    %add3A_1259 = arith.addf %add3A_1258, %mul3A_1256 : vector<256x128xf32>
    %sqrt3A_1260 = math.sqrt %add3A_1259 : vector<256x128xf32>
    %add3A_1261 = arith.addf %abs3A_1255, %sqrt3A_1260 : vector<256x128xf32>
    %div3A_1262 = arith.divf %sign3A_1254, %add3A_1261 : vector<256x128xf32>
    %eq3A_1263 = arith.constant 0.000000e+00 : f32
    %eq3A_1264 = vector.broadcast %eq3A_1263 : f32 to vector<256x128xf32>
    %eq3A_1265 = arith.cmpf oeq, %add3A_1197, %eq3A_1264 : vector<256x128xf32>
    %jit3A_1266 = arith.constant 0.000000e+00 : f32
    %broadcast_in_dim3A_1267 = vector.broadcast %jit3A_1266 : f32 to vector<256x128xf32>
    %select_n3A_1268 = arith.select %eq3A_1265, %broadcast_in_dim3A_1267, %div3A_1262 : vector<256x128xi1>, vector<256x128xf32>
    %mul3A_1269 = arith.mulf %select_n3A_1268, %select_n3A_1268 : vector<256x128xf32>
    %add3A_1270 = arith.constant 1.000000e+00 : f32
    %add3A_1271 = vector.broadcast %add3A_1270 : f32 to vector<256x128xf32>
    %add3A_1272 = arith.addf %add3A_1271, %mul3A_1269 : vector<256x128xf32>
    %sqrt3A_1273 = math.sqrt %add3A_1272 : vector<256x128xf32>
    %div3A_1274 = arith.constant 1.000000e+00 : f32
    %div3A_1275 = vector.broadcast %div3A_1274 : f32 to vector<256x128xf32>
    %div3A_1276 = arith.divf %div3A_1275, %sqrt3A_1273 : vector<256x128xf32>
    %mul3A_1277 = arith.mulf %select_n3A_1268, %div3A_1276 : vector<256x128xf32>
    %mul3A_1278 = arith.mulf %div3A_1276, %sub3A_1120 : vector<256x128xf32>
    %mul3A_1279 = arith.mulf %mul3A_1277, %add3A_1197 : vector<256x128xf32>
    %sub3A_1280 = arith.subf %mul3A_1278, %mul3A_1279 : vector<256x128xf32>
    %mul3A_1281 = arith.mulf %mul3A_1277, %sub3A_1120 : vector<256x128xf32>
    %mul3A_1282 = arith.mulf %div3A_1276, %add3A_1197 : vector<256x128xf32>
    %add3A_1283 = arith.addf %mul3A_1281, %mul3A_1282 : vector<256x128xf32>
    %mul3A_1284 = arith.mulf %div3A_1276, %add3A_1212 : vector<256x128xf32>
    %mul3A_1285 = arith.mulf %mul3A_1277, %add3A_1215 : vector<256x128xf32>
    %sub3A_1286 = arith.subf %mul3A_1284, %mul3A_1285 : vector<256x128xf32>
    %mul3A_1287 = arith.mulf %mul3A_1277, %add3A_1212 : vector<256x128xf32>
    %mul3A_1288 = arith.mulf %div3A_1276, %add3A_1215 : vector<256x128xf32>
    %add3A_1289 = arith.addf %mul3A_1287, %mul3A_1288 : vector<256x128xf32>
    %mul3A_1290 = arith.mulf %div3A_1276, %sub3A_1280 : vector<256x128xf32>
    %mul3A_1291 = arith.mulf %mul3A_1277, %sub3A_1286 : vector<256x128xf32>
    %sub3A_1292 = arith.subf %mul3A_1290, %mul3A_1291 : vector<256x128xf32>
    %mul3A_1293 = arith.mulf %mul3A_1277, %add3A_1283 : vector<256x128xf32>
    %mul3A_1294 = arith.mulf %div3A_1276, %add3A_1289 : vector<256x128xf32>
    %add3A_1295 = arith.addf %mul3A_1293, %mul3A_1294 : vector<256x128xf32>
    %mul3A_1296 = arith.mulf %div3A_1276, %sub3A_1138 : vector<256x128xf32>
    %mul3A_1297 = arith.mulf %mul3A_1277, %add3A_1224 : vector<256x128xf32>
    %sub3A_1298 = arith.subf %mul3A_1296, %mul3A_1297 : vector<256x128xf32>
    %mul3A_1299 = arith.mulf %mul3A_1277, %sub3A_1138 : vector<256x128xf32>
    %mul3A_1300 = arith.mulf %div3A_1276, %add3A_1224 : vector<256x128xf32>
    %add3A_1301 = arith.addf %mul3A_1299, %mul3A_1300 : vector<256x128xf32>
    %mul3A_1302 = arith.mulf %div3A_1276, %sub3A_1144 : vector<256x128xf32>
    %mul3A_1303 = arith.mulf %mul3A_1277, %add3A_1230 : vector<256x128xf32>
    %sub3A_1304 = arith.subf %mul3A_1302, %mul3A_1303 : vector<256x128xf32>
    %mul3A_1305 = arith.mulf %mul3A_1277, %sub3A_1144 : vector<256x128xf32>
    %mul3A_1306 = arith.mulf %div3A_1276, %add3A_1230 : vector<256x128xf32>
    %add3A_1307 = arith.addf %mul3A_1305, %mul3A_1306 : vector<256x128xf32>
    %mul3A_1308 = arith.mulf %div3A_1276, %sub3A_1150 : vector<256x128xf32>
    %mul3A_1309 = arith.mulf %mul3A_1277, %add3A_1236 : vector<256x128xf32>
    %sub3A_1310 = arith.subf %mul3A_1308, %mul3A_1309 : vector<256x128xf32>
    %mul3A_1311 = arith.mulf %mul3A_1277, %sub3A_1150 : vector<256x128xf32>
    %mul3A_1312 = arith.mulf %div3A_1276, %add3A_1236 : vector<256x128xf32>
    %add3A_1313 = arith.addf %mul3A_1311, %mul3A_1312 : vector<256x128xf32>
    %lt3A = arith.cmpf olt, %add3A_1295, %sub3A_1292 : vector<256x128xf32>
    %select_n3A_1314 = arith.select %lt3A, %add3A_1295, %sub3A_1292 : vector<256x128xi1>, vector<256x128xf32>
    %select_n3A_1315 = arith.select %lt3A, %sub3A_1292, %add3A_1295 : vector<256x128xi1>, vector<256x128xf32>
    %select_n3A_1316 = arith.select %lt3A, %add3A_1301, %sub3A_1298 : vector<256x128xi1>, vector<256x128xf32>
    %select_n3A_1317 = arith.select %lt3A, %sub3A_1298, %add3A_1301 : vector<256x128xi1>, vector<256x128xf32>
    %select_n3A_1318 = arith.select %lt3A, %add3A_1307, %sub3A_1304 : vector<256x128xi1>, vector<256x128xf32>
    %select_n3A_1319 = arith.select %lt3A, %sub3A_1304, %add3A_1307 : vector<256x128xi1>, vector<256x128xf32>
    %select_n3A_1320 = arith.select %lt3A, %add3A_1313, %sub3A_1310 : vector<256x128xi1>, vector<256x128xf32>
    %select_n3A_1321 = arith.select %lt3A, %sub3A_1310, %add3A_1313 : vector<256x128xi1>, vector<256x128xf32>
    %lt3A_1322 = arith.cmpf olt, %sub3A_1218, %select_n3A_1315 : vector<256x128xf32>
    %select_n3A_1323 = arith.select %lt3A_1322, %sub3A_1218, %select_n3A_1315 : vector<256x128xi1>, vector<256x128xf32>
    %select_n3A_1324 = arith.select %lt3A_1322, %sub3A_1221, %select_n3A_1317 : vector<256x128xi1>, vector<256x128xf32>
    %select_n3A_1325 = arith.select %lt3A_1322, %select_n3A_1317, %sub3A_1221 : vector<256x128xi1>, vector<256x128xf32>
    %select_n3A_1326 = arith.select %lt3A_1322, %sub3A_1227, %select_n3A_1319 : vector<256x128xi1>, vector<256x128xf32>
    %select_n3A_1327 = arith.select %lt3A_1322, %select_n3A_1319, %sub3A_1227 : vector<256x128xi1>, vector<256x128xf32>
    %select_n3A_1328 = arith.select %lt3A_1322, %sub3A_1233, %select_n3A_1321 : vector<256x128xi1>, vector<256x128xf32>
    %select_n3A_1329 = arith.select %lt3A_1322, %select_n3A_1321, %sub3A_1233 : vector<256x128xi1>, vector<256x128xf32>
    %lt3A_1330 = arith.cmpf olt, %select_n3A_1323, %select_n3A_1314 : vector<256x128xf32>
    %select_n3A_1331 = arith.select %lt3A_1330, %select_n3A_1324, %select_n3A_1316 : vector<256x128xi1>, vector<256x128xf32>
    %select_n3A_1332 = arith.select %lt3A_1330, %select_n3A_1316, %select_n3A_1324 : vector<256x128xi1>, vector<256x128xf32>
    %select_n3A_1333 = arith.select %lt3A_1330, %select_n3A_1326, %select_n3A_1318 : vector<256x128xi1>, vector<256x128xf32>
    %select_n3A_1334 = arith.select %lt3A_1330, %select_n3A_1318, %select_n3A_1326 : vector<256x128xi1>, vector<256x128xf32>
    %select_n3A_1335 = arith.select %lt3A_1330, %select_n3A_1328, %select_n3A_1320 : vector<256x128xi1>, vector<256x128xf32>
    %select_n3A_1336 = arith.select %lt3A_1330, %select_n3A_1320, %select_n3A_1328 : vector<256x128xi1>, vector<256x128xf32>
    %convert_element_type3A_1337 = arith.truncf %get3A_3 : vector<256x128xf32> to vector<256x128xbf16>
    %convert_element_type3A_1338 = arith.extf %convert_element_type3A_1337 : vector<256x128xbf16> to vector<256x128xf32>
    %convert_element_type3A_1339 = arith.truncf %get3A_8 : vector<256x128xf32> to vector<256x128xbf16>
    %convert_element_type3A_1340 = arith.extf %convert_element_type3A_1339 : vector<256x128xbf16> to vector<256x128xf32>
    %convert_element_type3A_1341 = arith.truncf %get3A_13 : vector<256x128xf32> to vector<256x128xbf16>
    %convert_element_type3A_1342 = arith.extf %convert_element_type3A_1341 : vector<256x128xbf16> to vector<256x128xf32>
    %convert_element_type3A_1343 = arith.truncf %get3A_18 : vector<256x128xf32> to vector<256x128xbf16>
    %convert_element_type3A_1344 = arith.extf %convert_element_type3A_1343 : vector<256x128xbf16> to vector<256x128xf32>
    %convert_element_type3A_1345 = arith.truncf %get3A_23 : vector<256x128xf32> to vector<256x128xbf16>
    %convert_element_type3A_1346 = arith.extf %convert_element_type3A_1345 : vector<256x128xbf16> to vector<256x128xf32>
    %convert_element_type3A_1347 = arith.truncf %get3A_28 : vector<256x128xf32> to vector<256x128xbf16>
    %convert_element_type3A_1348 = arith.extf %convert_element_type3A_1347 : vector<256x128xbf16> to vector<256x128xf32>
    %convert_element_type3A_1349 = arith.truncf %get3A_33 : vector<256x128xf32> to vector<256x128xbf16>
    %convert_element_type3A_1350 = arith.extf %convert_element_type3A_1349 : vector<256x128xbf16> to vector<256x128xf32>
    %convert_element_type3A_1351 = arith.truncf %get3A_38 : vector<256x128xf32> to vector<256x128xbf16>
    %convert_element_type3A_1352 = arith.extf %convert_element_type3A_1351 : vector<256x128xbf16> to vector<256x128xf32>
    %convert_element_type3A_1353 = arith.truncf %get3A_43 : vector<256x128xf32> to vector<256x128xbf16>
    %convert_element_type3A_1354 = arith.extf %convert_element_type3A_1353 : vector<256x128xbf16> to vector<256x128xf32>
    %convert_element_type3A_1355 = arith.truncf %get3A_48 : vector<256x128xf32> to vector<256x128xbf16>
    %convert_element_type3A_1356 = arith.extf %convert_element_type3A_1355 : vector<256x128xbf16> to vector<256x128xf32>
    %convert_element_type3A_1357 = arith.truncf %get3A_53 : vector<256x128xf32> to vector<256x128xbf16>
    %convert_element_type3A_1358 = arith.extf %convert_element_type3A_1357 : vector<256x128xbf16> to vector<256x128xf32>
    %convert_element_type3A_1359 = arith.truncf %get3A_58 : vector<256x128xf32> to vector<256x128xbf16>
    %convert_element_type3A_1360 = arith.extf %convert_element_type3A_1359 : vector<256x128xbf16> to vector<256x128xf32>
    %convert_element_type3A_1361 = arith.truncf %get3A_63 : vector<256x128xf32> to vector<256x128xbf16>
    %convert_element_type3A_1362 = arith.extf %convert_element_type3A_1361 : vector<256x128xbf16> to vector<256x128xf32>
    %convert_element_type3A_1363 = arith.truncf %get3A_68 : vector<256x128xf32> to vector<256x128xbf16>
    %convert_element_type3A_1364 = arith.extf %convert_element_type3A_1363 : vector<256x128xbf16> to vector<256x128xf32>
    %convert_element_type3A_1365 = arith.truncf %get3A_73 : vector<256x128xf32> to vector<256x128xbf16>
    %convert_element_type3A_1366 = arith.extf %convert_element_type3A_1365 : vector<256x128xbf16> to vector<256x128xf32>
    %convert_element_type3A_1367 = arith.truncf %select_n3A_1331 : vector<256x128xf32> to vector<256x128xbf16>
    %convert_element_type3A_1368 = arith.extf %convert_element_type3A_1367 : vector<256x128xbf16> to vector<256x128xf32>
    %convert_element_type3A_1369 = arith.truncf %select_n3A_1333 : vector<256x128xf32> to vector<256x128xbf16>
    %convert_element_type3A_1370 = arith.extf %convert_element_type3A_1369 : vector<256x128xbf16> to vector<256x128xf32>
    %convert_element_type3A_1371 = arith.truncf %select_n3A_1335 : vector<256x128xf32> to vector<256x128xbf16>
    %convert_element_type3A_1372 = arith.extf %convert_element_type3A_1371 : vector<256x128xbf16> to vector<256x128xf32>
    %convert_element_type3A_1373 = arith.truncf %select_n3A_1332 : vector<256x128xf32> to vector<256x128xbf16>
    %convert_element_type3A_1374 = arith.extf %convert_element_type3A_1373 : vector<256x128xbf16> to vector<256x128xf32>
    %convert_element_type3A_1375 = arith.truncf %select_n3A_1334 : vector<256x128xf32> to vector<256x128xbf16>
    %convert_element_type3A_1376 = arith.extf %convert_element_type3A_1375 : vector<256x128xbf16> to vector<256x128xf32>
    %convert_element_type3A_1377 = arith.truncf %select_n3A_1336 : vector<256x128xf32> to vector<256x128xbf16>
    %convert_element_type3A_1378 = arith.extf %convert_element_type3A_1377 : vector<256x128xbf16> to vector<256x128xf32>
    %convert_element_type3A_1379 = arith.truncf %select_n3A_1325 : vector<256x128xf32> to vector<256x128xbf16>
    %convert_element_type3A_1380 = arith.extf %convert_element_type3A_1379 : vector<256x128xbf16> to vector<256x128xf32>
    %convert_element_type3A_1381 = arith.truncf %select_n3A_1327 : vector<256x128xf32> to vector<256x128xbf16>
    %convert_element_type3A_1382 = arith.extf %convert_element_type3A_1381 : vector<256x128xbf16> to vector<256x128xf32>
    %convert_element_type3A_1383 = arith.truncf %select_n3A_1329 : vector<256x128xf32> to vector<256x128xbf16>
    %convert_element_type3A_1384 = arith.extf %convert_element_type3A_1383 : vector<256x128xbf16> to vector<256x128xf32>
    %mul3A_1385 = arith.mulf %convert_element_type3A_1338, %convert_element_type3A_1368 : vector<256x128xf32>
    %mul3A_1386 = arith.mulf %convert_element_type3A_1340, %convert_element_type3A_1370 : vector<256x128xf32>
    %add3A_1387 = arith.addf %mul3A_1385, %mul3A_1386 : vector<256x128xf32>
    %mul3A_1388 = arith.mulf %convert_element_type3A_1342, %convert_element_type3A_1372 : vector<256x128xf32>
    %add3A_1389 = arith.addf %add3A_1387, %mul3A_1388 : vector<256x128xf32>
    %ge3A = arith.constant 0.000000e+00 : f32
    %ge3A_1390 = vector.broadcast %ge3A : f32 to vector<256x128xf32>
    %ge3A_1391 = arith.cmpf oge, %add3A_1389, %ge3A_1390 : vector<256x128xf32>
    %convert_element_type3A_1392 = arith.extui %ge3A_1391 : vector<256x128xi1> to vector<256x128xi32>
    %mul3A_1393 = arith.mulf %convert_element_type3A_1338, %convert_element_type3A_1374 : vector<256x128xf32>
    %mul3A_1394 = arith.mulf %convert_element_type3A_1340, %convert_element_type3A_1376 : vector<256x128xf32>
    %add3A_1395 = arith.addf %mul3A_1393, %mul3A_1394 : vector<256x128xf32>
    %mul3A_1396 = arith.mulf %convert_element_type3A_1342, %convert_element_type3A_1378 : vector<256x128xf32>
    %add3A_1397 = arith.addf %add3A_1395, %mul3A_1396 : vector<256x128xf32>
    %ge3A_1398 = arith.constant 0.000000e+00 : f32
    %ge3A_1399 = vector.broadcast %ge3A_1398 : f32 to vector<256x128xf32>
    %ge3A_1400 = arith.cmpf oge, %add3A_1397, %ge3A_1399 : vector<256x128xf32>
    %convert_element_type3A_1401 = arith.extui %ge3A_1400 : vector<256x128xi1> to vector<256x128xi32>
    %mul3A_1402 = arith.mulf %convert_element_type3A_1338, %convert_element_type3A_1380 : vector<256x128xf32>
    %mul3A_1403 = arith.mulf %convert_element_type3A_1340, %convert_element_type3A_1382 : vector<256x128xf32>
    %add3A_1404 = arith.addf %mul3A_1402, %mul3A_1403 : vector<256x128xf32>
    %mul3A_1405 = arith.mulf %convert_element_type3A_1342, %convert_element_type3A_1384 : vector<256x128xf32>
    %add3A_1406 = arith.addf %add3A_1404, %mul3A_1405 : vector<256x128xf32>
    %ge3A_1407 = arith.constant 0.000000e+00 : f32
    %ge3A_1408 = vector.broadcast %ge3A_1407 : f32 to vector<256x128xf32>
    %ge3A_1409 = arith.cmpf oge, %add3A_1406, %ge3A_1408 : vector<256x128xf32>
    %convert_element_type3A_1410 = arith.extui %ge3A_1409 : vector<256x128xi1> to vector<256x128xi32>
    %mul3A_1411 = arith.constant 4 : i32
    %mul3A_1412 = vector.broadcast %mul3A_1411 : i32 to vector<256x128xi32>
    %mul3A_1413 = arith.muli %convert_element_type3A_1392, %mul3A_1412 : vector<256x128xi32>
    %mul3A_1414 = arith.constant 2 : i32
    %mul3A_1415 = vector.broadcast %mul3A_1414 : i32 to vector<256x128xi32>
    %mul3A_1416 = arith.muli %convert_element_type3A_1401, %mul3A_1415 : vector<256x128xi32>
    %add3A_1417 = arith.addi %mul3A_1413, %mul3A_1416 : vector<256x128xi32>
    %add3A_1418 = arith.addi %add3A_1417, %convert_element_type3A_1410 : vector<256x128xi32>
    %swap3A = arith.constant 0 : index
    %swap3A_1419 = arith.constant 0 : index
    %swap3A_1420 = arith.constant 0 : index
    %swap3A_1421 = vector.load %arg1[%swap3A, %swap3A_1419, %swap3A_1420] : memref<5x256x128xi32, #tpu.memory_space<vmem>>, vector<1x256x128xi32>
    %swap3A_1422 = vector.shape_cast %swap3A_1421 : vector<1x256x128xi32> to vector<256x128xi32>
    %swap3A_1423 = vector.shape_cast %add3A_1418 : vector<256x128xi32> to vector<1x256x128xi32>
    tpu.vector_store %arg1[%swap3A, %swap3A_1419, %swap3A_1420], %swap3A_1423 {strides = array<i32>} : memref<5x256x128xi32, #tpu.memory_space<vmem>>, vector<1x256x128xi32>,
    %mul3A_1424 = arith.mulf %convert_element_type3A_1344, %convert_element_type3A_1368 : vector<256x128xf32>
    %mul3A_1425 = arith.mulf %convert_element_type3A_1346, %convert_element_type3A_1370 : vector<256x128xf32>
    %add3A_1426 = arith.addf %mul3A_1424, %mul3A_1425 : vector<256x128xf32>
    %mul3A_1427 = arith.mulf %convert_element_type3A_1348, %convert_element_type3A_1372 : vector<256x128xf32>
    %add3A_1428 = arith.addf %add3A_1426, %mul3A_1427 : vector<256x128xf32>
    %ge3A_1429 = arith.constant 0.000000e+00 : f32
    %ge3A_1430 = vector.broadcast %ge3A_1429 : f32 to vector<256x128xf32>
    %ge3A_1431 = arith.cmpf oge, %add3A_1428, %ge3A_1430 : vector<256x128xf32>
    %convert_element_type3A_1432 = arith.extui %ge3A_1431 : vector<256x128xi1> to vector<256x128xi32>
    %mul3A_1433 = arith.mulf %convert_element_type3A_1344, %convert_element_type3A_1374 : vector<256x128xf32>
    %mul3A_1434 = arith.mulf %convert_element_type3A_1346, %convert_element_type3A_1376 : vector<256x128xf32>
    %add3A_1435 = arith.addf %mul3A_1433, %mul3A_1434 : vector<256x128xf32>
    %mul3A_1436 = arith.mulf %convert_element_type3A_1348, %convert_element_type3A_1378 : vector<256x128xf32>
    %add3A_1437 = arith.addf %add3A_1435, %mul3A_1436 : vector<256x128xf32>
    %ge3A_1438 = arith.constant 0.000000e+00 : f32
    %ge3A_1439 = vector.broadcast %ge3A_1438 : f32 to vector<256x128xf32>
    %ge3A_1440 = arith.cmpf oge, %add3A_1437, %ge3A_1439 : vector<256x128xf32>
    %convert_element_type3A_1441 = arith.extui %ge3A_1440 : vector<256x128xi1> to vector<256x128xi32>
    %mul3A_1442 = arith.mulf %convert_element_type3A_1344, %convert_element_type3A_1380 : vector<256x128xf32>
    %mul3A_1443 = arith.mulf %convert_element_type3A_1346, %convert_element_type3A_1382 : vector<256x128xf32>
    %add3A_1444 = arith.addf %mul3A_1442, %mul3A_1443 : vector<256x128xf32>
    %mul3A_1445 = arith.mulf %convert_element_type3A_1348, %convert_element_type3A_1384 : vector<256x128xf32>
    %add3A_1446 = arith.addf %add3A_1444, %mul3A_1445 : vector<256x128xf32>
    %ge3A_1447 = arith.constant 0.000000e+00 : f32
    %ge3A_1448 = vector.broadcast %ge3A_1447 : f32 to vector<256x128xf32>
    %ge3A_1449 = arith.cmpf oge, %add3A_1446, %ge3A_1448 : vector<256x128xf32>
    %convert_element_type3A_1450 = arith.extui %ge3A_1449 : vector<256x128xi1> to vector<256x128xi32>
    %mul3A_1451 = arith.constant 4 : i32
    %mul3A_1452 = vector.broadcast %mul3A_1451 : i32 to vector<256x128xi32>
    %mul3A_1453 = arith.muli %convert_element_type3A_1432, %mul3A_1452 : vector<256x128xi32>
    %mul3A_1454 = arith.constant 2 : i32
    %mul3A_1455 = vector.broadcast %mul3A_1454 : i32 to vector<256x128xi32>
    %mul3A_1456 = arith.muli %convert_element_type3A_1441, %mul3A_1455 : vector<256x128xi32>
    %add3A_1457 = arith.addi %mul3A_1453, %mul3A_1456 : vector<256x128xi32>
    %add3A_1458 = arith.addi %add3A_1457, %convert_element_type3A_1450 : vector<256x128xi32>
    %swap3A_1459 = arith.constant 1 : index
    %swap3A_1460 = arith.constant 0 : index
    %swap3A_1461 = arith.constant 0 : index
    %swap3A_1462 = vector.load %arg1[%swap3A_1459, %swap3A_1460, %swap3A_1461] : memref<5x256x128xi32, #tpu.memory_space<vmem>>, vector<1x256x128xi32>
    %swap3A_1463 = vector.shape_cast %swap3A_1462 : vector<1x256x128xi32> to vector<256x128xi32>
    %swap3A_1464 = vector.shape_cast %add3A_1458 : vector<256x128xi32> to vector<1x256x128xi32>
    tpu.vector_store %arg1[%swap3A_1459, %swap3A_1460, %swap3A_1461], %swap3A_1464 {strides = array<i32>} : memref<5x256x128xi32, #tpu.memory_space<vmem>>, vector<1x256x128xi32>,
    %mul3A_1465 = arith.mulf %convert_element_type3A_1350, %convert_element_type3A_1368 : vector<256x128xf32>
    %mul3A_1466 = arith.mulf %convert_element_type3A_1352, %convert_element_type3A_1370 : vector<256x128xf32>
    %add3A_1467 = arith.addf %mul3A_1465, %mul3A_1466 : vector<256x128xf32>
    %mul3A_1468 = arith.mulf %convert_element_type3A_1354, %convert_element_type3A_1372 : vector<256x128xf32>
    %add3A_1469 = arith.addf %add3A_1467, %mul3A_1468 : vector<256x128xf32>
    %ge3A_1470 = arith.constant 0.000000e+00 : f32
    %ge3A_1471 = vector.broadcast %ge3A_1470 : f32 to vector<256x128xf32>
    %ge3A_1472 = arith.cmpf oge, %add3A_1469, %ge3A_1471 : vector<256x128xf32>
    %convert_element_type3A_1473 = arith.extui %ge3A_1472 : vector<256x128xi1> to vector<256x128xi32>
    %mul3A_1474 = arith.mulf %convert_element_type3A_1350, %convert_element_type3A_1374 : vector<256x128xf32>
    %mul3A_1475 = arith.mulf %convert_element_type3A_1352, %convert_element_type3A_1376 : vector<256x128xf32>
    %add3A_1476 = arith.addf %mul3A_1474, %mul3A_1475 : vector<256x128xf32>
    %mul3A_1477 = arith.mulf %convert_element_type3A_1354, %convert_element_type3A_1378 : vector<256x128xf32>
    %add3A_1478 = arith.addf %add3A_1476, %mul3A_1477 : vector<256x128xf32>
    %ge3A_1479 = arith.constant 0.000000e+00 : f32
    %ge3A_1480 = vector.broadcast %ge3A_1479 : f32 to vector<256x128xf32>
    %ge3A_1481 = arith.cmpf oge, %add3A_1478, %ge3A_1480 : vector<256x128xf32>
    %convert_element_type3A_1482 = arith.extui %ge3A_1481 : vector<256x128xi1> to vector<256x128xi32>
    %mul3A_1483 = arith.mulf %convert_element_type3A_1350, %convert_element_type3A_1380 : vector<256x128xf32>
    %mul3A_1484 = arith.mulf %convert_element_type3A_1352, %convert_element_type3A_1382 : vector<256x128xf32>
    %add3A_1485 = arith.addf %mul3A_1483, %mul3A_1484 : vector<256x128xf32>
    %mul3A_1486 = arith.mulf %convert_element_type3A_1354, %convert_element_type3A_1384 : vector<256x128xf32>
    %add3A_1487 = arith.addf %add3A_1485, %mul3A_1486 : vector<256x128xf32>
    %ge3A_1488 = arith.constant 0.000000e+00 : f32
    %ge3A_1489 = vector.broadcast %ge3A_1488 : f32 to vector<256x128xf32>
    %ge3A_1490 = arith.cmpf oge, %add3A_1487, %ge3A_1489 : vector<256x128xf32>
    %convert_element_type3A_1491 = arith.extui %ge3A_1490 : vector<256x128xi1> to vector<256x128xi32>
    %mul3A_1492 = arith.constant 4 : i32
    %mul3A_1493 = vector.broadcast %mul3A_1492 : i32 to vector<256x128xi32>
    %mul3A_1494 = arith.muli %convert_element_type3A_1473, %mul3A_1493 : vector<256x128xi32>
    %mul3A_1495 = arith.constant 2 : i32
    %mul3A_1496 = vector.broadcast %mul3A_1495 : i32 to vector<256x128xi32>
    %mul3A_1497 = arith.muli %convert_element_type3A_1482, %mul3A_1496 : vector<256x128xi32>
    %add3A_1498 = arith.addi %mul3A_1494, %mul3A_1497 : vector<256x128xi32>
    %add3A_1499 = arith.addi %add3A_1498, %convert_element_type3A_1491 : vector<256x128xi32>
    %swap3A_1500 = arith.constant 2 : index
    %swap3A_1501 = arith.constant 0 : index
    %swap3A_1502 = arith.constant 0 : index
    %swap3A_1503 = vector.load %arg1[%swap3A_1500, %swap3A_1501, %swap3A_1502] : memref<5x256x128xi32, #tpu.memory_space<vmem>>, vector<1x256x128xi32>
    %swap3A_1504 = vector.shape_cast %swap3A_1503 : vector<1x256x128xi32> to vector<256x128xi32>
    %swap3A_1505 = vector.shape_cast %add3A_1499 : vector<256x128xi32> to vector<1x256x128xi32>
    tpu.vector_store %arg1[%swap3A_1500, %swap3A_1501, %swap3A_1502], %swap3A_1505 {strides = array<i32>} : memref<5x256x128xi32, #tpu.memory_space<vmem>>, vector<1x256x128xi32>,
    %mul3A_1506 = arith.mulf %convert_element_type3A_1356, %convert_element_type3A_1368 : vector<256x128xf32>
    %mul3A_1507 = arith.mulf %convert_element_type3A_1358, %convert_element_type3A_1370 : vector<256x128xf32>
    %add3A_1508 = arith.addf %mul3A_1506, %mul3A_1507 : vector<256x128xf32>
    %mul3A_1509 = arith.mulf %convert_element_type3A_1360, %convert_element_type3A_1372 : vector<256x128xf32>
    %add3A_1510 = arith.addf %add3A_1508, %mul3A_1509 : vector<256x128xf32>
    %ge3A_1511 = arith.constant 0.000000e+00 : f32
    %ge3A_1512 = vector.broadcast %ge3A_1511 : f32 to vector<256x128xf32>
    %ge3A_1513 = arith.cmpf oge, %add3A_1510, %ge3A_1512 : vector<256x128xf32>
    %convert_element_type3A_1514 = arith.extui %ge3A_1513 : vector<256x128xi1> to vector<256x128xi32>
    %mul3A_1515 = arith.mulf %convert_element_type3A_1356, %convert_element_type3A_1374 : vector<256x128xf32>
    %mul3A_1516 = arith.mulf %convert_element_type3A_1358, %convert_element_type3A_1376 : vector<256x128xf32>
    %add3A_1517 = arith.addf %mul3A_1515, %mul3A_1516 : vector<256x128xf32>
    %mul3A_1518 = arith.mulf %convert_element_type3A_1360, %convert_element_type3A_1378 : vector<256x128xf32>
    %add3A_1519 = arith.addf %add3A_1517, %mul3A_1518 : vector<256x128xf32>
    %ge3A_1520 = arith.constant 0.000000e+00 : f32
    %ge3A_1521 = vector.broadcast %ge3A_1520 : f32 to vector<256x128xf32>
    %ge3A_1522 = arith.cmpf oge, %add3A_1519, %ge3A_1521 : vector<256x128xf32>
    %convert_element_type3A_1523 = arith.extui %ge3A_1522 : vector<256x128xi1> to vector<256x128xi32>
    %mul3A_1524 = arith.mulf %convert_element_type3A_1356, %convert_element_type3A_1380 : vector<256x128xf32>
    %mul3A_1525 = arith.mulf %convert_element_type3A_1358, %convert_element_type3A_1382 : vector<256x128xf32>
    %add3A_1526 = arith.addf %mul3A_1524, %mul3A_1525 : vector<256x128xf32>
    %mul3A_1527 = arith.mulf %convert_element_type3A_1360, %convert_element_type3A_1384 : vector<256x128xf32>
    %add3A_1528 = arith.addf %add3A_1526, %mul3A_1527 : vector<256x128xf32>
    %ge3A_1529 = arith.constant 0.000000e+00 : f32
    %ge3A_1530 = vector.broadcast %ge3A_1529 : f32 to vector<256x128xf32>
    %ge3A_1531 = arith.cmpf oge, %add3A_1528, %ge3A_1530 : vector<256x128xf32>
    %convert_element_type3A_1532 = arith.extui %ge3A_1531 : vector<256x128xi1> to vector<256x128xi32>
    %mul3A_1533 = arith.constant 4 : i32
    %mul3A_1534 = vector.broadcast %mul3A_1533 : i32 to vector<256x128xi32>
    %mul3A_1535 = arith.muli %convert_element_type3A_1514, %mul3A_1534 : vector<256x128xi32>
    %mul3A_1536 = arith.constant 2 : i32
    %mul3A_1537 = vector.broadcast %mul3A_1536 : i32 to vector<256x128xi32>
    %mul3A_1538 = arith.muli %convert_element_type3A_1523, %mul3A_1537 : vector<256x128xi32>
    %add3A_1539 = arith.addi %mul3A_1535, %mul3A_1538 : vector<256x128xi32>
    %add3A_1540 = arith.addi %add3A_1539, %convert_element_type3A_1532 : vector<256x128xi32>
    %swap3A_1541 = arith.constant 3 : index
    %swap3A_1542 = arith.constant 0 : index
    %swap3A_1543 = arith.constant 0 : index
    %swap3A_1544 = vector.load %arg1[%swap3A_1541, %swap3A_1542, %swap3A_1543] : memref<5x256x128xi32, #tpu.memory_space<vmem>>, vector<1x256x128xi32>
    %swap3A_1545 = vector.shape_cast %swap3A_1544 : vector<1x256x128xi32> to vector<256x128xi32>
    %swap3A_1546 = vector.shape_cast %add3A_1540 : vector<256x128xi32> to vector<1x256x128xi32>
    tpu.vector_store %arg1[%swap3A_1541, %swap3A_1542, %swap3A_1543], %swap3A_1546 {strides = array<i32>} : memref<5x256x128xi32, #tpu.memory_space<vmem>>, vector<1x256x128xi32>,
    %mul3A_1547 = arith.mulf %convert_element_type3A_1362, %convert_element_type3A_1368 : vector<256x128xf32>
    %mul3A_1548 = arith.mulf %convert_element_type3A_1364, %convert_element_type3A_1370 : vector<256x128xf32>
    %add3A_1549 = arith.addf %mul3A_1547, %mul3A_1548 : vector<256x128xf32>
    %mul3A_1550 = arith.mulf %convert_element_type3A_1366, %convert_element_type3A_1372 : vector<256x128xf32>
    %add3A_1551 = arith.addf %add3A_1549, %mul3A_1550 : vector<256x128xf32>
    %ge3A_1552 = arith.constant 0.000000e+00 : f32
    %ge3A_1553 = vector.broadcast %ge3A_1552 : f32 to vector<256x128xf32>
    %ge3A_1554 = arith.cmpf oge, %add3A_1551, %ge3A_1553 : vector<256x128xf32>
    %convert_element_type3A_1555 = arith.extui %ge3A_1554 : vector<256x128xi1> to vector<256x128xi32>
    %mul3A_1556 = arith.mulf %convert_element_type3A_1362, %convert_element_type3A_1374 : vector<256x128xf32>
    %mul3A_1557 = arith.mulf %convert_element_type3A_1364, %convert_element_type3A_1376 : vector<256x128xf32>
    %add3A_1558 = arith.addf %mul3A_1556, %mul3A_1557 : vector<256x128xf32>
    %mul3A_1559 = arith.mulf %convert_element_type3A_1366, %convert_element_type3A_1378 : vector<256x128xf32>
    %add3A_1560 = arith.addf %add3A_1558, %mul3A_1559 : vector<256x128xf32>
    %ge3A_1561 = arith.constant 0.000000e+00 : f32
    %ge3A_1562 = vector.broadcast %ge3A_1561 : f32 to vector<256x128xf32>
    %ge3A_1563 = arith.cmpf oge, %add3A_1560, %ge3A_1562 : vector<256x128xf32>
    %convert_element_type3A_1564 = arith.extui %ge3A_1563 : vector<256x128xi1> to vector<256x128xi32>
    %mul3A_1565 = arith.mulf %convert_element_type3A_1362, %convert_element_type3A_1380 : vector<256x128xf32>
    %mul3A_1566 = arith.mulf %convert_element_type3A_1364, %convert_element_type3A_1382 : vector<256x128xf32>
    %add3A_1567 = arith.addf %mul3A_1565, %mul3A_1566 : vector<256x128xf32>
    %mul3A_1568 = arith.mulf %convert_element_type3A_1366, %convert_element_type3A_1384 : vector<256x128xf32>
    %add3A_1569 = arith.addf %add3A_1567, %mul3A_1568 : vector<256x128xf32>
    %ge3A_1570 = arith.constant 0.000000e+00 : f32
    %ge3A_1571 = vector.broadcast %ge3A_1570 : f32 to vector<256x128xf32>
    %ge3A_1572 = arith.cmpf oge, %add3A_1569, %ge3A_1571 : vector<256x128xf32>
    %convert_element_type3A_1573 = arith.extui %ge3A_1572 : vector<256x128xi1> to vector<256x128xi32>
    %mul3A_1574 = arith.constant 4 : i32
    %mul3A_1575 = vector.broadcast %mul3A_1574 : i32 to vector<256x128xi32>
    %mul3A_1576 = arith.muli %convert_element_type3A_1555, %mul3A_1575 : vector<256x128xi32>
    %mul3A_1577 = arith.constant 2 : i32
    %mul3A_1578 = vector.broadcast %mul3A_1577 : i32 to vector<256x128xi32>
    %mul3A_1579 = arith.muli %convert_element_type3A_1564, %mul3A_1578 : vector<256x128xi32>
    %add3A_1580 = arith.addi %mul3A_1576, %mul3A_1579 : vector<256x128xi32>
    %add3A_1581 = arith.addi %add3A_1580, %convert_element_type3A_1573 : vector<256x128xi32>
    %swap3A_1582 = arith.constant 4 : index
    %swap3A_1583 = arith.constant 0 : index
    %swap3A_1584 = arith.constant 0 : index
    %swap3A_1585 = vector.load %arg1[%swap3A_1582, %swap3A_1583, %swap3A_1584] : memref<5x256x128xi32, #tpu.memory_space<vmem>>, vector<1x256x128xi32>
    %swap3A_1586 = vector.shape_cast %swap3A_1585 : vector<1x256x128xi32> to vector<256x128xi32>
    %swap3A_1587 = vector.shape_cast %add3A_1581 : vector<256x128xi32> to vector<1x256x128xi32>
    tpu.vector_store %arg1[%swap3A_1582, %swap3A_1583, %swap3A_1584], %swap3A_1587 {strides = array<i32>} : memref<5x256x128xi32, #tpu.memory_space<vmem>>, vector<1x256x128xi32>,
    %swap3A_1588 = arith.constant 0 : index
    %swap3A_1589 = arith.constant 0 : index
    %swap3A_1590 = arith.constant 0 : index
    %swap3A_1591 = vector.load %arg2[%swap3A_1588, %swap3A_1589, %swap3A_1590] : memref<3x256x128xf32, #tpu.memory_space<vmem>>, vector<1x256x128xf32>
    %swap3A_1592 = vector.shape_cast %swap3A_1591 : vector<1x256x128xf32> to vector<256x128xf32>
    %swap3A_1593 = vector.shape_cast %select_n3A_1331 : vector<256x128xf32> to vector<1x256x128xf32>
    tpu.vector_store %arg2[%swap3A_1588, %swap3A_1589, %swap3A_1590], %swap3A_1593 {strides = array<i32>} : memref<3x256x128xf32, #tpu.memory_space<vmem>>, vector<1x256x128xf32>,
    %swap3A_1594 = arith.constant 1 : index
    %swap3A_1595 = arith.constant 0 : index
    %swap3A_1596 = arith.constant 0 : index
    %swap3A_1597 = vector.load %arg2[%swap3A_1594, %swap3A_1595, %swap3A_1596] : memref<3x256x128xf32, #tpu.memory_space<vmem>>, vector<1x256x128xf32>
    %swap3A_1598 = vector.shape_cast %swap3A_1597 : vector<1x256x128xf32> to vector<256x128xf32>
    %swap3A_1599 = vector.shape_cast %select_n3A_1333 : vector<256x128xf32> to vector<1x256x128xf32>
    tpu.vector_store %arg2[%swap3A_1594, %swap3A_1595, %swap3A_1596], %swap3A_1599 {strides = array<i32>} : memref<3x256x128xf32, #tpu.memory_space<vmem>>, vector<1x256x128xf32>,
    %swap3A_1600 = arith.constant 2 : index
    %swap3A_1601 = arith.constant 0 : index
    %swap3A_1602 = arith.constant 0 : index
    %swap3A_1603 = vector.load %arg2[%swap3A_1600, %swap3A_1601, %swap3A_1602] : memref<3x256x128xf32, #tpu.memory_space<vmem>>, vector<1x256x128xf32>
    %swap3A_1604 = vector.shape_cast %swap3A_1603 : vector<1x256x128xf32> to vector<256x128xf32>
    %swap3A_1605 = vector.shape_cast %select_n3A_1335 : vector<256x128xf32> to vector<1x256x128xf32>
    tpu.vector_store %arg2[%swap3A_1600, %swap3A_1601, %swap3A_1602], %swap3A_1605 {strides = array<i32>} : memref<3x256x128xf32, #tpu.memory_space<vmem>>, vector<1x256x128xf32>,
    return
  }
}

module attributes {stable_mosaic.version = 14 : i64} {
  func.func @_hist_kernel(%arg0: i32, %arg1: i32, %arg2: memref<1x256x3xf32, #tpu.memory_space<vmem>>, %arg3: memref<1x256x15xf32, #tpu.memory_space<vmem>>, %arg4: memref<1x256x5xi32, #tpu.memory_space<vmem>>, %arg5: memref<1x256x80xf32, #tpu.memory_space<vmem>>) attributes {dimension_semantics = [#tpu.dimension_semantics<arbitrary>, #tpu.dimension_semantics<arbitrary>], iteration_bounds = array<i64: 8, 16>, scalar_prefetch = 0 : i64, scratch_operands = 0 : i64, tpu.core_type = #tpu.core_type<tc>, window_params = [{transform_indices = @transform_0, window_bounds = array<i64: 1, 256, 3>}, {transform_indices = @transform_1, window_bounds = array<i64: 1, 256, 15>}, {transform_indices = @transform_2, window_bounds = array<i64: 1, 256, 5>}, {transform_indices = @transform_3, window_bounds = array<i64: 1, 256, 80>}]} {
    %get3A = arith.constant 0 : index
    %get3A_0 = arith.constant 0 : index
    %get3A_1 = arith.constant 0 : index
    %get3A_2 = vector.load %arg2[%get3A, %get3A_0, %get3A_1] : memref<1x256x3xf32, #tpu.memory_space<vmem>>, vector<1x256x1xf32>
    %get3A_3 = vector.shape_cast %get3A_2 : vector<1x256x1xf32> to vector<256xf32>
    %reshape3A = vector.shape_cast %get3A_3 : vector<256xf32> to vector<256x1xf32>
    %get3A_4 = arith.constant 0 : index
    %get3A_5 = arith.constant 0 : index
    %get3A_6 = arith.constant 1 : index
    %get3A_7 = vector.load %arg2[%get3A_4, %get3A_5, %get3A_6] : memref<1x256x3xf32, #tpu.memory_space<vmem>>, vector<1x256x1xf32>
    %get3A_8 = vector.shape_cast %get3A_7 : vector<1x256x1xf32> to vector<256xf32>
    %reshape3A_9 = vector.shape_cast %get3A_8 : vector<256xf32> to vector<256x1xf32>
    %get3A_10 = arith.constant 0 : index
    %get3A_11 = arith.constant 0 : index
    %get3A_12 = arith.constant 2 : index
    %get3A_13 = vector.load %arg2[%get3A_10, %get3A_11, %get3A_12] : memref<1x256x3xf32, #tpu.memory_space<vmem>>, vector<1x256x1xf32>
    %get3A_14 = vector.shape_cast %get3A_13 : vector<1x256x1xf32> to vector<256xf32>
    %reshape3A_15 = vector.shape_cast %get3A_14 : vector<256xf32> to vector<256x1xf32>
    %iota3A = tpu.iota {dimensions = array<i32: 1>} : vector<256x80xi32>
    %broadcast_in_dim3A = arith.constant 0.000000e+00 : f32
    %broadcast_in_dim3A_16 = vector.broadcast %broadcast_in_dim3A : f32 to vector<256x80xf32>
    %get3A_17 = arith.constant 0 : index
    %get3A_18 = arith.constant 0 : index
    %get3A_19 = arith.constant 0 : index
    %get3A_20 = vector.load %arg3[%get3A_17, %get3A_18, %get3A_19] : memref<1x256x15xf32, #tpu.memory_space<vmem>>, vector<1x256x1xf32>
    %get3A_21 = vector.shape_cast %get3A_20 : vector<1x256x1xf32> to vector<256xf32>
    %reshape3A_22 = vector.shape_cast %get3A_21 : vector<256xf32> to vector<256x1xf32>
    %get3A_23 = arith.constant 0 : index
    %get3A_24 = arith.constant 0 : index
    %get3A_25 = arith.constant 1 : index
    %get3A_26 = vector.load %arg3[%get3A_23, %get3A_24, %get3A_25] : memref<1x256x15xf32, #tpu.memory_space<vmem>>, vector<1x256x1xf32>
    %get3A_27 = vector.shape_cast %get3A_26 : vector<1x256x1xf32> to vector<256xf32>
    %reshape3A_28 = vector.shape_cast %get3A_27 : vector<256xf32> to vector<256x1xf32>
    %get3A_29 = arith.constant 0 : index
    %get3A_30 = arith.constant 0 : index
    %get3A_31 = arith.constant 2 : index
    %get3A_32 = vector.load %arg3[%get3A_29, %get3A_30, %get3A_31] : memref<1x256x15xf32, #tpu.memory_space<vmem>>, vector<1x256x1xf32>
    %get3A_33 = vector.shape_cast %get3A_32 : vector<1x256x1xf32> to vector<256xf32>
    %reshape3A_34 = vector.shape_cast %get3A_33 : vector<256xf32> to vector<256x1xf32>
    %mul3A = arith.mulf %reshape3A, %reshape3A_22 : vector<256x1xf32>
    %mul3A_35 = arith.mulf %reshape3A_9, %reshape3A_28 : vector<256x1xf32>
    %add3A = arith.addf %mul3A, %mul3A_35 : vector<256x1xf32>
    %mul3A_36 = arith.mulf %reshape3A_15, %reshape3A_34 : vector<256x1xf32>
    %add3A_37 = arith.addf %add3A, %mul3A_36 : vector<256x1xf32>
    %add3A_38 = arith.constant 1.000000e+00 : f32
    %add3A_39 = vector.broadcast %add3A_38 : f32 to vector<256x1xf32>
    %add3A_40 = arith.addf %add3A_37, %add3A_39 : vector<256x1xf32>
    %mul3A_41 = arith.constant 1.000000e+01 : f32
    %mul3A_42 = vector.broadcast %mul3A_41 : f32 to vector<256x1xf32>
    %mul3A_43 = arith.mulf %mul3A_42, %add3A_40 : vector<256x1xf32>
    %div3A = arith.constant 2.000000e+00 : f32
    %div3A_44 = vector.broadcast %div3A : f32 to vector<256x1xf32>
    %div3A_45 = arith.divf %mul3A_43, %div3A_44 : vector<256x1xf32>
    %floor3A = math.floor %div3A_45 : vector<256x1xf32>
    %jit3A = arith.constant 0.000000e+00 : f32
    %jit3A_46 = arith.constant 9.000000e+00 : f32
    %max3A = vector.broadcast %jit3A : f32 to vector<256x1xf32>
    %max3A_47 = arith.maximumf %max3A, %floor3A : vector<256x1xf32>
    %min3A = vector.broadcast %jit3A_46 : f32 to vector<256x1xf32>
    %min3A_48 = arith.minimumf %min3A, %max3A_47 : vector<256x1xf32>
    %get3A_49 = arith.constant 0 : index
    %get3A_50 = arith.constant 0 : index
    %get3A_51 = arith.constant 0 : index
    %get3A_52 = vector.load %arg4[%get3A_49, %get3A_50, %get3A_51] : memref<1x256x5xi32, #tpu.memory_space<vmem>>, vector<1x256x1xi32>
    %get3A_53 = vector.shape_cast %get3A_52 : vector<1x256x1xi32> to vector<256xi32>
    %reshape3A_54 = vector.shape_cast %get3A_53 : vector<256xi32> to vector<256x1xi32>
    %convert_element_type3A = arith.sitofp %reshape3A_54 : vector<256x1xi32> to vector<256x1xf32>
    %mul3A_55 = arith.constant 1.000000e+01 : f32
    %mul3A_56 = vector.broadcast %mul3A_55 : f32 to vector<256x1xf32>
    %mul3A_57 = arith.mulf %convert_element_type3A, %mul3A_56 : vector<256x1xf32>
    %add3A_58 = arith.addf %mul3A_57, %min3A_48 : vector<256x1xf32>
    %convert_element_type3A_59 = arith.fptosi %add3A_58 : vector<256x1xf32> to vector<256x1xi32>
    %eq3A = vector.broadcast %convert_element_type3A_59 : vector<256x1xi32> to vector<256x80xi32>
    %eq3A_60 = arith.cmpi eq, %iota3A, %eq3A : vector<256x80xi32>
    %convert_element_type3A_61 = arith.extui %eq3A_60 : vector<256x80xi1> to vector<256x80xi32>
    %convert_element_type3A_62 = arith.sitofp %convert_element_type3A_61 : vector<256x80xi32> to vector<256x80xf32>
    %add3A_63 = arith.addf %broadcast_in_dim3A_16, %convert_element_type3A_62 : vector<256x80xf32>
    %get3A_64 = arith.constant 0 : index
    %get3A_65 = arith.constant 0 : index
    %get3A_66 = arith.constant 3 : index
    %get3A_67 = vector.load %arg3[%get3A_64, %get3A_65, %get3A_66] : memref<1x256x15xf32, #tpu.memory_space<vmem>>, vector<1x256x1xf32>
    %get3A_68 = vector.shape_cast %get3A_67 : vector<1x256x1xf32> to vector<256xf32>
    %reshape3A_69 = vector.shape_cast %get3A_68 : vector<256xf32> to vector<256x1xf32>
    %get3A_70 = arith.constant 0 : index
    %get3A_71 = arith.constant 0 : index
    %get3A_72 = arith.constant 4 : index
    %get3A_73 = vector.load %arg3[%get3A_70, %get3A_71, %get3A_72] : memref<1x256x15xf32, #tpu.memory_space<vmem>>, vector<1x256x1xf32>
    %get3A_74 = vector.shape_cast %get3A_73 : vector<1x256x1xf32> to vector<256xf32>
    %reshape3A_75 = vector.shape_cast %get3A_74 : vector<256xf32> to vector<256x1xf32>
    %get3A_76 = arith.constant 0 : index
    %get3A_77 = arith.constant 0 : index
    %get3A_78 = arith.constant 5 : index
    %get3A_79 = vector.load %arg3[%get3A_76, %get3A_77, %get3A_78] : memref<1x256x15xf32, #tpu.memory_space<vmem>>, vector<1x256x1xf32>
    %get3A_80 = vector.shape_cast %get3A_79 : vector<1x256x1xf32> to vector<256xf32>
    %reshape3A_81 = vector.shape_cast %get3A_80 : vector<256xf32> to vector<256x1xf32>
    %mul3A_82 = arith.mulf %reshape3A, %reshape3A_69 : vector<256x1xf32>
    %mul3A_83 = arith.mulf %reshape3A_9, %reshape3A_75 : vector<256x1xf32>
    %add3A_84 = arith.addf %mul3A_82, %mul3A_83 : vector<256x1xf32>
    %mul3A_85 = arith.mulf %reshape3A_15, %reshape3A_81 : vector<256x1xf32>
    %add3A_86 = arith.addf %add3A_84, %mul3A_85 : vector<256x1xf32>
    %add3A_87 = arith.constant 1.000000e+00 : f32
    %add3A_88 = vector.broadcast %add3A_87 : f32 to vector<256x1xf32>
    %add3A_89 = arith.addf %add3A_86, %add3A_88 : vector<256x1xf32>
    %mul3A_90 = arith.constant 1.000000e+01 : f32
    %mul3A_91 = vector.broadcast %mul3A_90 : f32 to vector<256x1xf32>
    %mul3A_92 = arith.mulf %mul3A_91, %add3A_89 : vector<256x1xf32>
    %div3A_93 = arith.constant 2.000000e+00 : f32
    %div3A_94 = vector.broadcast %div3A_93 : f32 to vector<256x1xf32>
    %div3A_95 = arith.divf %mul3A_92, %div3A_94 : vector<256x1xf32>
    %floor3A_96 = math.floor %div3A_95 : vector<256x1xf32>
    %jit3A_97 = arith.constant 0.000000e+00 : f32
    %jit3A_98 = arith.constant 9.000000e+00 : f32
    %max3A_99 = vector.broadcast %jit3A_97 : f32 to vector<256x1xf32>
    %max3A_100 = arith.maximumf %max3A_99, %floor3A_96 : vector<256x1xf32>
    %min3A_101 = vector.broadcast %jit3A_98 : f32 to vector<256x1xf32>
    %min3A_102 = arith.minimumf %min3A_101, %max3A_100 : vector<256x1xf32>
    %get3A_103 = arith.constant 0 : index
    %get3A_104 = arith.constant 0 : index
    %get3A_105 = arith.constant 1 : index
    %get3A_106 = vector.load %arg4[%get3A_103, %get3A_104, %get3A_105] : memref<1x256x5xi32, #tpu.memory_space<vmem>>, vector<1x256x1xi32>
    %get3A_107 = vector.shape_cast %get3A_106 : vector<1x256x1xi32> to vector<256xi32>
    %reshape3A_108 = vector.shape_cast %get3A_107 : vector<256xi32> to vector<256x1xi32>
    %convert_element_type3A_109 = arith.sitofp %reshape3A_108 : vector<256x1xi32> to vector<256x1xf32>
    %mul3A_110 = arith.constant 1.000000e+01 : f32
    %mul3A_111 = vector.broadcast %mul3A_110 : f32 to vector<256x1xf32>
    %mul3A_112 = arith.mulf %convert_element_type3A_109, %mul3A_111 : vector<256x1xf32>
    %add3A_113 = arith.addf %mul3A_112, %min3A_102 : vector<256x1xf32>
    %convert_element_type3A_114 = arith.fptosi %add3A_113 : vector<256x1xf32> to vector<256x1xi32>
    %eq3A_115 = vector.broadcast %convert_element_type3A_114 : vector<256x1xi32> to vector<256x80xi32>
    %eq3A_116 = arith.cmpi eq, %iota3A, %eq3A_115 : vector<256x80xi32>
    %convert_element_type3A_117 = arith.extui %eq3A_116 : vector<256x80xi1> to vector<256x80xi32>
    %convert_element_type3A_118 = arith.sitofp %convert_element_type3A_117 : vector<256x80xi32> to vector<256x80xf32>
    %add3A_119 = arith.addf %add3A_63, %convert_element_type3A_118 : vector<256x80xf32>
    %get3A_120 = arith.constant 0 : index
    %get3A_121 = arith.constant 0 : index
    %get3A_122 = arith.constant 6 : index
    %get3A_123 = vector.load %arg3[%get3A_120, %get3A_121, %get3A_122] : memref<1x256x15xf32, #tpu.memory_space<vmem>>, vector<1x256x1xf32>
    %get3A_124 = vector.shape_cast %get3A_123 : vector<1x256x1xf32> to vector<256xf32>
    %reshape3A_125 = vector.shape_cast %get3A_124 : vector<256xf32> to vector<256x1xf32>
    %get3A_126 = arith.constant 0 : index
    %get3A_127 = arith.constant 0 : index
    %get3A_128 = arith.constant 7 : index
    %get3A_129 = vector.load %arg3[%get3A_126, %get3A_127, %get3A_128] : memref<1x256x15xf32, #tpu.memory_space<vmem>>, vector<1x256x1xf32>
    %get3A_130 = vector.shape_cast %get3A_129 : vector<1x256x1xf32> to vector<256xf32>
    %reshape3A_131 = vector.shape_cast %get3A_130 : vector<256xf32> to vector<256x1xf32>
    %get3A_132 = arith.constant 0 : index
    %get3A_133 = arith.constant 0 : index
    %get3A_134 = arith.constant 8 : index
    %get3A_135 = vector.load %arg3[%get3A_132, %get3A_133, %get3A_134] : memref<1x256x15xf32, #tpu.memory_space<vmem>>, vector<1x256x1xf32>
    %get3A_136 = vector.shape_cast %get3A_135 : vector<1x256x1xf32> to vector<256xf32>
    %reshape3A_137 = vector.shape_cast %get3A_136 : vector<256xf32> to vector<256x1xf32>
    %mul3A_138 = arith.mulf %reshape3A, %reshape3A_125 : vector<256x1xf32>
    %mul3A_139 = arith.mulf %reshape3A_9, %reshape3A_131 : vector<256x1xf32>
    %add3A_140 = arith.addf %mul3A_138, %mul3A_139 : vector<256x1xf32>
    %mul3A_141 = arith.mulf %reshape3A_15, %reshape3A_137 : vector<256x1xf32>
    %add3A_142 = arith.addf %add3A_140, %mul3A_141 : vector<256x1xf32>
    %add3A_143 = arith.constant 1.000000e+00 : f32
    %add3A_144 = vector.broadcast %add3A_143 : f32 to vector<256x1xf32>
    %add3A_145 = arith.addf %add3A_142, %add3A_144 : vector<256x1xf32>
    %mul3A_146 = arith.constant 1.000000e+01 : f32
    %mul3A_147 = vector.broadcast %mul3A_146 : f32 to vector<256x1xf32>
    %mul3A_148 = arith.mulf %mul3A_147, %add3A_145 : vector<256x1xf32>
    %div3A_149 = arith.constant 2.000000e+00 : f32
    %div3A_150 = vector.broadcast %div3A_149 : f32 to vector<256x1xf32>
    %div3A_151 = arith.divf %mul3A_148, %div3A_150 : vector<256x1xf32>
    %floor3A_152 = math.floor %div3A_151 : vector<256x1xf32>
    %jit3A_153 = arith.constant 0.000000e+00 : f32
    %jit3A_154 = arith.constant 9.000000e+00 : f32
    %max3A_155 = vector.broadcast %jit3A_153 : f32 to vector<256x1xf32>
    %max3A_156 = arith.maximumf %max3A_155, %floor3A_152 : vector<256x1xf32>
    %min3A_157 = vector.broadcast %jit3A_154 : f32 to vector<256x1xf32>
    %min3A_158 = arith.minimumf %min3A_157, %max3A_156 : vector<256x1xf32>
    %get3A_159 = arith.constant 0 : index
    %get3A_160 = arith.constant 0 : index
    %get3A_161 = arith.constant 2 : index
    %get3A_162 = vector.load %arg4[%get3A_159, %get3A_160, %get3A_161] : memref<1x256x5xi32, #tpu.memory_space<vmem>>, vector<1x256x1xi32>
    %get3A_163 = vector.shape_cast %get3A_162 : vector<1x256x1xi32> to vector<256xi32>
    %reshape3A_164 = vector.shape_cast %get3A_163 : vector<256xi32> to vector<256x1xi32>
    %convert_element_type3A_165 = arith.sitofp %reshape3A_164 : vector<256x1xi32> to vector<256x1xf32>
    %mul3A_166 = arith.constant 1.000000e+01 : f32
    %mul3A_167 = vector.broadcast %mul3A_166 : f32 to vector<256x1xf32>
    %mul3A_168 = arith.mulf %convert_element_type3A_165, %mul3A_167 : vector<256x1xf32>
    %add3A_169 = arith.addf %mul3A_168, %min3A_158 : vector<256x1xf32>
    %convert_element_type3A_170 = arith.fptosi %add3A_169 : vector<256x1xf32> to vector<256x1xi32>
    %eq3A_171 = vector.broadcast %convert_element_type3A_170 : vector<256x1xi32> to vector<256x80xi32>
    %eq3A_172 = arith.cmpi eq, %iota3A, %eq3A_171 : vector<256x80xi32>
    %convert_element_type3A_173 = arith.extui %eq3A_172 : vector<256x80xi1> to vector<256x80xi32>
    %convert_element_type3A_174 = arith.sitofp %convert_element_type3A_173 : vector<256x80xi32> to vector<256x80xf32>
    %add3A_175 = arith.addf %add3A_119, %convert_element_type3A_174 : vector<256x80xf32>
    %get3A_176 = arith.constant 0 : index
    %get3A_177 = arith.constant 0 : index
    %get3A_178 = arith.constant 9 : index
    %get3A_179 = vector.load %arg3[%get3A_176, %get3A_177, %get3A_178] : memref<1x256x15xf32, #tpu.memory_space<vmem>>, vector<1x256x1xf32>
    %get3A_180 = vector.shape_cast %get3A_179 : vector<1x256x1xf32> to vector<256xf32>
    %reshape3A_181 = vector.shape_cast %get3A_180 : vector<256xf32> to vector<256x1xf32>
    %get3A_182 = arith.constant 0 : index
    %get3A_183 = arith.constant 0 : index
    %get3A_184 = arith.constant 10 : index
    %get3A_185 = vector.load %arg3[%get3A_182, %get3A_183, %get3A_184] : memref<1x256x15xf32, #tpu.memory_space<vmem>>, vector<1x256x1xf32>
    %get3A_186 = vector.shape_cast %get3A_185 : vector<1x256x1xf32> to vector<256xf32>
    %reshape3A_187 = vector.shape_cast %get3A_186 : vector<256xf32> to vector<256x1xf32>
    %get3A_188 = arith.constant 0 : index
    %get3A_189 = arith.constant 0 : index
    %get3A_190 = arith.constant 11 : index
    %get3A_191 = vector.load %arg3[%get3A_188, %get3A_189, %get3A_190] : memref<1x256x15xf32, #tpu.memory_space<vmem>>, vector<1x256x1xf32>
    %get3A_192 = vector.shape_cast %get3A_191 : vector<1x256x1xf32> to vector<256xf32>
    %reshape3A_193 = vector.shape_cast %get3A_192 : vector<256xf32> to vector<256x1xf32>
    %mul3A_194 = arith.mulf %reshape3A, %reshape3A_181 : vector<256x1xf32>
    %mul3A_195 = arith.mulf %reshape3A_9, %reshape3A_187 : vector<256x1xf32>
    %add3A_196 = arith.addf %mul3A_194, %mul3A_195 : vector<256x1xf32>
    %mul3A_197 = arith.mulf %reshape3A_15, %reshape3A_193 : vector<256x1xf32>
    %add3A_198 = arith.addf %add3A_196, %mul3A_197 : vector<256x1xf32>
    %add3A_199 = arith.constant 1.000000e+00 : f32
    %add3A_200 = vector.broadcast %add3A_199 : f32 to vector<256x1xf32>
    %add3A_201 = arith.addf %add3A_198, %add3A_200 : vector<256x1xf32>
    %mul3A_202 = arith.constant 1.000000e+01 : f32
    %mul3A_203 = vector.broadcast %mul3A_202 : f32 to vector<256x1xf32>
    %mul3A_204 = arith.mulf %mul3A_203, %add3A_201 : vector<256x1xf32>
    %div3A_205 = arith.constant 2.000000e+00 : f32
    %div3A_206 = vector.broadcast %div3A_205 : f32 to vector<256x1xf32>
    %div3A_207 = arith.divf %mul3A_204, %div3A_206 : vector<256x1xf32>
    %floor3A_208 = math.floor %div3A_207 : vector<256x1xf32>
    %jit3A_209 = arith.constant 0.000000e+00 : f32
    %jit3A_210 = arith.constant 9.000000e+00 : f32
    %max3A_211 = vector.broadcast %jit3A_209 : f32 to vector<256x1xf32>
    %max3A_212 = arith.maximumf %max3A_211, %floor3A_208 : vector<256x1xf32>
    %min3A_213 = vector.broadcast %jit3A_210 : f32 to vector<256x1xf32>
    %min3A_214 = arith.minimumf %min3A_213, %max3A_212 : vector<256x1xf32>
    %get3A_215 = arith.constant 0 : index
    %get3A_216 = arith.constant 0 : index
    %get3A_217 = arith.constant 3 : index
    %get3A_218 = vector.load %arg4[%get3A_215, %get3A_216, %get3A_217] : memref<1x256x5xi32, #tpu.memory_space<vmem>>, vector<1x256x1xi32>
    %get3A_219 = vector.shape_cast %get3A_218 : vector<1x256x1xi32> to vector<256xi32>
    %reshape3A_220 = vector.shape_cast %get3A_219 : vector<256xi32> to vector<256x1xi32>
    %convert_element_type3A_221 = arith.sitofp %reshape3A_220 : vector<256x1xi32> to vector<256x1xf32>
    %mul3A_222 = arith.constant 1.000000e+01 : f32
    %mul3A_223 = vector.broadcast %mul3A_222 : f32 to vector<256x1xf32>
    %mul3A_224 = arith.mulf %convert_element_type3A_221, %mul3A_223 : vector<256x1xf32>
    %add3A_225 = arith.addf %mul3A_224, %min3A_214 : vector<256x1xf32>
    %convert_element_type3A_226 = arith.fptosi %add3A_225 : vector<256x1xf32> to vector<256x1xi32>
    %eq3A_227 = vector.broadcast %convert_element_type3A_226 : vector<256x1xi32> to vector<256x80xi32>
    %eq3A_228 = arith.cmpi eq, %iota3A, %eq3A_227 : vector<256x80xi32>
    %convert_element_type3A_229 = arith.extui %eq3A_228 : vector<256x80xi1> to vector<256x80xi32>
    %convert_element_type3A_230 = arith.sitofp %convert_element_type3A_229 : vector<256x80xi32> to vector<256x80xf32>
    %add3A_231 = arith.addf %add3A_175, %convert_element_type3A_230 : vector<256x80xf32>
    %get3A_232 = arith.constant 0 : index
    %get3A_233 = arith.constant 0 : index
    %get3A_234 = arith.constant 12 : index
    %get3A_235 = vector.load %arg3[%get3A_232, %get3A_233, %get3A_234] : memref<1x256x15xf32, #tpu.memory_space<vmem>>, vector<1x256x1xf32>
    %get3A_236 = vector.shape_cast %get3A_235 : vector<1x256x1xf32> to vector<256xf32>
    %reshape3A_237 = vector.shape_cast %get3A_236 : vector<256xf32> to vector<256x1xf32>
    %get3A_238 = arith.constant 0 : index
    %get3A_239 = arith.constant 0 : index
    %get3A_240 = arith.constant 13 : index
    %get3A_241 = vector.load %arg3[%get3A_238, %get3A_239, %get3A_240] : memref<1x256x15xf32, #tpu.memory_space<vmem>>, vector<1x256x1xf32>
    %get3A_242 = vector.shape_cast %get3A_241 : vector<1x256x1xf32> to vector<256xf32>
    %reshape3A_243 = vector.shape_cast %get3A_242 : vector<256xf32> to vector<256x1xf32>
    %get3A_244 = arith.constant 0 : index
    %get3A_245 = arith.constant 0 : index
    %get3A_246 = arith.constant 14 : index
    %get3A_247 = vector.load %arg3[%get3A_244, %get3A_245, %get3A_246] : memref<1x256x15xf32, #tpu.memory_space<vmem>>, vector<1x256x1xf32>
    %get3A_248 = vector.shape_cast %get3A_247 : vector<1x256x1xf32> to vector<256xf32>
    %reshape3A_249 = vector.shape_cast %get3A_248 : vector<256xf32> to vector<256x1xf32>
    %mul3A_250 = arith.mulf %reshape3A, %reshape3A_237 : vector<256x1xf32>
    %mul3A_251 = arith.mulf %reshape3A_9, %reshape3A_243 : vector<256x1xf32>
    %add3A_252 = arith.addf %mul3A_250, %mul3A_251 : vector<256x1xf32>
    %mul3A_253 = arith.mulf %reshape3A_15, %reshape3A_249 : vector<256x1xf32>
    %add3A_254 = arith.addf %add3A_252, %mul3A_253 : vector<256x1xf32>
    %add3A_255 = arith.constant 1.000000e+00 : f32
    %add3A_256 = vector.broadcast %add3A_255 : f32 to vector<256x1xf32>
    %add3A_257 = arith.addf %add3A_254, %add3A_256 : vector<256x1xf32>
    %mul3A_258 = arith.constant 1.000000e+01 : f32
    %mul3A_259 = vector.broadcast %mul3A_258 : f32 to vector<256x1xf32>
    %mul3A_260 = arith.mulf %mul3A_259, %add3A_257 : vector<256x1xf32>
    %div3A_261 = arith.constant 2.000000e+00 : f32
    %div3A_262 = vector.broadcast %div3A_261 : f32 to vector<256x1xf32>
    %div3A_263 = arith.divf %mul3A_260, %div3A_262 : vector<256x1xf32>
    %floor3A_264 = math.floor %div3A_263 : vector<256x1xf32>
    %jit3A_265 = arith.constant 0.000000e+00 : f32
    %jit3A_266 = arith.constant 9.000000e+00 : f32
    %max3A_267 = vector.broadcast %jit3A_265 : f32 to vector<256x1xf32>
    %max3A_268 = arith.maximumf %max3A_267, %floor3A_264 : vector<256x1xf32>
    %min3A_269 = vector.broadcast %jit3A_266 : f32 to vector<256x1xf32>
    %min3A_270 = arith.minimumf %min3A_269, %max3A_268 : vector<256x1xf32>
    %get3A_271 = arith.constant 0 : index
    %get3A_272 = arith.constant 0 : index
    %get3A_273 = arith.constant 4 : index
    %get3A_274 = vector.load %arg4[%get3A_271, %get3A_272, %get3A_273] : memref<1x256x5xi32, #tpu.memory_space<vmem>>, vector<1x256x1xi32>
    %get3A_275 = vector.shape_cast %get3A_274 : vector<1x256x1xi32> to vector<256xi32>
    %reshape3A_276 = vector.shape_cast %get3A_275 : vector<256xi32> to vector<256x1xi32>
    %convert_element_type3A_277 = arith.sitofp %reshape3A_276 : vector<256x1xi32> to vector<256x1xf32>
    %mul3A_278 = arith.constant 1.000000e+01 : f32
    %mul3A_279 = vector.broadcast %mul3A_278 : f32 to vector<256x1xf32>
    %mul3A_280 = arith.mulf %convert_element_type3A_277, %mul3A_279 : vector<256x1xf32>
    %add3A_281 = arith.addf %mul3A_280, %min3A_270 : vector<256x1xf32>
    %convert_element_type3A_282 = arith.fptosi %add3A_281 : vector<256x1xf32> to vector<256x1xi32>
    %eq3A_283 = vector.broadcast %convert_element_type3A_282 : vector<256x1xi32> to vector<256x80xi32>
    %eq3A_284 = arith.cmpi eq, %iota3A, %eq3A_283 : vector<256x80xi32>
    %convert_element_type3A_285 = arith.extui %eq3A_284 : vector<256x80xi1> to vector<256x80xi32>
    %convert_element_type3A_286 = arith.sitofp %convert_element_type3A_285 : vector<256x80xi32> to vector<256x80xf32>
    %add3A_287 = arith.addf %add3A_231, %convert_element_type3A_286 : vector<256x80xf32>
    %swap3A = arith.constant 0 : index
    %swap3A_288 = arith.constant 0 : index
    %swap3A_289 = arith.constant 0 : index
    %swap3A_290 = vector.load %arg5[%swap3A, %swap3A_288, %swap3A_289] : memref<1x256x80xf32, #tpu.memory_space<vmem>>, vector<1x256x80xf32>
    %swap3A_291 = vector.shape_cast %swap3A_290 : vector<1x256x80xf32> to vector<256x80xf32>
    %swap3A_292 = vector.shape_cast %add3A_287 : vector<256x80xf32> to vector<1x256x80xf32>
    tpu.vector_store %arg5[%swap3A, %swap3A_288, %swap3A_289], %swap3A_292 {strides = array<i32>} : memref<1x256x80xf32, #tpu.memory_space<vmem>>, vector<1x256x80xf32>,
    return
  }
  func.func @transform_0(%arg0: i32, %arg1: i32) -> (i32, i32, i32) {
    %c0_i32 = arith.constant 0 : i32
    %c0_i32_0 = arith.constant 0 : i32
    return %arg0, %arg1, %c0_i32 : i32, i32, i32
  }
  func.func @transform_1(%arg0: i32, %arg1: i32) -> (i32, i32, i32) {
    %c0_i32 = arith.constant 0 : i32
    %c0_i32_0 = arith.constant 0 : i32
    return %arg0, %arg1, %c0_i32 : i32, i32, i32
  }
  func.func @transform_2(%arg0: i32, %arg1: i32) -> (i32, i32, i32) {
    %c0_i32 = arith.constant 0 : i32
    %c0_i32_0 = arith.constant 0 : i32
    return %arg0, %arg1, %c0_i32 : i32, i32, i32
  }
  func.func @transform_3(%arg0: i32, %arg1: i32) -> (i32, i32, i32) {
    %c0_i32 = arith.constant 0 : i32
    %c0_i32_0 = arith.constant 0 : i32
    return %arg0, %arg1, %c0_i32 : i32, i32, i32
  }
}

</mosaic_0001>

<sc_bundles>
// kernel: kernel.6.cloned.1.call-start
scs
__scs_entry_jumppad:
0x0: {  	(pc) =	sbr.rel $0x88, $3  }
0x1: {  	(tag) =	ssettag $0x0;
	lr =	simm.s32 $0x1  }
0x2: {  	[smem:$0x3FA0] =	sst lr;
	_ =	strace $0xD0000000  }
0x3: {  	_ = 	snop  }
0x4: {  	_ = 	snop  }
0x5: {  	_ = 	snop  }
0x6: {  	_ = 	snop  }
0x7: {  	_ = 	snop  }
__scs_overlays_trampoline_lowered:
0x8: {  	[smem:$0x3FAF] =	sst s0  }
0x9: {  	[smem:$0x3FB0] =	sst s1  }
0xa: {  	[smem:$0x3FB1] =	sst s2  }
0xb: {  	[smem:$0x3FB2] =	sst s3  }
0xc: {  	[smem:$0x3FB3] =	sst s4  }
0xd: {  	[smem:$0x3FB4] =	sst s5  }
0xe: {  	[smem:$0x3FB5] =	sst s6  }
0xf: {  	[smem:$0x3FB6] =	sst s7  }
0x10: {  	[smem:$0x3FB7] =	sst s8  }
0x11: {  	[smem:$0x3FB8] =	sst s9;
	s0 =	simm.s32 @!p0 $0x0  }
0x12: {  	s1 =	sld [smem:$0x3F9E];
	s0 =	simm.s32 @p0 $0x1  }
0x13: {  	[smem:$0x3FB9] =	sst s0;
	s0 =	simm.s32 @!p1 $0x0  }
0x14: {  	s2 =	sld [smem:$0x3F9D];
	s0 =	simm.s32 @p1 $0x1  }
0x15: {  	[smem:$0x3FBA] =	sst s0;
	s0 =	simm.s32 @!p2 $0x0  }
0x16: {  	s3 =	sld [smem:$0x3FDB];
	s0 =	simm.s32 @p2 $0x1  }
0x17: {  	s4 =	simm.s32 $0x1BF5;
	[smem:$0x3FBC] =	sst s0  }
0x18: {  	s0 =	sld [smem:$0x3F9F];
	_ =	swait.ge [sflag:s4], $0x0  }
0x19: {  	s7 =	sld [smem:$0x3FA0]  }
0x1a: {  	s8 =	sadd.s32 $0xFFFFE003, lr  }
0x1b: {  	s9 =	sadd.s32 $0xFFFFFEF7, lr;
	s5 =	simm.s32 $0xFFFFFFFF;
	p2 =	slt.u32 s8, $0xFFFFF086  }
0x1c: {  	p1 =	slt.u32 s9, $0xF7A;
	s5 =	simm.s32 @!p2 $0x0  }
0x1d: {  	s5 =	simm.s32 @p1 $0x1;
	p0 =	seq.s32 s7, s2  }
0x1e: {  	s7 =	smul.u32 @!p0 $0xF7A, s2;
	p2 =	seq.s32 @!p0 s5, $0x0  }
0x1f: {  	s9 =	smul.u32 $0xF7A, s1;
	s8 =	simm.s32 @!p0 $0x1BF5;
	p2 =	por !p2, p0  }
0x20: {  	[sflag:s8] =	ssyncset.s32 @!p0 $0xFFFFF086;
	s6 =	sadd.s32 @!p0 s3, s7;
	s7 =	simm.s32 @!p0 $0x108  }
0x21: {  	s3 =	sadd.s32 s3, s9;
	s6 =	sadd.s32 @!p0 $0x88, s6;
	s7 =	simm.s32 @p2 $0x1082  }
0x22: {  	[simem:s7], [sflag:s8] =	dma.local @!p0 [hbm:s6], $0xF7A  }
0x23: {  	s9 =	sor.u32 $0xD0000000, s2;
	s6 =	simm.s32 $0x108;
	_ =	swait.ge @!p0 [sflag:s8], $0x0  }
0x24: {  	s3 =	sadd.s32 $0x88, s3;
	s6 =	simm.s32 @!p1 $0x1082;
	[sflag:s4] =	ssyncset.s32 $0xFFFFF086  }
0x25: {  	[simem:s6], [sflag:s4] =	dma.local [hbm:s3], $0xF7A  }
0x26: {  	[smem:$0x3FA0] =	sst s1;
	(tag) =	ssettag s2;
	_ =	strace s9  }
0x27: {  	s1 =	sld [smem:$0x3FB0]  }
0x28: {  	s2 =	sld [smem:$0x3FB1]  }
0x29: {  	s4 =	sld [smem:$0x3FB3]  }
0x2a: {  	p0 =	seq.s32 s5, $0x0;
	s5 =	sld [smem:$0x3FB4]  }
0x2b: {  	s6 =	sld [smem:$0x3FB5]  }
0x2c: {  	s7 =	sld [smem:$0x3FB6]  }
0x2d: {  	s3 =	simm.s32 $0x108;
	s8 =	sld [smem:$0x3FB7]  }
0x2e: {  	s3 =	simm.s32 @!p0 $0x1082;
	s9 =	sld [smem:$0x3FB8]  }
0x2f: {  	lr =	sadd.s32 s0, s3;
	s0 =	sld [smem:$0x3FAF]  }
0x30: {  	s3 =	sld [smem:$0x3FB2]  }
0x31: {  	[smem:$0x3FBB] =	sst s10  }
0x32: {  	s10 =	sld [smem:$0x3FB9];
	_ =	sdelay $0x3  }
0x33: {  	p0 =	seq.s32 s10, $0x1;
	s10 =	sld [smem:$0x3FBB];
	_ =	sdelay $0x3  }
0x34: {  	[smem:$0x3FBB] =	sst s10  }
0x35: {  	s10 =	sld [smem:$0x3FBA];
	_ =	sdelay $0x3  }
0x36: {  	p1 =	seq.s32 s10, $0x1;
	s10 =	sld [smem:$0x3FBB];
	_ =	sdelay $0x3  }
0x37: {  	[smem:$0x3FBB] =	sst s10  }
0x38: {  	s10 =	sld [smem:$0x3FBC]  }
0x39: {  	_ = 	snop;
	(pc) =	sbr.ind lr, $3  }
0x3a: {  	_ = 	snop  }
0x3b: {  	_ = 	snop  }
0x3c: {  	p2 =	seq.s32 s10, $0x1;
	s10 =	sld [smem:$0x3FBB]  }
0x3d: {  	_ =	shalt  }
0x3e: {  	_ =	shalt  }
0x3f: {  	_ =	shalt  }
0x40: {  	_ =	shalt  }
0x41: {  	_ =	shalt  }
0x42: {  	_ =	shalt  }
0x43: {  	_ =	shalt  }
0x44: {  	_ =	shalt  }
0x45: {  	_ =	shalt  }
0x46: {  	_ =	shalt  }
0x47: {  	_ =	shalt  }
0x48: {  	_ =	shalt  }
0x49: {  	_ =	shalt  }
0x4a: {  	_ =	shalt  }
0x4b: {  	_ =	shalt  }
0x4c: {  	_ =	shalt  }
0x4d: {  	_ =	shalt  }
0x4e: {  	_ =	shalt  }
0x4f: {  	_ =	shalt  }
0x50: {  	_ =	shalt  }
0x51: {  	_ =	shalt  }
0x52: {  	_ =	shalt  }
0x53: {  	_ =	shalt  }
0x54: {  	_ =	shalt  }
0x55: {  	_ =	shalt  }
0x56: {  	_ =	shalt  }
0x57: {  	_ =	shalt  }
0x58: {  	_ =	shalt  }
0x59: {  	_ =	shalt  }
0x5a: {  	_ =	shalt  }
0x5b: {  	_ =	shalt  }
0x5c: {  	_ =	shalt  }
0x5d: {  	_ =	shalt  }
0x5e: {  	_ =	shalt  }
0x5f: {  	_ =	shalt  }
0x60: {  	_ =	shalt  }
0x61: {  	_ =	shalt  }
0x62: {  	_ =	shalt  }
0x63: {  	_ =	shalt  }
0x64: {  	_ =	shalt  }
0x65: {  	_ =	shalt  }
0x66: {  	_ =	shalt  }
0x67: {  	_ =	shalt  }
0x68: {  	_ =	shalt  }
0x69: {  	_ =	shalt  }
0x6a: {  	_ =	shalt  }
0x6b: {  	_ =	shalt  }
0x6c: {  	_ =	shalt  }
0x6d: {  	_ =	shalt  }
0x6e: {  	_ =	shalt  }
0x6f: {  	_ =	shalt  }
0x70: {  	_ =	shalt  }
0x71: {  	_ =	shalt  }
0x72: {  	_ =	shalt  }
0x73: {  	_ =	shalt  }
0x74: {  	_ =	shalt  }
0x75: {  	_ =	shalt  }
0x76: {  	_ =	shalt  }
0x77: {  	_ =	shalt  }
0x78: {  	_ =	shalt  }
0x79: {  	_ =	shalt  }
0x7a: {  	_ =	shalt  }
0x7b: {  	_ =	shalt  }
0x7c: {  	_ =	shalt  }
0x7d: {  	_ =	shalt  }
0x7e: {  	_ =	shalt  }
0x7f: {  	_ =	shalt  }
0x80: {  	_ =	shalt  }
0x81: {  	_ =	shalt  }
0x82: {  	_ =	shalt  }
0x83: {  	_ =	shalt  }
0x84: {  	_ =	shalt  }
0x85: {  	_ =	shalt  }
0x86: {  	_ =	shalt  }
0x87: {  	_ =	shalt  }
.Lfunc_end0:
.L_simem_size_0:
called_computation_lowered:
.L_overlay_start_0:
0x88: {  	s2 =	sld [smem:$0x3FD9]  }
0x89: {  	s3 =	sld [smem:$0x3FFE];
	_ =	sdelay $0x1  }
0x8a: {  	s1 =	srdreg.scid  }
0x8b: {  	s0 =	sand.u32 $0x1, s1  }
0x8c: {  	s17 =	sshll.u32 s0, $0xA;
	s2 =	sadd.s32 s3, s2  }
0x8d: {  	s2 =	sadd.s32 s2, s17  }
0x8e: {  	[smem:$0x3FC7] =	sst s2  }
0x8f: {  	_ = 	snop  }
0x90: {  	s2 =	sld [smem:$0x3FD0];
	(tm) =	ssettm $0x1  }
0x91: {  	s18 =	sld [smem:$0x3FFB];
	_ =	sdelay $0x3  }
0x92: {  	_ =	strace s18  }
0x93: {  	s3 =	sld [smem:$0x3FFC];
	_ =	sdelay $0x3  }
0x94: {  	_ =	strace s3  }
0x95: {  	s3 =	sld [smem:$0x3FFD];
	_ =	sdelay $0x3  }
0x96: {  	_ =	strace s3  }
0x97: {  	_ =	strace $0x8FFFFFFF  }
0x98: {  	s19 =	sld [smem:$0x3FDB];
	_ =	sdelay $0x1  }
0x99: {  	s4 =	simm.s32 $_scs_section_size  }
0x9a: {  	s5 =	simm.s32 $_size__tile_overlayer_lowered;
	s6 =	simm.s32 $_tile_overlayer_lowered  }
0x9b: {  	s22 =	simm.s32 $0x1BFF;
	s21 =	sshll.u32 s6, $0x1;
	s3 =	sadd.s32 s4, s19  }
0x9c: {  	s7 =	simm.s32 $0x0;
	s20 =	sshll.u32 s5, $0x1;
	s5 =	sadd.s32 s21, s3  }
0x9d: {  	[timem:s7], [sflag:s22] =	dma.local [hbm:s5], s20  }
0x9e: {  	_ =	swait.ge [sflag:s22], s20  }
0x9f: {  	s4 =	ssub.s32 $0x0, s20;
	[sflag:s22] =	ssyncset.done $0x0  }
0xa0: {  	[sflag:s22] =	ssyncadd.s32 s4;
	_ =	sdelay $0x1  }
0xa1: {  	s23 =	simm.s32 $0x1B8B  }
0xa2: {  	_ =	swait.ge [sflag:s23], $0x1  }
0xa3: {  	[sflag:s23] =	ssyncset.done $0x0  }
0xa4: {  	s25 =	simm.s32 $0x1B8E;
	s24 =	sld [smem:$0x3FFE];
	[sflag:s23] =	ssyncadd.s32 $0xFFFFFFFF  }
0xa5: {  	s26 =	simm.s32 $execute0_lowered;
	[smem:$0x3FD2] =	sst s25  }
0xa6: {  	s5 =	sshll.u32 s26, $0x1;
	_ =	strace $0x80000046;
	[dreg:$0x1] =	wrdreg $0xFFFFFFFF  }
0xa7: {  	s28 =	simm.s32 $_size_execute0_lowered;
	s3 =	sadd.s32 s3, s5;
	[dreg:$0x0] =	wrdreg $0x0  }
0xa8: {  	s5 =	sshll.u32 s28, $0x1;
	[dreg:$0x2] =	wrdreg s3  }
0xa9: {  	[dreg:$0x3] =	wrdreg s5  }
0xaa: {  	[dreg:$0x4] =	wrdreg $0xC0  }
0xab: {  	_ =	task [dreg:s7], $0x5FFFF  }
0xac: {  	[dreg:$0x1] =	wrdreg $0xFFFFFFFF  }
0xad: {  	[dreg:$0x0] =	wrdreg $0x60  }
0xae: {  	[dreg:$0x2] =	wrdreg s24  }
0xaf: {  	[dreg:$0x3] =	wrdreg s2  }
0xb0: {  	[dreg:$0x4] =	wrdreg $0x9  }
0xb1: {  	_ =	task.clear_ibuf [dreg:s7], $0x5FFFF;
	_ =	strace $0x90000046  }
0xb2: {  	s29 =	simm.s32 $0x9;
	_ =	strace $0x80000048  }
0xb3: {  	_ =	swait.ge [sflag:s29], $0x1  }
0xb4: {  	[sflag:s29] =	ssyncadd.s32 $0xFFFFFFFF  }
0xb5: {  	_ =	strace $0x90000048  }
0xb6: {  	_ =	sfence  }
0xb7: {  	s30 =	sld [smem:$0x0];
	_ =	sdelay $0x2  }
0xb8: {  	s31 =	sshll.u32 s1, $0xD;
	s1 =	sshrl.u32 s1, $0x2  }
0xb9: {  	s3 =	sand.u32 $0x4000, s31;
	s1 =	sadd.s32 s1, s30  }
0xba: {  	s0 =	sor.u32 s3, s0;
	s1 =	sshll.u32 s1, $0x11  }
0xbb: {  	s0 =	sor.u32 s1, s0  }
0xbc: {  	s0 =	sadd.s32 $0x8F2B, s0  }
0xbd: {  	[sflag:s0] =	ssyncadd.remote.s32 $0x1  }
0xbe: {  	_ =	sfence.sel $0xFFFF  }
0xbf: {  	[dreg:$0x0] =	wrdreg $0xFFFFFFFF;
	(pc) =	sbr.abs _section_cstart, $3  }
0xc0: {  	[dreg:$0x1] =	wrdreg $0xFFFFFFFF  }
0xc1: {  	_ =	task.clear_ibuf [dreg:s7], $0x2FFFF;
	_ =	strace $0x9FFFFFFF  }
0xc2: {  	(tm) =	ssettm $0x7FFFFFFF  }
0xc3: {  	_ =	shalt  }
tec
execute0_lowered:
.L_overlay_start_1:
0x0: {  	(tag) =	ssettag $0x1  }
0x1: {  	s3 =	rddreg [dreg:$0x0]  }
0x2: {  	s0 =	stileid.u32;
	s1 =	srdreg.scid  }
0x3: {  	s6 =	rddreg [dreg:$0x1];
	s2 =	simm.s32 $0x0;
	s12 =	simm.s32 $0x1400  }
0x4: {  	s13 =	simm.s32 $0x2400;
	s14 =	simm.s32 $0x3400;
	s15 =	simm.s32 $0x4400  }
0x5: {  	s16 =	simm.s32 $0x5800;
	s17 =	simm.s32 $0x6C00;
	s18 =	simm.s32 $0x0  }
0x6: {  	s4 =	sand.u32 $0x1, s1;
	s5 =	sshll.u32 s0, $0x1;
	s1 =	rddreg [dreg:$0x2]  }
0x7: {  	[smem:$0x7FF] =	sst s2;
	s7 =	sshll.u32 s0, $0x8;
	s5 =	sor.u32 s4, s5  }
0x8: {  	_ =	strace $0x80000047;
	s4 =	ssub.s32 $0x2, s4;
	s30 =	sand.u32 $0xE00, s7  }
0x9: {  	s5 =	smul.u32 $0x1400, s5;
	s9 =	sshrl.u32 s4, $0x1;
	s10 =	sadd.s32 s30, s3  }
0xa: {  	s11 =	ssub.s32 s4, s9;
	s4 =	sadd.s32 $0xC00, s10;
	s7 =	sadd.s32 $0x2C00, s10  }
0xb: {  	s8 =	sshrl.u32 s5, $0x3;
	s5 =	sadd.s32 $0x1C00, s10;
	s10 =	smax.u32 s11, $0x1  }
0xc: {  	s11 =	simm.s32 $0x1;
	s31 =	sadd.s32 s8, s3;
	s6 =	sadd.s32 s6, s8  }
0xd: {  	s3 =	sadd.s32 $0x3C00, s31;
	s8 =	sadd.s32 $0x5000, s6;
	s9 =	sadd.s32 $0xA000, s6  }
.LBB2_1:
0xe: {  	[tilespmem:s2], [sflag:$0x1] =	stream.linear.gather [hbm4b:s3+s2], $0x1400, $0x38;
	[tilespmem:$0x8000] =	vst v63  }
0xf: {  	_ =	swait.ge [sflag:s11], $0x1400  }
0x10: {  	[sflag:s11] =	ssyncset.done $0x0  }
0x11: {  	[sflag:s11] =	ssyncadd.s32 $0xFFFFEC00  }
0x12: {  	[tilespmem:s12], [sflag:$0x1] =	stream.linear.gather [hbm4b:s4+s2], $0x1000, $0x38;
	[tilespmem:$0x8000] =	vst v63  }
0x13: {  	_ =	swait.ge [sflag:s11], $0x1000  }
0x14: {  	[sflag:s11] =	ssyncset.done $0x0  }
0x15: {  	[sflag:s11] =	ssyncadd.s32 $0xFFFFF000  }
0x16: {  	[tilespmem:s13], [sflag:$0x1] =	stream.linear.gather [hbm4b:s5+s2], $0x1000, $0x38;
	[tilespmem:$0x8000] =	vst v63  }
0x17: {  	_ =	swait.ge [sflag:s11], $0x1000  }
0x18: {  	[sflag:s11] =	ssyncset.done $0x0  }
0x19: {  	[sflag:s11] =	ssyncadd.s32 $0xFFFFF000  }
0x1a: {  	[tilespmem:s14], [sflag:$0x1] =	stream.linear.gather [hbm4b:s7+s2], $0x1000, $0x38;
	[tilespmem:$0x8000] =	vst v63  }
0x1b: {  	_ =	swait.ge [sflag:s11], $0x1000  }
0x1c: {  	[sflag:s11] =	ssyncset.done $0x0  }
0x1d: {  	s19 =	simm.s32 $0x0;
	[sflag:s11] =	ssyncadd.s32 $0xFFFFF000  }
0x1e: {  	v0 =	vld [tilespmem:s19+$0x0];
	_ =	sdelay $0x7  }
0x1f: {  	v1 =	vld.idx.msk [tilespmem:v0+s12+$0x0], $0xffff;
	_ =	sdelay $0x4  }
0x20: {  	[tilespmem:s19+$0x4400] =	vst v1  }
0x21: {  	v1 =	vld.idx.msk [tilespmem:v0+s13+$0x0], $0xffff;
	_ =	sdelay $0x3  }
0x22: {  	s21 =	simm.s32 $0x10;
	s20 =	simm.s32 $0x80  }
.LBB2_2:
0x23: {  	p0 =	sne.s32 s20, $0x4FC0;
	v2 =	vld [tilespmem:s21+$0x0];
	[tilespmem:s19+$0x5800] =	vst v1  }
0x24: {  	v1 =	vld.idx.msk [tilespmem:v0+s14+$0x0], $0xffff;
	_ =	sdelay $0x3  }
0x25: {  	v0 =	vmov v2;
	_ =	sdelay $0x1  }
0x26: {  	[tilespmem:s19+$0x6C00] =	vst v1;
	s19 =	smov.u32 s21  }
0x27: {  	v1 =	vld.idx.msk [tilespmem:v2+s12+$0x0], $0xffff;
	_ =	sdelay $0x5  }
0x28: {  	[tilespmem:s19+$0x4400] =	vst v1  }
0x29: {  	v1 =	vld.idx.msk [tilespmem:v2+s13+$0x0], $0xffff  }
.Ltmp0:
0x2a: {  	(pc) =	sbr.rel @p0 .LBB2_2-.Ltmp0, $2  }
0x2b: {  	_ =	sdelay $0x2  }
0x2c: {  	s21 =	sshra.s32 s20, $0x2;
	s20 =	sadd.s32 $0x40, s20  }
0x2d: {  	_ =	sdelay $0x1  }
0x2e: {  	v2 =	vld [tilespmem:s21+$0x0]  }
0x2f: {  	[tilespmem:s19+$0x5800] =	vst v1  }
0x30: {  	v0 =	vld.idx.msk [tilespmem:v0+s14+$0x0], $0xffff;
	_ =	sdelay $0x4  }
0x31: {  	[tilespmem:s19+$0x6C00] =	vst v0  }
0x32: {  	v0 =	vld.idx.msk [tilespmem:v2+s12+$0x0], $0xffff;
	_ =	sdelay $0x4  }
0x33: {  	[tilespmem:s21+$0x4400] =	vst v0  }
0x34: {  	v0 =	vld.idx.msk [tilespmem:v2+s13+$0x0], $0xffff;
	_ =	sdelay $0x4  }
0x35: {  	[tilespmem:s21+$0x5800] =	vst v0  }
0x36: {  	v0 =	vld.idx.msk [tilespmem:v2+s14+$0x0], $0xffff;
	_ =	sdelay $0x4  }
0x37: {  	[tilespmem:s21+$0x6C00] =	vst v0  }
0x38: {  	[hbm4b:s6+s2] =	stream.linear.scatter [tilespmem:s15], [sflag:$0x1], $0x1400, $0x38;
	[tilespmem:$0x8000] =	vst v63  }
0x39: {  	_ =	swait.ge [sflag:s11], $0x1400  }
0x3a: {  	[sflag:s11] =	ssyncset.done $0x0  }
0x3b: {  	[sflag:s11] =	ssyncadd.s32 $0xFFFFEC00  }
0x3c: {  	[hbm4b:s8+s2] =	stream.linear.scatter [tilespmem:s16], [sflag:$0x1], $0x1400, $0x38;
	[tilespmem:$0x8000] =	vst v63  }
0x3d: {  	s18 =	sadd.s32 $0x1, s18;
	_ =	swait.ge [sflag:s11], $0x1400  }
0x3e: {  	p0 =	sne.s32 s18, s10;
	[sflag:s11] =	ssyncset.done $0x0  }
.Ltmp1:
0x3f: {  	[sflag:s11] =	ssyncadd.s32 $0xFFFFEC00;
	(pc) =	sbr.rel @p0 .LBB2_1-.Ltmp1, $4  }
0x40: {  	[hbm4b:s9+s2] =	stream.linear.scatter [tilespmem:s17], [sflag:$0x1], $0x1400, $0x38;
	[tilespmem:$0x8000] =	vst v63  }
0x41: {  	_ =	swait.ge [sflag:s11], $0x1400  }
0x42: {  	[sflag:s11] =	ssyncset.done $0x0  }
0x43: {  	[sflag:s11] =	ssyncadd.s32 $0xFFFFEC00  }
0x44: {  	_ =	sfence.sel $0x180000  }
0x45: {  	[bflag:$0x0] =	sbarrier.arrive $0xFFFF  }
0x46: {  	p0 =	sne.s32 s0, $0x0;
	_ =	strace $0x90000047  }
0x47: {  	s0 =	sadd.s32 @!p0 $0x100000, s1;
	[bflag:$0x2] =	sbarrier.arrive $0xFFFF  }
0x48: {  	[sflag:s0] =	ssyncadd.tile.s32 @!p0 $0x1;
	_ =	shalt  }
.Lfunc_end2:
_tile_overlayer_lowered:
.L_overlay_start_2:
0x49: {  	(tag) =	ssettag $0x2  }
0x4a: {  	s0 =	rddreg [dreg:$0x0];
	s2 =	stileid.u32  }
0x4b: {  	s1 =	rddreg [dreg:$0x1];
	p0 =	sne.s32 s2, $0x0  }
0x4c: {  	s3 =	rddreg [dreg:$0x2];
	[bflag:$0x3] =	sbarrier.arrive $0xFFFF;
	s2 =	simm.s32 @!p0 $0x1C01  }
0x4d: {  	[timem:s3], [sflag:s2] =	dma.local @!p0 [hbm:s0], s1  }
0x4e: {  	s0 =	simm.s32 @!p0 $0x1  }
0x4f: {  	_ =	swait.ge @!p0 [sflag:s0], s1  }
0x50: {  	s1 =	ssub.s32 @!p0 $0x0, s1;
	[sflag:s0] =	ssyncset.done @!p0 $0x0  }
0x51: {  	[sflag:s0] =	ssyncadd.s32 @!p0 s1  }
0x52: {  	[bflag:$0x3] =	sbarrier.arrive $0xFFFF  }
0x53: {  	_ =	shalt  }

</sc_bundles>
